<compile_context>
chip_gen: v7x
topology: tpu7x:2x2x1
jax: 0.10.2.dev20260603
libtpu: 0.0.44.dev20260713+nightly
codegen_flags: <defaults>
</compile_context>

<pallas_src>
import functools

import jax
import jax.numpy as jnp
from jax import lax
from jax.experimental import pallas as pl
from jax.experimental.pallas import tpu as pltpu
from jax.experimental.pallas import tpu_sc as plsc

_CLASSES = 16
_COLS = 4
_FRAME = 38
_ROWT = 8
_COLT = 128
_ROWS = 48
_LANES = 16


def _block_origin(c, n):
    grid_num, frame_ratio = 512, 0.3
    frame_s = int(grid_num / _COLS * frame_ratio)
    g = grid_num
    row, col = c // _COLS, c % _COLS
    xc = int((n - g) // 2 + (col + 0.5) * (g // _COLS))
    yc = int((n - g) // 2 + (row + 0.5) * (g // _COLS))
    return yc - frame_s // 2, xc - frame_s // 2


def kernel(X):
    B, H, W = X.shape
    n = W
    origins = [_block_origin(c, n) for c in range(_CLASSES)]
    rskew = origins[0][0] % _ROWT
    cskew = origins[0][1] % _COLT
    assert all(y % _ROWT == rskew and x % _COLT == cskew for y, x in origins)
    assert rskew + _FRAME <= _ROWS

    info = plsc.get_sparse_core_info()
    NC, NS = info.num_cores, info.num_subcores
    NW = NC * NS

    mesh = plsc.VectorSubcoreMesh(core_axis_name="c", subcore_axis_name="s")

    @functools.partial(
        pl.kernel,
        out_type=jax.ShapeDtypeStruct((B, _CLASSES), jnp.float32),
        mesh=mesh,
        compiler_params=pltpu.CompilerParams(needs_layout_passes=False),
        scratch_types=[
            pltpu.VMEM((_CLASSES, _ROWS, _COLT), jnp.float32),
            pltpu.VMEM((_LANES,), jnp.float32),
            pltpu.SemaphoreType.DMA((_CLASSES,)),
        ],
    )
    def run(x_hbm, out_hbm, blocks_v, res_v, sems):
        wid = lax.axis_index("s") * NC + lax.axis_index("c")
        lane = lax.iota(jnp.int32, _LANES)

        tail_mask = lane < (_FRAME - 2 * _LANES)

        for b0 in range(0, B, NW):
            b = b0 + wid
            copies = []
            for c in range(_CLASSES):
                y0, x0 = origins[c]
                copies.append(pltpu.make_async_copy(
                    x_hbm.at[b, pl.ds(y0 - rskew, _ROWS),
                             pl.ds(x0 - cskew, _COLT)],
                    blocks_v.at[c],
                    sems.at[c],
                ))
            for cp in copies:
                cp.start()

            res = jnp.zeros((_LANES,), jnp.float32)
            zero = jnp.zeros((_LANES,), jnp.float32)
            for c in range(_CLASSES):
                copies[c].wait()

                def body(i, accs):
                    r = rskew + 2 * i
                    out = []
                    for dr in range(2):
                        for k in range(3):
                            v = blocks_v[c, r + dr,
                                         pl.ds(cskew + k * _LANES, _LANES)]
                            out.append(accs[dr * 3 + k] + v * v)
                    return tuple(out)

                accs = lax.fori_loop(0, _FRAME // 2, body, (zero,) * 6)
                a0 = accs[0] + accs[3]
                a1 = accs[1] + accs[4]
                a2 = jnp.where(tail_mask, accs[2] + accs[5], 0.0)
                s = jnp.sum(a0 + a1 + a2)
                res = jnp.where(lane == c, s, res)
            res_v[...] = res
            pltpu.sync_copy(res_v, out_hbm.at[b])

    return run(X)

# --- scband reference (transcript-rebuilt; emitter-appended) ---
"""Pipeline reference for scband-cmos-69595650064616 (READ-ONLY COPY).

The authoritative reference and input builder live on the scoring server;
editing this copy changes nothing except your own understanding.
"""

import jax, jax.numpy as jnp
import numpy as np

CLASSES = 16
GRID_NUM = 512
FRAME_RATIO = 0.3
LOAD_RESIZE = 1


def _frame_indices(n):
    cols = int(np.ceil(np.sqrt(CLASSES)))
    frame_s = int(GRID_NUM / cols * FRAME_RATIO)
    g = int(GRID_NUM * LOAD_RESIZE)
    fs = int(frame_s * LOAD_RESIZE)
    idxx_list, idyy_list = [], []
    for c in range(CLASSES):
        # sym_place is identity because cols**2 == CLASSES
        i = c
        row, col = i // cols, i % cols
        xc = (n - g) // 2 + (col + 0.5) * (g // cols)
        yc = (n - g) // 2 + (row + 0.5) * (g // cols)
        x = np.arange(int(xc) - fs // 2, int(xc) + (fs + 1) // 2)
        y = np.arange(int(yc) - fs // 2, int(yc) + (fs + 1) // 2)
        idxx_list.append(np.repeat(y, frame_s))
        idyy_list.append(np.tile(x, frame_s))
    return np.concatenate(idxx_list).astype(np.int32), np.concatenate(idyy_list).astype(np.int32)


def setup_inputs(seed: int = 0) -> dict:
    key = jax.random.key(seed)
    X = jax.random.normal(key, (32, 1024, 1024), dtype=jnp.float32)
    return {"X": X}


def reference(X):
    n = X.shape[-1]
    idxx, idyy = _frame_indices(n)
    idxx = jnp.asarray(idxx)
    idyy = jnp.asarray(idyy)
    gathered = X[..., idxx, idyy]  # gather 23104 pixels per image
    sq = jnp.square(jnp.abs(gathered))
    y = sq.reshape(*X.shape[:-2], CLASSES, -1).sum(-1)  # segment-sum per class frame
    return y

if __name__ == "__main__":
    import jax
    _d = setup_inputs()
    print(jax.jit(kernel)(*tuple(_d.values())))

</pallas_src>

<mosaic_0001>
#map = affine_map<(d0, d1) -> (0, 0, 0)>
#map1 = affine_map<(d0, d1) -> (0, 0)>
module attributes {stable_mosaic.version = 14 : i64} {
  func.func @run(%arg0: i32, %arg1: i32, %arg2: memref<32x1024x1024xf32, #tpu.memory_space<hbm>>, %arg3: memref<32x16xf32, #tpu.memory_space<hbm>>, %arg4: memref<16x48x128xf32, #tpu.memory_space<vmem>>, %arg5: memref<16xf32, #tpu.memory_space<vmem>>, %arg6: memref<16x!tpu.dma_semaphore, #tpu.memory_space<semaphore_mem>>) attributes {dimension_semantics = [#tpu.dimension_semantics<core_parallel>, #tpu.dimension_semantics<subcore_parallel>], iteration_bounds = array<i64: 2, 16>, scalar_prefetch = 0 : i64, scratch_operands = 3 : i64, tpu.core_type = #tpu.core_type<sc_vector_subcore>, window_params = [{transform_indices = #map}, {transform_indices = #map1}]} {
    %mul3A = arith.constant 2 : i32
    %mul3A_0 = arith.muli %arg1, %mul3A : i32
    %add3A = arith.addi %mul3A_0, %arg0 : i32
    %iota3A = tpu.iota {dimensions = array<i32: 0>} : vector<16xi32>
    %lt3A = arith.constant 6 : i32
    %lt3A_1 = vector.broadcast %lt3A : i32 to vector<16xi32>
    %lt3A_2 = arith.cmpi slt, %iota3A, %lt3A_1 : vector<16xi32>
    %add3A_3 = arith.constant 0 : i32
    %add3A_4 = arith.addi %add3A_3, %add3A : i32
    %dma_start3A = arith.constant 0 : i32
    %dma_start3A_5 = arith.constant 0 : i32
    %dma_start3A_6 = arith.constant 0 : i32
    %dma_start3A_7 = arith.constant 0 : i32
    %dma_start3A_8 = tpu.memref_slice %arg4[%dma_start3A, %dma_start3A_6, %dma_start3A_7] : memref<16x48x128xf32, #tpu.memory_space<vmem>> -> memref<1x48x128xf32, #tpu.memory_space<vmem>>
    %dma_start3A_9 = tpu.memref_squeeze %dma_start3A_8 : memref<1x48x128xf32, #tpu.memory_space<vmem>> -> memref<48x128xf32, #tpu.memory_space<vmem>>
    %dma_start3A_10 = arith.constant 296 : i32
    %dma_start3A_11 = arith.constant 256 : i32
    %dma_start3A_12 = tpu.memref_slice %arg2[%add3A_4, %dma_start3A_10, %dma_start3A_11] : memref<32x1024x1024xf32, #tpu.memory_space<hbm>> -> memref<1x48x128xf32, #tpu.memory_space<hbm>>
    %dma_start3A_13 = tpu.memref_squeeze %dma_start3A_12 : memref<1x48x128xf32, #tpu.memory_space<hbm>> -> memref<48x128xf32, #tpu.memory_space<hbm>>
    %dma_start3A_14 = tpu.memref_slice %arg6[%dma_start3A_5] : memref<16x!tpu.dma_semaphore, #tpu.memory_space<semaphore_mem>> -> memref<1x!tpu.dma_semaphore, #tpu.memory_space<semaphore_mem>>
    %dma_start3A_15 = tpu.memref_squeeze %dma_start3A_14 : memref<1x!tpu.dma_semaphore, #tpu.memory_space<semaphore_mem>> -> memref<!tpu.dma_semaphore, #tpu.memory_space<semaphore_mem>>
    %dma_start3A_16 = arith.constant 0 : i32
    %dma_start3A_17 = arith.constant 0 : i32
    %dma_start3A_18 = tpu.memref_slice %arg4[%dma_start3A, %dma_start3A_16, %dma_start3A_17] : memref<16x48x128xf32, #tpu.memory_space<vmem>> -> memref<1x48x128xf32, #tpu.memory_space<vmem>>
    %dma_start3A_19 = tpu.memref_squeeze %dma_start3A_18 : memref<1x48x128xf32, #tpu.memory_space<vmem>> -> memref<48x128xf32, #tpu.memory_space<vmem>>
    %dma_start3A_20 = arith.constant 296 : i32
    %dma_start3A_21 = arith.constant 256 : i32
    %dma_start3A_22 = tpu.memref_slice %arg2[%add3A_4, %dma_start3A_20, %dma_start3A_21] : memref<32x1024x1024xf32, #tpu.memory_space<hbm>> -> memref<1x48x128xf32, #tpu.memory_space<hbm>>
    %dma_start3A_23 = tpu.memref_squeeze %dma_start3A_22 : memref<1x48x128xf32, #tpu.memory_space<hbm>> -> memref<48x128xf32, #tpu.memory_space<hbm>>
    tpu.enqueue_dma source(%dma_start3A_23 : memref<48x128xf32, #tpu.memory_space<hbm>>) target(%dma_start3A_19 : memref<48x128xf32, #tpu.memory_space<vmem>>) target_semaphore(%dma_start3A_15 : memref<!tpu.dma_semaphore, #tpu.memory_space<semaphore_mem>>)
    %dma_start3A_24 = arith.constant 1 : i32
    %dma_start3A_25 = arith.constant 1 : i32
    %dma_start3A_26 = arith.constant 0 : i32
    %dma_start3A_27 = arith.constant 0 : i32
    %dma_start3A_28 = tpu.memref_slice %arg4[%dma_start3A_24, %dma_start3A_26, %dma_start3A_27] : memref<16x48x128xf32, #tpu.memory_space<vmem>> -> memref<1x48x128xf32, #tpu.memory_space<vmem>>
    %dma_start3A_29 = tpu.memref_squeeze %dma_start3A_28 : memref<1x48x128xf32, #tpu.memory_space<vmem>> -> memref<48x128xf32, #tpu.memory_space<vmem>>
    %dma_start3A_30 = arith.constant 296 : i32
    %dma_start3A_31 = arith.constant 384 : i32
    %dma_start3A_32 = tpu.memref_slice %arg2[%add3A_4, %dma_start3A_30, %dma_start3A_31] : memref<32x1024x1024xf32, #tpu.memory_space<hbm>> -> memref<1x48x128xf32, #tpu.memory_space<hbm>>
    %dma_start3A_33 = tpu.memref_squeeze %dma_start3A_32 : memref<1x48x128xf32, #tpu.memory_space<hbm>> -> memref<48x128xf32, #tpu.memory_space<hbm>>
    %dma_start3A_34 = tpu.memref_slice %arg6[%dma_start3A_25] : memref<16x!tpu.dma_semaphore, #tpu.memory_space<semaphore_mem>> -> memref<1x!tpu.dma_semaphore, #tpu.memory_space<semaphore_mem>>
    %dma_start3A_35 = tpu.memref_squeeze %dma_start3A_34 : memref<1x!tpu.dma_semaphore, #tpu.memory_space<semaphore_mem>> -> memref<!tpu.dma_semaphore, #tpu.memory_space<semaphore_mem>>
    %dma_start3A_36 = arith.constant 0 : i32
    %dma_start3A_37 = arith.constant 0 : i32
    %dma_start3A_38 = tpu.memref_slice %arg4[%dma_start3A_24, %dma_start3A_36, %dma_start3A_37] : memref<16x48x128xf32, #tpu.memory_space<vmem>> -> memref<1x48x128xf32, #tpu.memory_space<vmem>>
    %dma_start3A_39 = tpu.memref_squeeze %dma_start3A_38 : memref<1x48x128xf32, #tpu.memory_space<vmem>> -> memref<48x128xf32, #tpu.memory_space<vmem>>
    %dma_start3A_40 = arith.constant 296 : i32
    %dma_start3A_41 = arith.constant 384 : i32
    %dma_start3A_42 = tpu.memref_slice %arg2[%add3A_4, %dma_start3A_40, %dma_start3A_41] : memref<32x1024x1024xf32, #tpu.memory_space<hbm>> -> memref<1x48x128xf32, #tpu.memory_space<hbm>>
    %dma_start3A_43 = tpu.memref_squeeze %dma_start3A_42 : memref<1x48x128xf32, #tpu.memory_space<hbm>> -> memref<48x128xf32, #tpu.memory_space<hbm>>
    tpu.enqueue_dma source(%dma_start3A_43 : memref<48x128xf32, #tpu.memory_space<hbm>>) target(%dma_start3A_39 : memref<48x128xf32, #tpu.memory_space<vmem>>) target_semaphore(%dma_start3A_35 : memref<!tpu.dma_semaphore, #tpu.memory_space<semaphore_mem>>)
    %dma_start3A_44 = arith.constant 2 : i32
    %dma_start3A_45 = arith.constant 2 : i32
    %dma_start3A_46 = arith.constant 0 : i32
    %dma_start3A_47 = arith.constant 0 : i32
    %dma_start3A_48 = tpu.memref_slice %arg4[%dma_start3A_44, %dma_start3A_46, %dma_start3A_47] : memref<16x48x128xf32, #tpu.memory_space<vmem>> -> memref<1x48x128xf32, #tpu.memory_space<vmem>>
    %dma_start3A_49 = tpu.memref_squeeze %dma_start3A_48 : memref<1x48x128xf32, #tpu.memory_space<vmem>> -> memref<48x128xf32, #tpu.memory_space<vmem>>
    %dma_start3A_50 = arith.constant 296 : i32
    %dma_start3A_51 = arith.constant 512 : i32
    %dma_start3A_52 = tpu.memref_slice %arg2[%add3A_4, %dma_start3A_50, %dma_start3A_51] : memref<32x1024x1024xf32, #tpu.memory_space<hbm>> -> memref<1x48x128xf32, #tpu.memory_space<hbm>>
    %dma_start3A_53 = tpu.memref_squeeze %dma_start3A_52 : memref<1x48x128xf32, #tpu.memory_space<hbm>> -> memref<48x128xf32, #tpu.memory_space<hbm>>
    %dma_start3A_54 = tpu.memref_slice %arg6[%dma_start3A_45] : memref<16x!tpu.dma_semaphore, #tpu.memory_space<semaphore_mem>> -> memref<1x!tpu.dma_semaphore, #tpu.memory_space<semaphore_mem>>
    %dma_start3A_55 = tpu.memref_squeeze %dma_start3A_54 : memref<1x!tpu.dma_semaphore, #tpu.memory_space<semaphore_mem>> -> memref<!tpu.dma_semaphore, #tpu.memory_space<semaphore_mem>>
    %dma_start3A_56 = arith.constant 0 : i32
    %dma_start3A_57 = arith.constant 0 : i32
    %dma_start3A_58 = tpu.memref_slice %arg4[%dma_start3A_44, %dma_start3A_56, %dma_start3A_57] : memref<16x48x128xf32, #tpu.memory_space<vmem>> -> memref<1x48x128xf32, #tpu.memory_space<vmem>>
    %dma_start3A_59 = tpu.memref_squeeze %dma_start3A_58 : memref<1x48x128xf32, #tpu.memory_space<vmem>> -> memref<48x128xf32, #tpu.memory_space<vmem>>
    %dma_start3A_60 = arith.constant 296 : i32
    %dma_start3A_61 = arith.constant 512 : i32
    %dma_start3A_62 = tpu.memref_slice %arg2[%add3A_4, %dma_start3A_60, %dma_start3A_61] : memref<32x1024x1024xf32, #tpu.memory_space<hbm>> -> memref<1x48x128xf32, #tpu.memory_space<hbm>>
    %dma_start3A_63 = tpu.memref_squeeze %dma_start3A_62 : memref<1x48x128xf32, #tpu.memory_space<hbm>> -> memref<48x128xf32, #tpu.memory_space<hbm>>
    tpu.enqueue_dma source(%dma_start3A_63 : memref<48x128xf32, #tpu.memory_space<hbm>>) target(%dma_start3A_59 : memref<48x128xf32, #tpu.memory_space<vmem>>) target_semaphore(%dma_start3A_55 : memref<!tpu.dma_semaphore, #tpu.memory_space<semaphore_mem>>)
    %dma_start3A_64 = arith.constant 3 : i32
    %dma_start3A_65 = arith.constant 3 : i32
    %dma_start3A_66 = arith.constant 0 : i32
    %dma_start3A_67 = arith.constant 0 : i32
    %dma_start3A_68 = tpu.memref_slice %arg4[%dma_start3A_64, %dma_start3A_66, %dma_start3A_67] : memref<16x48x128xf32, #tpu.memory_space<vmem>> -> memref<1x48x128xf32, #tpu.memory_space<vmem>>
    %dma_start3A_69 = tpu.memref_squeeze %dma_start3A_68 : memref<1x48x128xf32, #tpu.memory_space<vmem>> -> memref<48x128xf32, #tpu.memory_space<vmem>>
    %dma_start3A_70 = arith.constant 296 : i32
    %dma_start3A_71 = arith.constant 640 : i32
    %dma_start3A_72 = tpu.memref_slice %arg2[%add3A_4, %dma_start3A_70, %dma_start3A_71] : memref<32x1024x1024xf32, #tpu.memory_space<hbm>> -> memref<1x48x128xf32, #tpu.memory_space<hbm>>
    %dma_start3A_73 = tpu.memref_squeeze %dma_start3A_72 : memref<1x48x128xf32, #tpu.memory_space<hbm>> -> memref<48x128xf32, #tpu.memory_space<hbm>>
    %dma_start3A_74 = tpu.memref_slice %arg6[%dma_start3A_65] : memref<16x!tpu.dma_semaphore, #tpu.memory_space<semaphore_mem>> -> memref<1x!tpu.dma_semaphore, #tpu.memory_space<semaphore_mem>>
    %dma_start3A_75 = tpu.memref_squeeze %dma_start3A_74 : memref<1x!tpu.dma_semaphore, #tpu.memory_space<semaphore_mem>> -> memref<!tpu.dma_semaphore, #tpu.memory_space<semaphore_mem>>
    %dma_start3A_76 = arith.constant 0 : i32
    %dma_start3A_77 = arith.constant 0 : i32
    %dma_start3A_78 = tpu.memref_slice %arg4[%dma_start3A_64, %dma_start3A_76, %dma_start3A_77] : memref<16x48x128xf32, #tpu.memory_space<vmem>> -> memref<1x48x128xf32, #tpu.memory_space<vmem>>
    %dma_start3A_79 = tpu.memref_squeeze %dma_start3A_78 : memref<1x48x128xf32, #tpu.memory_space<vmem>> -> memref<48x128xf32, #tpu.memory_space<vmem>>
    %dma_start3A_80 = arith.constant 296 : i32
    %dma_start3A_81 = arith.constant 640 : i32
    %dma_start3A_82 = tpu.memref_slice %arg2[%add3A_4, %dma_start3A_80, %dma_start3A_81] : memref<32x1024x1024xf32, #tpu.memory_space<hbm>> -> memref<1x48x128xf32, #tpu.memory_space<hbm>>
    %dma_start3A_83 = tpu.memref_squeeze %dma_start3A_82 : memref<1x48x128xf32, #tpu.memory_space<hbm>> -> memref<48x128xf32, #tpu.memory_space<hbm>>
    tpu.enqueue_dma source(%dma_start3A_83 : memref<48x128xf32, #tpu.memory_space<hbm>>) target(%dma_start3A_79 : memref<48x128xf32, #tpu.memory_space<vmem>>) target_semaphore(%dma_start3A_75 : memref<!tpu.dma_semaphore, #tpu.memory_space<semaphore_mem>>)
    %dma_start3A_84 = arith.constant 4 : i32
    %dma_start3A_85 = arith.constant 4 : i32
    %dma_start3A_86 = arith.constant 0 : i32
    %dma_start3A_87 = arith.constant 0 : i32
    %dma_start3A_88 = tpu.memref_slice %arg4[%dma_start3A_84, %dma_start3A_86, %dma_start3A_87] : memref<16x48x128xf32, #tpu.memory_space<vmem>> -> memref<1x48x128xf32, #tpu.memory_space<vmem>>
    %dma_start3A_89 = tpu.memref_squeeze %dma_start3A_88 : memref<1x48x128xf32, #tpu.memory_space<vmem>> -> memref<48x128xf32, #tpu.memory_space<vmem>>
    %dma_start3A_90 = arith.constant 424 : i32
    %dma_start3A_91 = arith.constant 256 : i32
    %dma_start3A_92 = tpu.memref_slice %arg2[%add3A_4, %dma_start3A_90, %dma_start3A_91] : memref<32x1024x1024xf32, #tpu.memory_space<hbm>> -> memref<1x48x128xf32, #tpu.memory_space<hbm>>
    %dma_start3A_93 = tpu.memref_squeeze %dma_start3A_92 : memref<1x48x128xf32, #tpu.memory_space<hbm>> -> memref<48x128xf32, #tpu.memory_space<hbm>>
    %dma_start3A_94 = tpu.memref_slice %arg6[%dma_start3A_85] : memref<16x!tpu.dma_semaphore, #tpu.memory_space<semaphore_mem>> -> memref<1x!tpu.dma_semaphore, #tpu.memory_space<semaphore_mem>>
    %dma_start3A_95 = tpu.memref_squeeze %dma_start3A_94 : memref<1x!tpu.dma_semaphore, #tpu.memory_space<semaphore_mem>> -> memref<!tpu.dma_semaphore, #tpu.memory_space<semaphore_mem>>
    %dma_start3A_96 = arith.constant 0 : i32
    %dma_start3A_97 = arith.constant 0 : i32
    %dma_start3A_98 = tpu.memref_slice %arg4[%dma_start3A_84, %dma_start3A_96, %dma_start3A_97] : memref<16x48x128xf32, #tpu.memory_space<vmem>> -> memref<1x48x128xf32, #tpu.memory_space<vmem>>
    %dma_start3A_99 = tpu.memref_squeeze %dma_start3A_98 : memref<1x48x128xf32, #tpu.memory_space<vmem>> -> memref<48x128xf32, #tpu.memory_space<vmem>>
    %dma_start3A_100 = arith.constant 424 : i32
    %dma_start3A_101 = arith.constant 256 : i32
    %dma_start3A_102 = tpu.memref_slice %arg2[%add3A_4, %dma_start3A_100, %dma_start3A_101] : memref<32x1024x1024xf32, #tpu.memory_space<hbm>> -> memref<1x48x128xf32, #tpu.memory_space<hbm>>
    %dma_start3A_103 = tpu.memref_squeeze %dma_start3A_102 : memref<1x48x128xf32, #tpu.memory_space<hbm>> -> memref<48x128xf32, #tpu.memory_space<hbm>>
    tpu.enqueue_dma source(%dma_start3A_103 : memref<48x128xf32, #tpu.memory_space<hbm>>) target(%dma_start3A_99 : memref<48x128xf32, #tpu.memory_space<vmem>>) target_semaphore(%dma_start3A_95 : memref<!tpu.dma_semaphore, #tpu.memory_space<semaphore_mem>>)
    %dma_start3A_104 = arith.constant 5 : i32
    %dma_start3A_105 = arith.constant 5 : i32
    %dma_start3A_106 = arith.constant 0 : i32
    %dma_start3A_107 = arith.constant 0 : i32
    %dma_start3A_108 = tpu.memref_slice %arg4[%dma_start3A_104, %dma_start3A_106, %dma_start3A_107] : memref<16x48x128xf32, #tpu.memory_space<vmem>> -> memref<1x48x128xf32, #tpu.memory_space<vmem>>
    %dma_start3A_109 = tpu.memref_squeeze %dma_start3A_108 : memref<1x48x128xf32, #tpu.memory_space<vmem>> -> memref<48x128xf32, #tpu.memory_space<vmem>>
    %dma_start3A_110 = arith.constant 424 : i32
    %dma_start3A_111 = arith.constant 384 : i32
    %dma_start3A_112 = tpu.memref_slice %arg2[%add3A_4, %dma_start3A_110, %dma_start3A_111] : memref<32x1024x1024xf32, #tpu.memory_space<hbm>> -> memref<1x48x128xf32, #tpu.memory_space<hbm>>
    %dma_start3A_113 = tpu.memref_squeeze %dma_start3A_112 : memref<1x48x128xf32, #tpu.memory_space<hbm>> -> memref<48x128xf32, #tpu.memory_space<hbm>>
    %dma_start3A_114 = tpu.memref_slice %arg6[%dma_start3A_105] : memref<16x!tpu.dma_semaphore, #tpu.memory_space<semaphore_mem>> -> memref<1x!tpu.dma_semaphore, #tpu.memory_space<semaphore_mem>>
    %dma_start3A_115 = tpu.memref_squeeze %dma_start3A_114 : memref<1x!tpu.dma_semaphore, #tpu.memory_space<semaphore_mem>> -> memref<!tpu.dma_semaphore, #tpu.memory_space<semaphore_mem>>
    %dma_start3A_116 = arith.constant 0 : i32
    %dma_start3A_117 = arith.constant 0 : i32
    %dma_start3A_118 = tpu.memref_slice %arg4[%dma_start3A_104, %dma_start3A_116, %dma_start3A_117] : memref<16x48x128xf32, #tpu.memory_space<vmem>> -> memref<1x48x128xf32, #tpu.memory_space<vmem>>
    %dma_start3A_119 = tpu.memref_squeeze %dma_start3A_118 : memref<1x48x128xf32, #tpu.memory_space<vmem>> -> memref<48x128xf32, #tpu.memory_space<vmem>>
    %dma_start3A_120 = arith.constant 424 : i32
    %dma_start3A_121 = arith.constant 384 : i32
    %dma_start3A_122 = tpu.memref_slice %arg2[%add3A_4, %dma_start3A_120, %dma_start3A_121] : memref<32x1024x1024xf32, #tpu.memory_space<hbm>> -> memref<1x48x128xf32, #tpu.memory_space<hbm>>
    %dma_start3A_123 = tpu.memref_squeeze %dma_start3A_122 : memref<1x48x128xf32, #tpu.memory_space<hbm>> -> memref<48x128xf32, #tpu.memory_space<hbm>>
    tpu.enqueue_dma source(%dma_start3A_123 : memref<48x128xf32, #tpu.memory_space<hbm>>) target(%dma_start3A_119 : memref<48x128xf32, #tpu.memory_space<vmem>>) target_semaphore(%dma_start3A_115 : memref<!tpu.dma_semaphore, #tpu.memory_space<semaphore_mem>>)
    %dma_start3A_124 = arith.constant 6 : i32
    %dma_start3A_125 = arith.constant 6 : i32
    %dma_start3A_126 = arith.constant 0 : i32
    %dma_start3A_127 = arith.constant 0 : i32
    %dma_start3A_128 = tpu.memref_slice %arg4[%dma_start3A_124, %dma_start3A_126, %dma_start3A_127] : memref<16x48x128xf32, #tpu.memory_space<vmem>> -> memref<1x48x128xf32, #tpu.memory_space<vmem>>
    %dma_start3A_129 = tpu.memref_squeeze %dma_start3A_128 : memref<1x48x128xf32, #tpu.memory_space<vmem>> -> memref<48x128xf32, #tpu.memory_space<vmem>>
    %dma_start3A_130 = arith.constant 424 : i32
    %dma_start3A_131 = arith.constant 512 : i32
    %dma_start3A_132 = tpu.memref_slice %arg2[%add3A_4, %dma_start3A_130, %dma_start3A_131] : memref<32x1024x1024xf32, #tpu.memory_space<hbm>> -> memref<1x48x128xf32, #tpu.memory_space<hbm>>
    %dma_start3A_133 = tpu.memref_squeeze %dma_start3A_132 : memref<1x48x128xf32, #tpu.memory_space<hbm>> -> memref<48x128xf32, #tpu.memory_space<hbm>>
    %dma_start3A_134 = tpu.memref_slice %arg6[%dma_start3A_125] : memref<16x!tpu.dma_semaphore, #tpu.memory_space<semaphore_mem>> -> memref<1x!tpu.dma_semaphore, #tpu.memory_space<semaphore_mem>>
    %dma_start3A_135 = tpu.memref_squeeze %dma_start3A_134 : memref<1x!tpu.dma_semaphore, #tpu.memory_space<semaphore_mem>> -> memref<!tpu.dma_semaphore, #tpu.memory_space<semaphore_mem>>
    %dma_start3A_136 = arith.constant 0 : i32
    %dma_start3A_137 = arith.constant 0 : i32
    %dma_start3A_138 = tpu.memref_slice %arg4[%dma_start3A_124, %dma_start3A_136, %dma_start3A_137] : memref<16x48x128xf32, #tpu.memory_space<vmem>> -> memref<1x48x128xf32, #tpu.memory_space<vmem>>
    %dma_start3A_139 = tpu.memref_squeeze %dma_start3A_138 : memref<1x48x128xf32, #tpu.memory_space<vmem>> -> memref<48x128xf32, #tpu.memory_space<vmem>>
    %dma_start3A_140 = arith.constant 424 : i32
    %dma_start3A_141 = arith.constant 512 : i32
    %dma_start3A_142 = tpu.memref_slice %arg2[%add3A_4, %dma_start3A_140, %dma_start3A_141] : memref<32x1024x1024xf32, #tpu.memory_space<hbm>> -> memref<1x48x128xf32, #tpu.memory_space<hbm>>
    %dma_start3A_143 = tpu.memref_squeeze %dma_start3A_142 : memref<1x48x128xf32, #tpu.memory_space<hbm>> -> memref<48x128xf32, #tpu.memory_space<hbm>>
    tpu.enqueue_dma source(%dma_start3A_143 : memref<48x128xf32, #tpu.memory_space<hbm>>) target(%dma_start3A_139 : memref<48x128xf32, #tpu.memory_space<vmem>>) target_semaphore(%dma_start3A_135 : memref<!tpu.dma_semaphore, #tpu.memory_space<semaphore_mem>>)
    %dma_start3A_144 = arith.constant 7 : i32
    %dma_start3A_145 = arith.constant 7 : i32
    %dma_start3A_146 = arith.constant 0 : i32
    %dma_start3A_147 = arith.constant 0 : i32
    %dma_start3A_148 = tpu.memref_slice %arg4[%dma_start3A_144, %dma_start3A_146, %dma_start3A_147] : memref<16x48x128xf32, #tpu.memory_space<vmem>> -> memref<1x48x128xf32, #tpu.memory_space<vmem>>
    %dma_start3A_149 = tpu.memref_squeeze %dma_start3A_148 : memref<1x48x128xf32, #tpu.memory_space<vmem>> -> memref<48x128xf32, #tpu.memory_space<vmem>>
    %dma_start3A_150 = arith.constant 424 : i32
    %dma_start3A_151 = arith.constant 640 : i32
    %dma_start3A_152 = tpu.memref_slice %arg2[%add3A_4, %dma_start3A_150, %dma_start3A_151] : memref<32x1024x1024xf32, #tpu.memory_space<hbm>> -> memref<1x48x128xf32, #tpu.memory_space<hbm>>
    %dma_start3A_153 = tpu.memref_squeeze %dma_start3A_152 : memref<1x48x128xf32, #tpu.memory_space<hbm>> -> memref<48x128xf32, #tpu.memory_space<hbm>>
    %dma_start3A_154 = tpu.memref_slice %arg6[%dma_start3A_145] : memref<16x!tpu.dma_semaphore, #tpu.memory_space<semaphore_mem>> -> memref<1x!tpu.dma_semaphore, #tpu.memory_space<semaphore_mem>>
    %dma_start3A_155 = tpu.memref_squeeze %dma_start3A_154 : memref<1x!tpu.dma_semaphore, #tpu.memory_space<semaphore_mem>> -> memref<!tpu.dma_semaphore, #tpu.memory_space<semaphore_mem>>
    %dma_start3A_156 = arith.constant 0 : i32
    %dma_start3A_157 = arith.constant 0 : i32
    %dma_start3A_158 = tpu.memref_slice %arg4[%dma_start3A_144, %dma_start3A_156, %dma_start3A_157] : memref<16x48x128xf32, #tpu.memory_space<vmem>> -> memref<1x48x128xf32, #tpu.memory_space<vmem>>
    %dma_start3A_159 = tpu.memref_squeeze %dma_start3A_158 : memref<1x48x128xf32, #tpu.memory_space<vmem>> -> memref<48x128xf32, #tpu.memory_space<vmem>>
    %dma_start3A_160 = arith.constant 424 : i32
    %dma_start3A_161 = arith.constant 640 : i32
    %dma_start3A_162 = tpu.memref_slice %arg2[%add3A_4, %dma_start3A_160, %dma_start3A_161] : memref<32x1024x1024xf32, #tpu.memory_space<hbm>> -> memref<1x48x128xf32, #tpu.memory_space<hbm>>
    %dma_start3A_163 = tpu.memref_squeeze %dma_start3A_162 : memref<1x48x128xf32, #tpu.memory_space<hbm>> -> memref<48x128xf32, #tpu.memory_space<hbm>>
    tpu.enqueue_dma source(%dma_start3A_163 : memref<48x128xf32, #tpu.memory_space<hbm>>) target(%dma_start3A_159 : memref<48x128xf32, #tpu.memory_space<vmem>>) target_semaphore(%dma_start3A_155 : memref<!tpu.dma_semaphore, #tpu.memory_space<semaphore_mem>>)
    %dma_start3A_164 = arith.constant 8 : i32
    %dma_start3A_165 = arith.constant 8 : i32
    %dma_start3A_166 = arith.constant 0 : i32
    %dma_start3A_167 = arith.constant 0 : i32
    %dma_start3A_168 = tpu.memref_slice %arg4[%dma_start3A_164, %dma_start3A_166, %dma_start3A_167] : memref<16x48x128xf32, #tpu.memory_space<vmem>> -> memref<1x48x128xf32, #tpu.memory_space<vmem>>
    %dma_start3A_169 = tpu.memref_squeeze %dma_start3A_168 : memref<1x48x128xf32, #tpu.memory_space<vmem>> -> memref<48x128xf32, #tpu.memory_space<vmem>>
    %dma_start3A_170 = arith.constant 552 : i32
    %dma_start3A_171 = arith.constant 256 : i32
    %dma_start3A_172 = tpu.memref_slice %arg2[%add3A_4, %dma_start3A_170, %dma_start3A_171] : memref<32x1024x1024xf32, #tpu.memory_space<hbm>> -> memref<1x48x128xf32, #tpu.memory_space<hbm>>
    %dma_start3A_173 = tpu.memref_squeeze %dma_start3A_172 : memref<1x48x128xf32, #tpu.memory_space<hbm>> -> memref<48x128xf32, #tpu.memory_space<hbm>>
    %dma_start3A_174 = tpu.memref_slice %arg6[%dma_start3A_165] : memref<16x!tpu.dma_semaphore, #tpu.memory_space<semaphore_mem>> -> memref<1x!tpu.dma_semaphore, #tpu.memory_space<semaphore_mem>>
    %dma_start3A_175 = tpu.memref_squeeze %dma_start3A_174 : memref<1x!tpu.dma_semaphore, #tpu.memory_space<semaphore_mem>> -> memref<!tpu.dma_semaphore, #tpu.memory_space<semaphore_mem>>
    %dma_start3A_176 = arith.constant 0 : i32
    %dma_start3A_177 = arith.constant 0 : i32
    %dma_start3A_178 = tpu.memref_slice %arg4[%dma_start3A_164, %dma_start3A_176, %dma_start3A_177] : memref<16x48x128xf32, #tpu.memory_space<vmem>> -> memref<1x48x128xf32, #tpu.memory_space<vmem>>
    %dma_start3A_179 = tpu.memref_squeeze %dma_start3A_178 : memref<1x48x128xf32, #tpu.memory_space<vmem>> -> memref<48x128xf32, #tpu.memory_space<vmem>>
    %dma_start3A_180 = arith.constant 552 : i32
    %dma_start3A_181 = arith.constant 256 : i32
    %dma_start3A_182 = tpu.memref_slice %arg2[%add3A_4, %dma_start3A_180, %dma_start3A_181] : memref<32x1024x1024xf32, #tpu.memory_space<hbm>> -> memref<1x48x128xf32, #tpu.memory_space<hbm>>
    %dma_start3A_183 = tpu.memref_squeeze %dma_start3A_182 : memref<1x48x128xf32, #tpu.memory_space<hbm>> -> memref<48x128xf32, #tpu.memory_space<hbm>>
    tpu.enqueue_dma source(%dma_start3A_183 : memref<48x128xf32, #tpu.memory_space<hbm>>) target(%dma_start3A_179 : memref<48x128xf32, #tpu.memory_space<vmem>>) target_semaphore(%dma_start3A_175 : memref<!tpu.dma_semaphore, #tpu.memory_space<semaphore_mem>>)
    %dma_start3A_184 = arith.constant 9 : i32
    %dma_start3A_185 = arith.constant 9 : i32
    %dma_start3A_186 = arith.constant 0 : i32
    %dma_start3A_187 = arith.constant 0 : i32
    %dma_start3A_188 = tpu.memref_slice %arg4[%dma_start3A_184, %dma_start3A_186, %dma_start3A_187] : memref<16x48x128xf32, #tpu.memory_space<vmem>> -> memref<1x48x128xf32, #tpu.memory_space<vmem>>
    %dma_start3A_189 = tpu.memref_squeeze %dma_start3A_188 : memref<1x48x128xf32, #tpu.memory_space<vmem>> -> memref<48x128xf32, #tpu.memory_space<vmem>>
    %dma_start3A_190 = arith.constant 552 : i32
    %dma_start3A_191 = arith.constant 384 : i32
    %dma_start3A_192 = tpu.memref_slice %arg2[%add3A_4, %dma_start3A_190, %dma_start3A_191] : memref<32x1024x1024xf32, #tpu.memory_space<hbm>> -> memref<1x48x128xf32, #tpu.memory_space<hbm>>
    %dma_start3A_193 = tpu.memref_squeeze %dma_start3A_192 : memref<1x48x128xf32, #tpu.memory_space<hbm>> -> memref<48x128xf32, #tpu.memory_space<hbm>>
    %dma_start3A_194 = tpu.memref_slice %arg6[%dma_start3A_185] : memref<16x!tpu.dma_semaphore, #tpu.memory_space<semaphore_mem>> -> memref<1x!tpu.dma_semaphore, #tpu.memory_space<semaphore_mem>>
    %dma_start3A_195 = tpu.memref_squeeze %dma_start3A_194 : memref<1x!tpu.dma_semaphore, #tpu.memory_space<semaphore_mem>> -> memref<!tpu.dma_semaphore, #tpu.memory_space<semaphore_mem>>
    %dma_start3A_196 = arith.constant 0 : i32
    %dma_start3A_197 = arith.constant 0 : i32
    %dma_start3A_198 = tpu.memref_slice %arg4[%dma_start3A_184, %dma_start3A_196, %dma_start3A_197] : memref<16x48x128xf32, #tpu.memory_space<vmem>> -> memref<1x48x128xf32, #tpu.memory_space<vmem>>
    %dma_start3A_199 = tpu.memref_squeeze %dma_start3A_198 : memref<1x48x128xf32, #tpu.memory_space<vmem>> -> memref<48x128xf32, #tpu.memory_space<vmem>>
    %dma_start3A_200 = arith.constant 552 : i32
    %dma_start3A_201 = arith.constant 384 : i32
    %dma_start3A_202 = tpu.memref_slice %arg2[%add3A_4, %dma_start3A_200, %dma_start3A_201] : memref<32x1024x1024xf32, #tpu.memory_space<hbm>> -> memref<1x48x128xf32, #tpu.memory_space<hbm>>
    %dma_start3A_203 = tpu.memref_squeeze %dma_start3A_202 : memref<1x48x128xf32, #tpu.memory_space<hbm>> -> memref<48x128xf32, #tpu.memory_space<hbm>>
    tpu.enqueue_dma source(%dma_start3A_203 : memref<48x128xf32, #tpu.memory_space<hbm>>) target(%dma_start3A_199 : memref<48x128xf32, #tpu.memory_space<vmem>>) target_semaphore(%dma_start3A_195 : memref<!tpu.dma_semaphore, #tpu.memory_space<semaphore_mem>>)
    %dma_start3A_204 = arith.constant 10 : i32
    %dma_start3A_205 = arith.constant 10 : i32
    %dma_start3A_206 = arith.constant 0 : i32
    %dma_start3A_207 = arith.constant 0 : i32
    %dma_start3A_208 = tpu.memref_slice %arg4[%dma_start3A_204, %dma_start3A_206, %dma_start3A_207] : memref<16x48x128xf32, #tpu.memory_space<vmem>> -> memref<1x48x128xf32, #tpu.memory_space<vmem>>
    %dma_start3A_209 = tpu.memref_squeeze %dma_start3A_208 : memref<1x48x128xf32, #tpu.memory_space<vmem>> -> memref<48x128xf32, #tpu.memory_space<vmem>>
    %dma_start3A_210 = arith.constant 552 : i32
    %dma_start3A_211 = arith.constant 512 : i32
    %dma_start3A_212 = tpu.memref_slice %arg2[%add3A_4, %dma_start3A_210, %dma_start3A_211] : memref<32x1024x1024xf32, #tpu.memory_space<hbm>> -> memref<1x48x128xf32, #tpu.memory_space<hbm>>
    %dma_start3A_213 = tpu.memref_squeeze %dma_start3A_212 : memref<1x48x128xf32, #tpu.memory_space<hbm>> -> memref<48x128xf32, #tpu.memory_space<hbm>>
    %dma_start3A_214 = tpu.memref_slice %arg6[%dma_start3A_205] : memref<16x!tpu.dma_semaphore, #tpu.memory_space<semaphore_mem>> -> memref<1x!tpu.dma_semaphore, #tpu.memory_space<semaphore_mem>>
    %dma_start3A_215 = tpu.memref_squeeze %dma_start3A_214 : memref<1x!tpu.dma_semaphore, #tpu.memory_space<semaphore_mem>> -> memref<!tpu.dma_semaphore, #tpu.memory_space<semaphore_mem>>
    %dma_start3A_216 = arith.constant 0 : i32
    %dma_start3A_217 = arith.constant 0 : i32
    %dma_start3A_218 = tpu.memref_slice %arg4[%dma_start3A_204, %dma_start3A_216, %dma_start3A_217] : memref<16x48x128xf32, #tpu.memory_space<vmem>> -> memref<1x48x128xf32, #tpu.memory_space<vmem>>
    %dma_start3A_219 = tpu.memref_squeeze %dma_start3A_218 : memref<1x48x128xf32, #tpu.memory_space<vmem>> -> memref<48x128xf32, #tpu.memory_space<vmem>>
    %dma_start3A_220 = arith.constant 552 : i32
    %dma_start3A_221 = arith.constant 512 : i32
    %dma_start3A_222 = tpu.memref_slice %arg2[%add3A_4, %dma_start3A_220, %dma_start3A_221] : memref<32x1024x1024xf32, #tpu.memory_space<hbm>> -> memref<1x48x128xf32, #tpu.memory_space<hbm>>
    %dma_start3A_223 = tpu.memref_squeeze %dma_start3A_222 : memref<1x48x128xf32, #tpu.memory_space<hbm>> -> memref<48x128xf32, #tpu.memory_space<hbm>>
    tpu.enqueue_dma source(%dma_start3A_223 : memref<48x128xf32, #tpu.memory_space<hbm>>) target(%dma_start3A_219 : memref<48x128xf32, #tpu.memory_space<vmem>>) target_semaphore(%dma_start3A_215 : memref<!tpu.dma_semaphore, #tpu.memory_space<semaphore_mem>>)
    %dma_start3A_224 = arith.constant 11 : i32
    %dma_start3A_225 = arith.constant 11 : i32
    %dma_start3A_226 = arith.constant 0 : i32
    %dma_start3A_227 = arith.constant 0 : i32
    %dma_start3A_228 = tpu.memref_slice %arg4[%dma_start3A_224, %dma_start3A_226, %dma_start3A_227] : memref<16x48x128xf32, #tpu.memory_space<vmem>> -> memref<1x48x128xf32, #tpu.memory_space<vmem>>
    %dma_start3A_229 = tpu.memref_squeeze %dma_start3A_228 : memref<1x48x128xf32, #tpu.memory_space<vmem>> -> memref<48x128xf32, #tpu.memory_space<vmem>>
    %dma_start3A_230 = arith.constant 552 : i32
    %dma_start3A_231 = arith.constant 640 : i32
    %dma_start3A_232 = tpu.memref_slice %arg2[%add3A_4, %dma_start3A_230, %dma_start3A_231] : memref<32x1024x1024xf32, #tpu.memory_space<hbm>> -> memref<1x48x128xf32, #tpu.memory_space<hbm>>
    %dma_start3A_233 = tpu.memref_squeeze %dma_start3A_232 : memref<1x48x128xf32, #tpu.memory_space<hbm>> -> memref<48x128xf32, #tpu.memory_space<hbm>>
    %dma_start3A_234 = tpu.memref_slice %arg6[%dma_start3A_225] : memref<16x!tpu.dma_semaphore, #tpu.memory_space<semaphore_mem>> -> memref<1x!tpu.dma_semaphore, #tpu.memory_space<semaphore_mem>>
    %dma_start3A_235 = tpu.memref_squeeze %dma_start3A_234 : memref<1x!tpu.dma_semaphore, #tpu.memory_space<semaphore_mem>> -> memref<!tpu.dma_semaphore, #tpu.memory_space<semaphore_mem>>
    %dma_start3A_236 = arith.constant 0 : i32
    %dma_start3A_237 = arith.constant 0 : i32
    %dma_start3A_238 = tpu.memref_slice %arg4[%dma_start3A_224, %dma_start3A_236, %dma_start3A_237] : memref<16x48x128xf32, #tpu.memory_space<vmem>> -> memref<1x48x128xf32, #tpu.memory_space<vmem>>
    %dma_start3A_239 = tpu.memref_squeeze %dma_start3A_238 : memref<1x48x128xf32, #tpu.memory_space<vmem>> -> memref<48x128xf32, #tpu.memory_space<vmem>>
    %dma_start3A_240 = arith.constant 552 : i32
    %dma_start3A_241 = arith.constant 640 : i32
    %dma_start3A_242 = tpu.memref_slice %arg2[%add3A_4, %dma_start3A_240, %dma_start3A_241] : memref<32x1024x1024xf32, #tpu.memory_space<hbm>> -> memref<1x48x128xf32, #tpu.memory_space<hbm>>
    %dma_start3A_243 = tpu.memref_squeeze %dma_start3A_242 : memref<1x48x128xf32, #tpu.memory_space<hbm>> -> memref<48x128xf32, #tpu.memory_space<hbm>>
    tpu.enqueue_dma source(%dma_start3A_243 : memref<48x128xf32, #tpu.memory_space<hbm>>) target(%dma_start3A_239 : memref<48x128xf32, #tpu.memory_space<vmem>>) target_semaphore(%dma_start3A_235 : memref<!tpu.dma_semaphore, #tpu.memory_space<semaphore_mem>>)
    %dma_start3A_244 = arith.constant 12 : i32
    %dma_start3A_245 = arith.constant 12 : i32
    %dma_start3A_246 = arith.constant 0 : i32
    %dma_start3A_247 = arith.constant 0 : i32
    %dma_start3A_248 = tpu.memref_slice %arg4[%dma_start3A_244, %dma_start3A_246, %dma_start3A_247] : memref<16x48x128xf32, #tpu.memory_space<vmem>> -> memref<1x48x128xf32, #tpu.memory_space<vmem>>
    %dma_start3A_249 = tpu.memref_squeeze %dma_start3A_248 : memref<1x48x128xf32, #tpu.memory_space<vmem>> -> memref<48x128xf32, #tpu.memory_space<vmem>>
    %dma_start3A_250 = arith.constant 680 : i32
    %dma_start3A_251 = arith.constant 256 : i32
    %dma_start3A_252 = tpu.memref_slice %arg2[%add3A_4, %dma_start3A_250, %dma_start3A_251] : memref<32x1024x1024xf32, #tpu.memory_space<hbm>> -> memref<1x48x128xf32, #tpu.memory_space<hbm>>
    %dma_start3A_253 = tpu.memref_squeeze %dma_start3A_252 : memref<1x48x128xf32, #tpu.memory_space<hbm>> -> memref<48x128xf32, #tpu.memory_space<hbm>>
    %dma_start3A_254 = tpu.memref_slice %arg6[%dma_start3A_245] : memref<16x!tpu.dma_semaphore, #tpu.memory_space<semaphore_mem>> -> memref<1x!tpu.dma_semaphore, #tpu.memory_space<semaphore_mem>>
    %dma_start3A_255 = tpu.memref_squeeze %dma_start3A_254 : memref<1x!tpu.dma_semaphore, #tpu.memory_space<semaphore_mem>> -> memref<!tpu.dma_semaphore, #tpu.memory_space<semaphore_mem>>
    %dma_start3A_256 = arith.constant 0 : i32
    %dma_start3A_257 = arith.constant 0 : i32
    %dma_start3A_258 = tpu.memref_slice %arg4[%dma_start3A_244, %dma_start3A_256, %dma_start3A_257] : memref<16x48x128xf32, #tpu.memory_space<vmem>> -> memref<1x48x128xf32, #tpu.memory_space<vmem>>
    %dma_start3A_259 = tpu.memref_squeeze %dma_start3A_258 : memref<1x48x128xf32, #tpu.memory_space<vmem>> -> memref<48x128xf32, #tpu.memory_space<vmem>>
    %dma_start3A_260 = arith.constant 680 : i32
    %dma_start3A_261 = arith.constant 256 : i32
    %dma_start3A_262 = tpu.memref_slice %arg2[%add3A_4, %dma_start3A_260, %dma_start3A_261] : memref<32x1024x1024xf32, #tpu.memory_space<hbm>> -> memref<1x48x128xf32, #tpu.memory_space<hbm>>
    %dma_start3A_263 = tpu.memref_squeeze %dma_start3A_262 : memref<1x48x128xf32, #tpu.memory_space<hbm>> -> memref<48x128xf32, #tpu.memory_space<hbm>>
    tpu.enqueue_dma source(%dma_start3A_263 : memref<48x128xf32, #tpu.memory_space<hbm>>) target(%dma_start3A_259 : memref<48x128xf32, #tpu.memory_space<vmem>>) target_semaphore(%dma_start3A_255 : memref<!tpu.dma_semaphore, #tpu.memory_space<semaphore_mem>>)
    %dma_start3A_264 = arith.constant 13 : i32
    %dma_start3A_265 = arith.constant 13 : i32
    %dma_start3A_266 = arith.constant 0 : i32
    %dma_start3A_267 = arith.constant 0 : i32
    %dma_start3A_268 = tpu.memref_slice %arg4[%dma_start3A_264, %dma_start3A_266, %dma_start3A_267] : memref<16x48x128xf32, #tpu.memory_space<vmem>> -> memref<1x48x128xf32, #tpu.memory_space<vmem>>
    %dma_start3A_269 = tpu.memref_squeeze %dma_start3A_268 : memref<1x48x128xf32, #tpu.memory_space<vmem>> -> memref<48x128xf32, #tpu.memory_space<vmem>>
    %dma_start3A_270 = arith.constant 680 : i32
    %dma_start3A_271 = arith.constant 384 : i32
    %dma_start3A_272 = tpu.memref_slice %arg2[%add3A_4, %dma_start3A_270, %dma_start3A_271] : memref<32x1024x1024xf32, #tpu.memory_space<hbm>> -> memref<1x48x128xf32, #tpu.memory_space<hbm>>
    %dma_start3A_273 = tpu.memref_squeeze %dma_start3A_272 : memref<1x48x128xf32, #tpu.memory_space<hbm>> -> memref<48x128xf32, #tpu.memory_space<hbm>>
    %dma_start3A_274 = tpu.memref_slice %arg6[%dma_start3A_265] : memref<16x!tpu.dma_semaphore, #tpu.memory_space<semaphore_mem>> -> memref<1x!tpu.dma_semaphore, #tpu.memory_space<semaphore_mem>>
    %dma_start3A_275 = tpu.memref_squeeze %dma_start3A_274 : memref<1x!tpu.dma_semaphore, #tpu.memory_space<semaphore_mem>> -> memref<!tpu.dma_semaphore, #tpu.memory_space<semaphore_mem>>
    %dma_start3A_276 = arith.constant 0 : i32
    %dma_start3A_277 = arith.constant 0 : i32
    %dma_start3A_278 = tpu.memref_slice %arg4[%dma_start3A_264, %dma_start3A_276, %dma_start3A_277] : memref<16x48x128xf32, #tpu.memory_space<vmem>> -> memref<1x48x128xf32, #tpu.memory_space<vmem>>
    %dma_start3A_279 = tpu.memref_squeeze %dma_start3A_278 : memref<1x48x128xf32, #tpu.memory_space<vmem>> -> memref<48x128xf32, #tpu.memory_space<vmem>>
    %dma_start3A_280 = arith.constant 680 : i32
    %dma_start3A_281 = arith.constant 384 : i32
    %dma_start3A_282 = tpu.memref_slice %arg2[%add3A_4, %dma_start3A_280, %dma_start3A_281] : memref<32x1024x1024xf32, #tpu.memory_space<hbm>> -> memref<1x48x128xf32, #tpu.memory_space<hbm>>
    %dma_start3A_283 = tpu.memref_squeeze %dma_start3A_282 : memref<1x48x128xf32, #tpu.memory_space<hbm>> -> memref<48x128xf32, #tpu.memory_space<hbm>>
    tpu.enqueue_dma source(%dma_start3A_283 : memref<48x128xf32, #tpu.memory_space<hbm>>) target(%dma_start3A_279 : memref<48x128xf32, #tpu.memory_space<vmem>>) target_semaphore(%dma_start3A_275 : memref<!tpu.dma_semaphore, #tpu.memory_space<semaphore_mem>>)
    %dma_start3A_284 = arith.constant 14 : i32
    %dma_start3A_285 = arith.constant 14 : i32
    %dma_start3A_286 = arith.constant 0 : i32
    %dma_start3A_287 = arith.constant 0 : i32
    %dma_start3A_288 = tpu.memref_slice %arg4[%dma_start3A_284, %dma_start3A_286, %dma_start3A_287] : memref<16x48x128xf32, #tpu.memory_space<vmem>> -> memref<1x48x128xf32, #tpu.memory_space<vmem>>
    %dma_start3A_289 = tpu.memref_squeeze %dma_start3A_288 : memref<1x48x128xf32, #tpu.memory_space<vmem>> -> memref<48x128xf32, #tpu.memory_space<vmem>>
    %dma_start3A_290 = arith.constant 680 : i32
    %dma_start3A_291 = arith.constant 512 : i32
    %dma_start3A_292 = tpu.memref_slice %arg2[%add3A_4, %dma_start3A_290, %dma_start3A_291] : memref<32x1024x1024xf32, #tpu.memory_space<hbm>> -> memref<1x48x128xf32, #tpu.memory_space<hbm>>
    %dma_start3A_293 = tpu.memref_squeeze %dma_start3A_292 : memref<1x48x128xf32, #tpu.memory_space<hbm>> -> memref<48x128xf32, #tpu.memory_space<hbm>>
    %dma_start3A_294 = tpu.memref_slice %arg6[%dma_start3A_285] : memref<16x!tpu.dma_semaphore, #tpu.memory_space<semaphore_mem>> -> memref<1x!tpu.dma_semaphore, #tpu.memory_space<semaphore_mem>>
    %dma_start3A_295 = tpu.memref_squeeze %dma_start3A_294 : memref<1x!tpu.dma_semaphore, #tpu.memory_space<semaphore_mem>> -> memref<!tpu.dma_semaphore, #tpu.memory_space<semaphore_mem>>
    %dma_start3A_296 = arith.constant 0 : i32
    %dma_start3A_297 = arith.constant 0 : i32
    %dma_start3A_298 = tpu.memref_slice %arg4[%dma_start3A_284, %dma_start3A_296, %dma_start3A_297] : memref<16x48x128xf32, #tpu.memory_space<vmem>> -> memref<1x48x128xf32, #tpu.memory_space<vmem>>
    %dma_start3A_299 = tpu.memref_squeeze %dma_start3A_298 : memref<1x48x128xf32, #tpu.memory_space<vmem>> -> memref<48x128xf32, #tpu.memory_space<vmem>>
    %dma_start3A_300 = arith.constant 680 : i32
    %dma_start3A_301 = arith.constant 512 : i32
    %dma_start3A_302 = tpu.memref_slice %arg2[%add3A_4, %dma_start3A_300, %dma_start3A_301] : memref<32x1024x1024xf32, #tpu.memory_space<hbm>> -> memref<1x48x128xf32, #tpu.memory_space<hbm>>
    %dma_start3A_303 = tpu.memref_squeeze %dma_start3A_302 : memref<1x48x128xf32, #tpu.memory_space<hbm>> -> memref<48x128xf32, #tpu.memory_space<hbm>>
    tpu.enqueue_dma source(%dma_start3A_303 : memref<48x128xf32, #tpu.memory_space<hbm>>) target(%dma_start3A_299 : memref<48x128xf32, #tpu.memory_space<vmem>>) target_semaphore(%dma_start3A_295 : memref<!tpu.dma_semaphore, #tpu.memory_space<semaphore_mem>>)
    %dma_start3A_304 = arith.constant 15 : i32
    %dma_start3A_305 = arith.constant 15 : i32
    %dma_start3A_306 = arith.constant 0 : i32
    %dma_start3A_307 = arith.constant 0 : i32
    %dma_start3A_308 = tpu.memref_slice %arg4[%dma_start3A_304, %dma_start3A_306, %dma_start3A_307] : memref<16x48x128xf32, #tpu.memory_space<vmem>> -> memref<1x48x128xf32, #tpu.memory_space<vmem>>
    %dma_start3A_309 = tpu.memref_squeeze %dma_start3A_308 : memref<1x48x128xf32, #tpu.memory_space<vmem>> -> memref<48x128xf32, #tpu.memory_space<vmem>>
    %dma_start3A_310 = arith.constant 680 : i32
    %dma_start3A_311 = arith.constant 640 : i32
    %dma_start3A_312 = tpu.memref_slice %arg2[%add3A_4, %dma_start3A_310, %dma_start3A_311] : memref<32x1024x1024xf32, #tpu.memory_space<hbm>> -> memref<1x48x128xf32, #tpu.memory_space<hbm>>
    %dma_start3A_313 = tpu.memref_squeeze %dma_start3A_312 : memref<1x48x128xf32, #tpu.memory_space<hbm>> -> memref<48x128xf32, #tpu.memory_space<hbm>>
    %dma_start3A_314 = tpu.memref_slice %arg6[%dma_start3A_305] : memref<16x!tpu.dma_semaphore, #tpu.memory_space<semaphore_mem>> -> memref<1x!tpu.dma_semaphore, #tpu.memory_space<semaphore_mem>>
    %dma_start3A_315 = tpu.memref_squeeze %dma_start3A_314 : memref<1x!tpu.dma_semaphore, #tpu.memory_space<semaphore_mem>> -> memref<!tpu.dma_semaphore, #tpu.memory_space<semaphore_mem>>
    %dma_start3A_316 = arith.constant 0 : i32
    %dma_start3A_317 = arith.constant 0 : i32
    %dma_start3A_318 = tpu.memref_slice %arg4[%dma_start3A_304, %dma_start3A_316, %dma_start3A_317] : memref<16x48x128xf32, #tpu.memory_space<vmem>> -> memref<1x48x128xf32, #tpu.memory_space<vmem>>
    %dma_start3A_319 = tpu.memref_squeeze %dma_start3A_318 : memref<1x48x128xf32, #tpu.memory_space<vmem>> -> memref<48x128xf32, #tpu.memory_space<vmem>>
    %dma_start3A_320 = arith.constant 680 : i32
    %dma_start3A_321 = arith.constant 640 : i32
    %dma_start3A_322 = tpu.memref_slice %arg2[%add3A_4, %dma_start3A_320, %dma_start3A_321] : memref<32x1024x1024xf32, #tpu.memory_space<hbm>> -> memref<1x48x128xf32, #tpu.memory_space<hbm>>
    %dma_start3A_323 = tpu.memref_squeeze %dma_start3A_322 : memref<1x48x128xf32, #tpu.memory_space<hbm>> -> memref<48x128xf32, #tpu.memory_space<hbm>>
    tpu.enqueue_dma source(%dma_start3A_323 : memref<48x128xf32, #tpu.memory_space<hbm>>) target(%dma_start3A_319 : memref<48x128xf32, #tpu.memory_space<vmem>>) target_semaphore(%dma_start3A_315 : memref<!tpu.dma_semaphore, #tpu.memory_space<semaphore_mem>>)
    %broadcast_in_dim3A = arith.constant 0.000000e+00 : f32
    %broadcast_in_dim3A_324 = vector.broadcast %broadcast_in_dim3A : f32 to vector<16xf32>
    %broadcast_in_dim3A_325 = arith.constant 0.000000e+00 : f32
    %broadcast_in_dim3A_326 = vector.broadcast %broadcast_in_dim3A_325 : f32 to vector<16xf32>
    %dma_wait3A = arith.constant 0 : i32
    %dma_wait3A_327 = arith.constant 0 : i32
    %dma_wait3A_328 = arith.constant 0 : i32
    %dma_wait3A_329 = arith.constant 0 : i32
    %dma_wait3A_330 = tpu.memref_slice %arg4[%dma_wait3A, %dma_wait3A_328, %dma_wait3A_329] : memref<16x48x128xf32, #tpu.memory_space<vmem>> -> memref<1x48x128xf32, #tpu.memory_space<vmem>>
    %dma_wait3A_331 = tpu.memref_squeeze %dma_wait3A_330 : memref<1x48x128xf32, #tpu.memory_space<vmem>> -> memref<48x128xf32, #tpu.memory_space<vmem>>
    %dma_wait3A_332 = arith.constant 296 : i32
    %dma_wait3A_333 = arith.constant 256 : i32
    %dma_wait3A_334 = tpu.memref_slice %arg2[%add3A_4, %dma_wait3A_332, %dma_wait3A_333] : memref<32x1024x1024xf32, #tpu.memory_space<hbm>> -> memref<1x48x128xf32, #tpu.memory_space<hbm>>
    %dma_wait3A_335 = tpu.memref_squeeze %dma_wait3A_334 : memref<1x48x128xf32, #tpu.memory_space<hbm>> -> memref<48x128xf32, #tpu.memory_space<hbm>>
    %dma_wait3A_336 = tpu.memref_slice %arg6[%dma_wait3A_327] : memref<16x!tpu.dma_semaphore, #tpu.memory_space<semaphore_mem>> -> memref<1x!tpu.dma_semaphore, #tpu.memory_space<semaphore_mem>>
    %dma_wait3A_337 = tpu.memref_squeeze %dma_wait3A_336 : memref<1x!tpu.dma_semaphore, #tpu.memory_space<semaphore_mem>> -> memref<!tpu.dma_semaphore, #tpu.memory_space<semaphore_mem>>
    %dma_wait3A_338 = arith.constant 0 : i32
    %dma_wait3A_339 = arith.constant 0 : i32
    %dma_wait3A_340 = tpu.memref_slice %arg4[%dma_wait3A, %dma_wait3A_338, %dma_wait3A_339] : memref<16x48x128xf32, #tpu.memory_space<vmem>> -> memref<1x48x128xf32, #tpu.memory_space<vmem>>
    %dma_wait3A_341 = tpu.memref_squeeze %dma_wait3A_340 : memref<1x48x128xf32, #tpu.memory_space<vmem>> -> memref<48x128xf32, #tpu.memory_space<vmem>>
    %dma_wait3A_342 = arith.constant 296 : i32
    %dma_wait3A_343 = arith.constant 256 : i32
    %dma_wait3A_344 = tpu.memref_slice %arg2[%add3A_4, %dma_wait3A_342, %dma_wait3A_343] : memref<32x1024x1024xf32, #tpu.memory_space<hbm>> -> memref<1x48x128xf32, #tpu.memory_space<hbm>>
    %dma_wait3A_345 = tpu.memref_squeeze %dma_wait3A_344 : memref<1x48x128xf32, #tpu.memory_space<hbm>> -> memref<48x128xf32, #tpu.memory_space<hbm>>
    tpu.wait_dma2 semaphore(%dma_wait3A_337 : memref<!tpu.dma_semaphore, #tpu.memory_space<semaphore_mem>>) src(%dma_wait3A_345 : memref<48x128xf32, #tpu.memory_space<hbm>>) dst(%dma_wait3A_341 : memref<48x128xf32, #tpu.memory_space<vmem>>)
    %scan3A = arith.constant 0 : i32
    %scan3A_346 = arith.constant 19 : i32
    %scan3A_347 = arith.addi %scan3A, %scan3A_346 : i32
    %scan3A_348 = arith.constant 1 : i32
    %scan3A_349:6 = scf.for %scan3A_1010 = %scan3A to %scan3A_347 step %scan3A_348 iter_args(%scan3A_1011 = %broadcast_in_dim3A_326, %scan3A_1012 = %broadcast_in_dim3A_326, %scan3A_1013 = %broadcast_in_dim3A_326, %scan3A_1014 = %broadcast_in_dim3A_326, %scan3A_1015 = %broadcast_in_dim3A_326, %scan3A_1016 = %broadcast_in_dim3A_326) -> (vector<16xf32>, vector<16xf32>, vector<16xf32>, vector<16xf32>, vector<16xf32>, vector<16xf32>)  : i32 {
      %mul3A_1017 = arith.constant 2 : i32
      %mul3A_1018 = arith.muli %mul3A_1017, %scan3A_1010 : i32
      %add3A_1019 = arith.constant 5 : i32
      %add3A_1020 = arith.addi %add3A_1019, %mul3A_1018 : i32
      %add3A_1021 = arith.constant 0 : i32
      %add3A_1022 = arith.addi %add3A_1020, %add3A_1021 : i32
      %get3A = arith.constant 0 : i32
      %get3A_1023 = arith.index_cast %get3A : i32 to index
      %get3A_1024 = arith.index_cast %add3A_1022 : i32 to index
      %get3A_1025 = arith.constant 45 : index
      %get3A_1026 = tpu.vector_load %arg4[%get3A_1023, %get3A_1024, %get3A_1025] {strides = array<i32>} : memref<16x48x128xf32, #tpu.memory_space<vmem>>, vector<16xf32>,
      %mul3A_1027 = arith.mulf %get3A_1026, %get3A_1026 : vector<16xf32>
      %add3A_1028 = arith.addf %scan3A_1011, %mul3A_1027 : vector<16xf32>
      %add3A_1029 = arith.constant 0 : i32
      %add3A_1030 = arith.addi %add3A_1020, %add3A_1029 : i32
      %get3A_1031 = arith.constant 0 : i32
      %get3A_1032 = arith.index_cast %get3A_1031 : i32 to index
      %get3A_1033 = arith.index_cast %add3A_1030 : i32 to index
      %get3A_1034 = arith.constant 61 : index
      %get3A_1035 = tpu.vector_load %arg4[%get3A_1032, %get3A_1033, %get3A_1034] {strides = array<i32>} : memref<16x48x128xf32, #tpu.memory_space<vmem>>, vector<16xf32>,
      %mul3A_1036 = arith.mulf %get3A_1035, %get3A_1035 : vector<16xf32>
      %add3A_1037 = arith.addf %scan3A_1012, %mul3A_1036 : vector<16xf32>
      %add3A_1038 = arith.constant 0 : i32
      %add3A_1039 = arith.addi %add3A_1020, %add3A_1038 : i32
      %get3A_1040 = arith.constant 0 : i32
      %get3A_1041 = arith.index_cast %get3A_1040 : i32 to index
      %get3A_1042 = arith.index_cast %add3A_1039 : i32 to index
      %get3A_1043 = arith.constant 77 : index
      %get3A_1044 = tpu.vector_load %arg4[%get3A_1041, %get3A_1042, %get3A_1043] {strides = array<i32>} : memref<16x48x128xf32, #tpu.memory_space<vmem>>, vector<16xf32>,
      %mul3A_1045 = arith.mulf %get3A_1044, %get3A_1044 : vector<16xf32>
      %add3A_1046 = arith.addf %scan3A_1013, %mul3A_1045 : vector<16xf32>
      %add3A_1047 = arith.constant 1 : i32
      %add3A_1048 = arith.addi %add3A_1020, %add3A_1047 : i32
      %get3A_1049 = arith.constant 0 : i32
      %get3A_1050 = arith.index_cast %get3A_1049 : i32 to index
      %get3A_1051 = arith.index_cast %add3A_1048 : i32 to index
      %get3A_1052 = arith.constant 45 : index
      %get3A_1053 = tpu.vector_load %arg4[%get3A_1050, %get3A_1051, %get3A_1052] {strides = array<i32>} : memref<16x48x128xf32, #tpu.memory_space<vmem>>, vector<16xf32>,
      %mul3A_1054 = arith.mulf %get3A_1053, %get3A_1053 : vector<16xf32>
      %add3A_1055 = arith.addf %scan3A_1014, %mul3A_1054 : vector<16xf32>
      %add3A_1056 = arith.constant 1 : i32
      %add3A_1057 = arith.addi %add3A_1020, %add3A_1056 : i32
      %get3A_1058 = arith.constant 0 : i32
      %get3A_1059 = arith.index_cast %get3A_1058 : i32 to index
      %get3A_1060 = arith.index_cast %add3A_1057 : i32 to index
      %get3A_1061 = arith.constant 61 : index
      %get3A_1062 = tpu.vector_load %arg4[%get3A_1059, %get3A_1060, %get3A_1061] {strides = array<i32>} : memref<16x48x128xf32, #tpu.memory_space<vmem>>, vector<16xf32>,
      %mul3A_1063 = arith.mulf %get3A_1062, %get3A_1062 : vector<16xf32>
      %add3A_1064 = arith.addf %scan3A_1015, %mul3A_1063 : vector<16xf32>
      %add3A_1065 = arith.constant 1 : i32
      %add3A_1066 = arith.addi %add3A_1020, %add3A_1065 : i32
      %get3A_1067 = arith.constant 0 : i32
      %get3A_1068 = arith.index_cast %get3A_1067 : i32 to index
      %get3A_1069 = arith.index_cast %add3A_1066 : i32 to index
      %get3A_1070 = arith.constant 77 : index
      %get3A_1071 = tpu.vector_load %arg4[%get3A_1068, %get3A_1069, %get3A_1070] {strides = array<i32>} : memref<16x48x128xf32, #tpu.memory_space<vmem>>, vector<16xf32>,
      %mul3A_1072 = arith.mulf %get3A_1071, %get3A_1071 : vector<16xf32>
      %add3A_1073 = arith.addf %scan3A_1016, %mul3A_1072 : vector<16xf32>
      scf.yield %add3A_1028, %add3A_1037, %add3A_1046, %add3A_1055, %add3A_1064, %add3A_1073 : vector<16xf32>, vector<16xf32>, vector<16xf32>, vector<16xf32>, vector<16xf32>, vector<16xf32>
    }
    %scan3A_350 = arith.constant 19 : i32
    %add3A_351 = arith.addf %scan3A_349#0, %scan3A_349#3 : vector<16xf32>
    %add3A_352 = arith.addf %scan3A_349#1, %scan3A_349#4 : vector<16xf32>
    %add3A_353 = arith.addf %scan3A_349#2, %scan3A_349#5 : vector<16xf32>
    %jit3A = arith.constant 0.000000e+00 : f32
    %broadcast_in_dim3A_354 = vector.broadcast %jit3A : f32 to vector<16xf32>
    %select_n3A = arith.select %lt3A_2, %add3A_353, %broadcast_in_dim3A_354 : vector<16xi1>, vector<16xf32>
    %add3A_355 = arith.addf %add3A_351, %add3A_352 : vector<16xf32>
    %add3A_356 = arith.addf %add3A_355, %select_n3A : vector<16xf32>
    %reduce_sum3A = arith.constant true
    %reduce_sum3A_357 = vector.broadcast %reduce_sum3A : i1 to vector<16xi1>
    %reduce_sum3A_358 = tpu.scan <sum>, %add3A_356 masked %reduce_sum3A_357 : vector<16xf32>, vector<16xi1> -> vector<16xf32>
    %reduce_sum3A_359 = vector.extract %reduce_sum3A_358[15] : f32 from vector<16xf32>
    %eq3A = arith.constant 0 : i32
    %eq3A_360 = vector.broadcast %eq3A : i32 to vector<16xi32>
    %eq3A_361 = arith.cmpi eq, %iota3A, %eq3A_360 : vector<16xi32>
    %broadcast_in_dim3A_362 = vector.broadcast %reduce_sum3A_359 : f32 to vector<16xf32>
    %select_n3A_363 = arith.select %eq3A_361, %broadcast_in_dim3A_362, %broadcast_in_dim3A_324 : vector<16xi1>, vector<16xf32>
    %dma_wait3A_364 = arith.constant 1 : i32
    %dma_wait3A_365 = arith.constant 1 : i32
    %dma_wait3A_366 = arith.constant 0 : i32
    %dma_wait3A_367 = arith.constant 0 : i32
    %dma_wait3A_368 = tpu.memref_slice %arg4[%dma_wait3A_364, %dma_wait3A_366, %dma_wait3A_367] : memref<16x48x128xf32, #tpu.memory_space<vmem>> -> memref<1x48x128xf32, #tpu.memory_space<vmem>>
    %dma_wait3A_369 = tpu.memref_squeeze %dma_wait3A_368 : memref<1x48x128xf32, #tpu.memory_space<vmem>> -> memref<48x128xf32, #tpu.memory_space<vmem>>
    %dma_wait3A_370 = arith.constant 296 : i32
    %dma_wait3A_371 = arith.constant 384 : i32
    %dma_wait3A_372 = tpu.memref_slice %arg2[%add3A_4, %dma_wait3A_370, %dma_wait3A_371] : memref<32x1024x1024xf32, #tpu.memory_space<hbm>> -> memref<1x48x128xf32, #tpu.memory_space<hbm>>
    %dma_wait3A_373 = tpu.memref_squeeze %dma_wait3A_372 : memref<1x48x128xf32, #tpu.memory_space<hbm>> -> memref<48x128xf32, #tpu.memory_space<hbm>>
    %dma_wait3A_374 = tpu.memref_slice %arg6[%dma_wait3A_365] : memref<16x!tpu.dma_semaphore, #tpu.memory_space<semaphore_mem>> -> memref<1x!tpu.dma_semaphore, #tpu.memory_space<semaphore_mem>>
    %dma_wait3A_375 = tpu.memref_squeeze %dma_wait3A_374 : memref<1x!tpu.dma_semaphore, #tpu.memory_space<semaphore_mem>> -> memref<!tpu.dma_semaphore, #tpu.memory_space<semaphore_mem>>
    %dma_wait3A_376 = arith.constant 0 : i32
    %dma_wait3A_377 = arith.constant 0 : i32
    %dma_wait3A_378 = tpu.memref_slice %arg4[%dma_wait3A_364, %dma_wait3A_376, %dma_wait3A_377] : memref<16x48x128xf32, #tpu.memory_space<vmem>> -> memref<1x48x128xf32, #tpu.memory_space<vmem>>
    %dma_wait3A_379 = tpu.memref_squeeze %dma_wait3A_378 : memref<1x48x128xf32, #tpu.memory_space<vmem>> -> memref<48x128xf32, #tpu.memory_space<vmem>>
    %dma_wait3A_380 = arith.constant 296 : i32
    %dma_wait3A_381 = arith.constant 384 : i32
    %dma_wait3A_382 = tpu.memref_slice %arg2[%add3A_4, %dma_wait3A_380, %dma_wait3A_381] : memref<32x1024x1024xf32, #tpu.memory_space<hbm>> -> memref<1x48x128xf32, #tpu.memory_space<hbm>>
    %dma_wait3A_383 = tpu.memref_squeeze %dma_wait3A_382 : memref<1x48x128xf32, #tpu.memory_space<hbm>> -> memref<48x128xf32, #tpu.memory_space<hbm>>
    tpu.wait_dma2 semaphore(%dma_wait3A_375 : memref<!tpu.dma_semaphore, #tpu.memory_space<semaphore_mem>>) src(%dma_wait3A_383 : memref<48x128xf32, #tpu.memory_space<hbm>>) dst(%dma_wait3A_379 : memref<48x128xf32, #tpu.memory_space<vmem>>)
    %scan3A_384 = arith.constant 0 : i32
    %scan3A_385 = arith.constant 19 : i32
    %scan3A_386 = arith.addi %scan3A_384, %scan3A_385 : i32
    %scan3A_387 = arith.constant 1 : i32
    %scan3A_388:6 = scf.for %scan3A_1010 = %scan3A_384 to %scan3A_386 step %scan3A_387 iter_args(%scan3A_1011 = %broadcast_in_dim3A_326, %scan3A_1012 = %broadcast_in_dim3A_326, %scan3A_1013 = %broadcast_in_dim3A_326, %scan3A_1014 = %broadcast_in_dim3A_326, %scan3A_1015 = %broadcast_in_dim3A_326, %scan3A_1016 = %broadcast_in_dim3A_326) -> (vector<16xf32>, vector<16xf32>, vector<16xf32>, vector<16xf32>, vector<16xf32>, vector<16xf32>)  : i32 {
      %mul3A_1017 = arith.constant 2 : i32
      %mul3A_1018 = arith.muli %mul3A_1017, %scan3A_1010 : i32
      %add3A_1019 = arith.constant 5 : i32
      %add3A_1020 = arith.addi %add3A_1019, %mul3A_1018 : i32
      %add3A_1021 = arith.constant 0 : i32
      %add3A_1022 = arith.addi %add3A_1020, %add3A_1021 : i32
      %get3A = arith.constant 1 : i32
      %get3A_1023 = arith.index_cast %get3A : i32 to index
      %get3A_1024 = arith.index_cast %add3A_1022 : i32 to index
      %get3A_1025 = arith.constant 45 : index
      %get3A_1026 = tpu.vector_load %arg4[%get3A_1023, %get3A_1024, %get3A_1025] {strides = array<i32>} : memref<16x48x128xf32, #tpu.memory_space<vmem>>, vector<16xf32>,
      %mul3A_1027 = arith.mulf %get3A_1026, %get3A_1026 : vector<16xf32>
      %add3A_1028 = arith.addf %scan3A_1011, %mul3A_1027 : vector<16xf32>
      %add3A_1029 = arith.constant 0 : i32
      %add3A_1030 = arith.addi %add3A_1020, %add3A_1029 : i32
      %get3A_1031 = arith.constant 1 : i32
      %get3A_1032 = arith.index_cast %get3A_1031 : i32 to index
      %get3A_1033 = arith.index_cast %add3A_1030 : i32 to index
      %get3A_1034 = arith.constant 61 : index
      %get3A_1035 = tpu.vector_load %arg4[%get3A_1032, %get3A_1033, %get3A_1034] {strides = array<i32>} : memref<16x48x128xf32, #tpu.memory_space<vmem>>, vector<16xf32>,
      %mul3A_1036 = arith.mulf %get3A_1035, %get3A_1035 : vector<16xf32>
      %add3A_1037 = arith.addf %scan3A_1012, %mul3A_1036 : vector<16xf32>
      %add3A_1038 = arith.constant 0 : i32
      %add3A_1039 = arith.addi %add3A_1020, %add3A_1038 : i32
      %get3A_1040 = arith.constant 1 : i32
      %get3A_1041 = arith.index_cast %get3A_1040 : i32 to index
      %get3A_1042 = arith.index_cast %add3A_1039 : i32 to index
      %get3A_1043 = arith.constant 77 : index
      %get3A_1044 = tpu.vector_load %arg4[%get3A_1041, %get3A_1042, %get3A_1043] {strides = array<i32>} : memref<16x48x128xf32, #tpu.memory_space<vmem>>, vector<16xf32>,
      %mul3A_1045 = arith.mulf %get3A_1044, %get3A_1044 : vector<16xf32>
      %add3A_1046 = arith.addf %scan3A_1013, %mul3A_1045 : vector<16xf32>
      %add3A_1047 = arith.constant 1 : i32
      %add3A_1048 = arith.addi %add3A_1020, %add3A_1047 : i32
      %get3A_1049 = arith.constant 1 : i32
      %get3A_1050 = arith.index_cast %get3A_1049 : i32 to index
      %get3A_1051 = arith.index_cast %add3A_1048 : i32 to index
      %get3A_1052 = arith.constant 45 : index
      %get3A_1053 = tpu.vector_load %arg4[%get3A_1050, %get3A_1051, %get3A_1052] {strides = array<i32>} : memref<16x48x128xf32, #tpu.memory_space<vmem>>, vector<16xf32>,
      %mul3A_1054 = arith.mulf %get3A_1053, %get3A_1053 : vector<16xf32>
      %add3A_1055 = arith.addf %scan3A_1014, %mul3A_1054 : vector<16xf32>
      %add3A_1056 = arith.constant 1 : i32
      %add3A_1057 = arith.addi %add3A_1020, %add3A_1056 : i32
      %get3A_1058 = arith.constant 1 : i32
      %get3A_1059 = arith.index_cast %get3A_1058 : i32 to index
      %get3A_1060 = arith.index_cast %add3A_1057 : i32 to index
      %get3A_1061 = arith.constant 61 : index
      %get3A_1062 = tpu.vector_load %arg4[%get3A_1059, %get3A_1060, %get3A_1061] {strides = array<i32>} : memref<16x48x128xf32, #tpu.memory_space<vmem>>, vector<16xf32>,
      %mul3A_1063 = arith.mulf %get3A_1062, %get3A_1062 : vector<16xf32>
      %add3A_1064 = arith.addf %scan3A_1015, %mul3A_1063 : vector<16xf32>
      %add3A_1065 = arith.constant 1 : i32
      %add3A_1066 = arith.addi %add3A_1020, %add3A_1065 : i32
      %get3A_1067 = arith.constant 1 : i32
      %get3A_1068 = arith.index_cast %get3A_1067 : i32 to index
      %get3A_1069 = arith.index_cast %add3A_1066 : i32 to index
      %get3A_1070 = arith.constant 77 : index
      %get3A_1071 = tpu.vector_load %arg4[%get3A_1068, %get3A_1069, %get3A_1070] {strides = array<i32>} : memref<16x48x128xf32, #tpu.memory_space<vmem>>, vector<16xf32>,
      %mul3A_1072 = arith.mulf %get3A_1071, %get3A_1071 : vector<16xf32>
      %add3A_1073 = arith.addf %scan3A_1016, %mul3A_1072 : vector<16xf32>
      scf.yield %add3A_1028, %add3A_1037, %add3A_1046, %add3A_1055, %add3A_1064, %add3A_1073 : vector<16xf32>, vector<16xf32>, vector<16xf32>, vector<16xf32>, vector<16xf32>, vector<16xf32>
    }
    %scan3A_389 = arith.constant 19 : i32
    %add3A_390 = arith.addf %scan3A_388#0, %scan3A_388#3 : vector<16xf32>
    %add3A_391 = arith.addf %scan3A_388#1, %scan3A_388#4 : vector<16xf32>
    %add3A_392 = arith.addf %scan3A_388#2, %scan3A_388#5 : vector<16xf32>
    %jit3A_393 = arith.constant 0.000000e+00 : f32
    %broadcast_in_dim3A_394 = vector.broadcast %jit3A_393 : f32 to vector<16xf32>
    %select_n3A_395 = arith.select %lt3A_2, %add3A_392, %broadcast_in_dim3A_394 : vector<16xi1>, vector<16xf32>
    %add3A_396 = arith.addf %add3A_390, %add3A_391 : vector<16xf32>
    %add3A_397 = arith.addf %add3A_396, %select_n3A_395 : vector<16xf32>
    %reduce_sum3A_398 = arith.constant true
    %reduce_sum3A_399 = vector.broadcast %reduce_sum3A_398 : i1 to vector<16xi1>
    %reduce_sum3A_400 = tpu.scan <sum>, %add3A_397 masked %reduce_sum3A_399 : vector<16xf32>, vector<16xi1> -> vector<16xf32>
    %reduce_sum3A_401 = vector.extract %reduce_sum3A_400[15] : f32 from vector<16xf32>
    %eq3A_402 = arith.constant 1 : i32
    %eq3A_403 = vector.broadcast %eq3A_402 : i32 to vector<16xi32>
    %eq3A_404 = arith.cmpi eq, %iota3A, %eq3A_403 : vector<16xi32>
    %broadcast_in_dim3A_405 = vector.broadcast %reduce_sum3A_401 : f32 to vector<16xf32>
    %select_n3A_406 = arith.select %eq3A_404, %broadcast_in_dim3A_405, %select_n3A_363 : vector<16xi1>, vector<16xf32>
    %dma_wait3A_407 = arith.constant 2 : i32
    %dma_wait3A_408 = arith.constant 2 : i32
    %dma_wait3A_409 = arith.constant 0 : i32
    %dma_wait3A_410 = arith.constant 0 : i32
    %dma_wait3A_411 = tpu.memref_slice %arg4[%dma_wait3A_407, %dma_wait3A_409, %dma_wait3A_410] : memref<16x48x128xf32, #tpu.memory_space<vmem>> -> memref<1x48x128xf32, #tpu.memory_space<vmem>>
    %dma_wait3A_412 = tpu.memref_squeeze %dma_wait3A_411 : memref<1x48x128xf32, #tpu.memory_space<vmem>> -> memref<48x128xf32, #tpu.memory_space<vmem>>
    %dma_wait3A_413 = arith.constant 296 : i32
    %dma_wait3A_414 = arith.constant 512 : i32
    %dma_wait3A_415 = tpu.memref_slice %arg2[%add3A_4, %dma_wait3A_413, %dma_wait3A_414] : memref<32x1024x1024xf32, #tpu.memory_space<hbm>> -> memref<1x48x128xf32, #tpu.memory_space<hbm>>
    %dma_wait3A_416 = tpu.memref_squeeze %dma_wait3A_415 : memref<1x48x128xf32, #tpu.memory_space<hbm>> -> memref<48x128xf32, #tpu.memory_space<hbm>>
    %dma_wait3A_417 = tpu.memref_slice %arg6[%dma_wait3A_408] : memref<16x!tpu.dma_semaphore, #tpu.memory_space<semaphore_mem>> -> memref<1x!tpu.dma_semaphore, #tpu.memory_space<semaphore_mem>>
    %dma_wait3A_418 = tpu.memref_squeeze %dma_wait3A_417 : memref<1x!tpu.dma_semaphore, #tpu.memory_space<semaphore_mem>> -> memref<!tpu.dma_semaphore, #tpu.memory_space<semaphore_mem>>
    %dma_wait3A_419 = arith.constant 0 : i32
    %dma_wait3A_420 = arith.constant 0 : i32
    %dma_wait3A_421 = tpu.memref_slice %arg4[%dma_wait3A_407, %dma_wait3A_419, %dma_wait3A_420] : memref<16x48x128xf32, #tpu.memory_space<vmem>> -> memref<1x48x128xf32, #tpu.memory_space<vmem>>
    %dma_wait3A_422 = tpu.memref_squeeze %dma_wait3A_421 : memref<1x48x128xf32, #tpu.memory_space<vmem>> -> memref<48x128xf32, #tpu.memory_space<vmem>>
    %dma_wait3A_423 = arith.constant 296 : i32
    %dma_wait3A_424 = arith.constant 512 : i32
    %dma_wait3A_425 = tpu.memref_slice %arg2[%add3A_4, %dma_wait3A_423, %dma_wait3A_424] : memref<32x1024x1024xf32, #tpu.memory_space<hbm>> -> memref<1x48x128xf32, #tpu.memory_space<hbm>>
    %dma_wait3A_426 = tpu.memref_squeeze %dma_wait3A_425 : memref<1x48x128xf32, #tpu.memory_space<hbm>> -> memref<48x128xf32, #tpu.memory_space<hbm>>
    tpu.wait_dma2 semaphore(%dma_wait3A_418 : memref<!tpu.dma_semaphore, #tpu.memory_space<semaphore_mem>>) src(%dma_wait3A_426 : memref<48x128xf32, #tpu.memory_space<hbm>>) dst(%dma_wait3A_422 : memref<48x128xf32, #tpu.memory_space<vmem>>)
    %scan3A_427 = arith.constant 0 : i32
    %scan3A_428 = arith.constant 19 : i32
    %scan3A_429 = arith.addi %scan3A_427, %scan3A_428 : i32
    %scan3A_430 = arith.constant 1 : i32
    %scan3A_431:6 = scf.for %scan3A_1010 = %scan3A_427 to %scan3A_429 step %scan3A_430 iter_args(%scan3A_1011 = %broadcast_in_dim3A_326, %scan3A_1012 = %broadcast_in_dim3A_326, %scan3A_1013 = %broadcast_in_dim3A_326, %scan3A_1014 = %broadcast_in_dim3A_326, %scan3A_1015 = %broadcast_in_dim3A_326, %scan3A_1016 = %broadcast_in_dim3A_326) -> (vector<16xf32>, vector<16xf32>, vector<16xf32>, vector<16xf32>, vector<16xf32>, vector<16xf32>)  : i32 {
      %mul3A_1017 = arith.constant 2 : i32
      %mul3A_1018 = arith.muli %mul3A_1017, %scan3A_1010 : i32
      %add3A_1019 = arith.constant 5 : i32
      %add3A_1020 = arith.addi %add3A_1019, %mul3A_1018 : i32
      %add3A_1021 = arith.constant 0 : i32
      %add3A_1022 = arith.addi %add3A_1020, %add3A_1021 : i32
      %get3A = arith.constant 2 : i32
      %get3A_1023 = arith.index_cast %get3A : i32 to index
      %get3A_1024 = arith.index_cast %add3A_1022 : i32 to index
      %get3A_1025 = arith.constant 45 : index
      %get3A_1026 = tpu.vector_load %arg4[%get3A_1023, %get3A_1024, %get3A_1025] {strides = array<i32>} : memref<16x48x128xf32, #tpu.memory_space<vmem>>, vector<16xf32>,
      %mul3A_1027 = arith.mulf %get3A_1026, %get3A_1026 : vector<16xf32>
      %add3A_1028 = arith.addf %scan3A_1011, %mul3A_1027 : vector<16xf32>
      %add3A_1029 = arith.constant 0 : i32
      %add3A_1030 = arith.addi %add3A_1020, %add3A_1029 : i32
      %get3A_1031 = arith.constant 2 : i32
      %get3A_1032 = arith.index_cast %get3A_1031 : i32 to index
      %get3A_1033 = arith.index_cast %add3A_1030 : i32 to index
      %get3A_1034 = arith.constant 61 : index
      %get3A_1035 = tpu.vector_load %arg4[%get3A_1032, %get3A_1033, %get3A_1034] {strides = array<i32>} : memref<16x48x128xf32, #tpu.memory_space<vmem>>, vector<16xf32>,
      %mul3A_1036 = arith.mulf %get3A_1035, %get3A_1035 : vector<16xf32>
      %add3A_1037 = arith.addf %scan3A_1012, %mul3A_1036 : vector<16xf32>
      %add3A_1038 = arith.constant 0 : i32
      %add3A_1039 = arith.addi %add3A_1020, %add3A_1038 : i32
      %get3A_1040 = arith.constant 2 : i32
      %get3A_1041 = arith.index_cast %get3A_1040 : i32 to index
      %get3A_1042 = arith.index_cast %add3A_1039 : i32 to index
      %get3A_1043 = arith.constant 77 : index
      %get3A_1044 = tpu.vector_load %arg4[%get3A_1041, %get3A_1042, %get3A_1043] {strides = array<i32>} : memref<16x48x128xf32, #tpu.memory_space<vmem>>, vector<16xf32>,
      %mul3A_1045 = arith.mulf %get3A_1044, %get3A_1044 : vector<16xf32>
      %add3A_1046 = arith.addf %scan3A_1013, %mul3A_1045 : vector<16xf32>
      %add3A_1047 = arith.constant 1 : i32
      %add3A_1048 = arith.addi %add3A_1020, %add3A_1047 : i32
      %get3A_1049 = arith.constant 2 : i32
      %get3A_1050 = arith.index_cast %get3A_1049 : i32 to index
      %get3A_1051 = arith.index_cast %add3A_1048 : i32 to index
      %get3A_1052 = arith.constant 45 : index
      %get3A_1053 = tpu.vector_load %arg4[%get3A_1050, %get3A_1051, %get3A_1052] {strides = array<i32>} : memref<16x48x128xf32, #tpu.memory_space<vmem>>, vector<16xf32>,
      %mul3A_1054 = arith.mulf %get3A_1053, %get3A_1053 : vector<16xf32>
      %add3A_1055 = arith.addf %scan3A_1014, %mul3A_1054 : vector<16xf32>
      %add3A_1056 = arith.constant 1 : i32
      %add3A_1057 = arith.addi %add3A_1020, %add3A_1056 : i32
      %get3A_1058 = arith.constant 2 : i32
      %get3A_1059 = arith.index_cast %get3A_1058 : i32 to index
      %get3A_1060 = arith.index_cast %add3A_1057 : i32 to index
      %get3A_1061 = arith.constant 61 : index
      %get3A_1062 = tpu.vector_load %arg4[%get3A_1059, %get3A_1060, %get3A_1061] {strides = array<i32>} : memref<16x48x128xf32, #tpu.memory_space<vmem>>, vector<16xf32>,
      %mul3A_1063 = arith.mulf %get3A_1062, %get3A_1062 : vector<16xf32>
      %add3A_1064 = arith.addf %scan3A_1015, %mul3A_1063 : vector<16xf32>
      %add3A_1065 = arith.constant 1 : i32
      %add3A_1066 = arith.addi %add3A_1020, %add3A_1065 : i32
      %get3A_1067 = arith.constant 2 : i32
      %get3A_1068 = arith.index_cast %get3A_1067 : i32 to index
      %get3A_1069 = arith.index_cast %add3A_1066 : i32 to index
      %get3A_1070 = arith.constant 77 : index
      %get3A_1071 = tpu.vector_load %arg4[%get3A_1068, %get3A_1069, %get3A_1070] {strides = array<i32>} : memref<16x48x128xf32, #tpu.memory_space<vmem>>, vector<16xf32>,
      %mul3A_1072 = arith.mulf %get3A_1071, %get3A_1071 : vector<16xf32>
      %add3A_1073 = arith.addf %scan3A_1016, %mul3A_1072 : vector<16xf32>
      scf.yield %add3A_1028, %add3A_1037, %add3A_1046, %add3A_1055, %add3A_1064, %add3A_1073 : vector<16xf32>, vector<16xf32>, vector<16xf32>, vector<16xf32>, vector<16xf32>, vector<16xf32>
    }
    %scan3A_432 = arith.constant 19 : i32
    %add3A_433 = arith.addf %scan3A_431#0, %scan3A_431#3 : vector<16xf32>
    %add3A_434 = arith.addf %scan3A_431#1, %scan3A_431#4 : vector<16xf32>
    %add3A_435 = arith.addf %scan3A_431#2, %scan3A_431#5 : vector<16xf32>
    %jit3A_436 = arith.constant 0.000000e+00 : f32
    %broadcast_in_dim3A_437 = vector.broadcast %jit3A_436 : f32 to vector<16xf32>
    %select_n3A_438 = arith.select %lt3A_2, %add3A_435, %broadcast_in_dim3A_437 : vector<16xi1>, vector<16xf32>
    %add3A_439 = arith.addf %add3A_433, %add3A_434 : vector<16xf32>
    %add3A_440 = arith.addf %add3A_439, %select_n3A_438 : vector<16xf32>
    %reduce_sum3A_441 = arith.constant true
    %reduce_sum3A_442 = vector.broadcast %reduce_sum3A_441 : i1 to vector<16xi1>
    %reduce_sum3A_443 = tpu.scan <sum>, %add3A_440 masked %reduce_sum3A_442 : vector<16xf32>, vector<16xi1> -> vector<16xf32>
    %reduce_sum3A_444 = vector.extract %reduce_sum3A_443[15] : f32 from vector<16xf32>
    %eq3A_445 = arith.constant 2 : i32
    %eq3A_446 = vector.broadcast %eq3A_445 : i32 to vector<16xi32>
    %eq3A_447 = arith.cmpi eq, %iota3A, %eq3A_446 : vector<16xi32>
    %broadcast_in_dim3A_448 = vector.broadcast %reduce_sum3A_444 : f32 to vector<16xf32>
    %select_n3A_449 = arith.select %eq3A_447, %broadcast_in_dim3A_448, %select_n3A_406 : vector<16xi1>, vector<16xf32>
    %dma_wait3A_450 = arith.constant 3 : i32
    %dma_wait3A_451 = arith.constant 3 : i32
    %dma_wait3A_452 = arith.constant 0 : i32
    %dma_wait3A_453 = arith.constant 0 : i32
    %dma_wait3A_454 = tpu.memref_slice %arg4[%dma_wait3A_450, %dma_wait3A_452, %dma_wait3A_453] : memref<16x48x128xf32, #tpu.memory_space<vmem>> -> memref<1x48x128xf32, #tpu.memory_space<vmem>>
    %dma_wait3A_455 = tpu.memref_squeeze %dma_wait3A_454 : memref<1x48x128xf32, #tpu.memory_space<vmem>> -> memref<48x128xf32, #tpu.memory_space<vmem>>
    %dma_wait3A_456 = arith.constant 296 : i32
    %dma_wait3A_457 = arith.constant 640 : i32
    %dma_wait3A_458 = tpu.memref_slice %arg2[%add3A_4, %dma_wait3A_456, %dma_wait3A_457] : memref<32x1024x1024xf32, #tpu.memory_space<hbm>> -> memref<1x48x128xf32, #tpu.memory_space<hbm>>
    %dma_wait3A_459 = tpu.memref_squeeze %dma_wait3A_458 : memref<1x48x128xf32, #tpu.memory_space<hbm>> -> memref<48x128xf32, #tpu.memory_space<hbm>>
    %dma_wait3A_460 = tpu.memref_slice %arg6[%dma_wait3A_451] : memref<16x!tpu.dma_semaphore, #tpu.memory_space<semaphore_mem>> -> memref<1x!tpu.dma_semaphore, #tpu.memory_space<semaphore_mem>>
    %dma_wait3A_461 = tpu.memref_squeeze %dma_wait3A_460 : memref<1x!tpu.dma_semaphore, #tpu.memory_space<semaphore_mem>> -> memref<!tpu.dma_semaphore, #tpu.memory_space<semaphore_mem>>
    %dma_wait3A_462 = arith.constant 0 : i32
    %dma_wait3A_463 = arith.constant 0 : i32
    %dma_wait3A_464 = tpu.memref_slice %arg4[%dma_wait3A_450, %dma_wait3A_462, %dma_wait3A_463] : memref<16x48x128xf32, #tpu.memory_space<vmem>> -> memref<1x48x128xf32, #tpu.memory_space<vmem>>
    %dma_wait3A_465 = tpu.memref_squeeze %dma_wait3A_464 : memref<1x48x128xf32, #tpu.memory_space<vmem>> -> memref<48x128xf32, #tpu.memory_space<vmem>>
    %dma_wait3A_466 = arith.constant 296 : i32
    %dma_wait3A_467 = arith.constant 640 : i32
    %dma_wait3A_468 = tpu.memref_slice %arg2[%add3A_4, %dma_wait3A_466, %dma_wait3A_467] : memref<32x1024x1024xf32, #tpu.memory_space<hbm>> -> memref<1x48x128xf32, #tpu.memory_space<hbm>>
    %dma_wait3A_469 = tpu.memref_squeeze %dma_wait3A_468 : memref<1x48x128xf32, #tpu.memory_space<hbm>> -> memref<48x128xf32, #tpu.memory_space<hbm>>
    tpu.wait_dma2 semaphore(%dma_wait3A_461 : memref<!tpu.dma_semaphore, #tpu.memory_space<semaphore_mem>>) src(%dma_wait3A_469 : memref<48x128xf32, #tpu.memory_space<hbm>>) dst(%dma_wait3A_465 : memref<48x128xf32, #tpu.memory_space<vmem>>)
    %scan3A_470 = arith.constant 0 : i32
    %scan3A_471 = arith.constant 19 : i32
    %scan3A_472 = arith.addi %scan3A_470, %scan3A_471 : i32
    %scan3A_473 = arith.constant 1 : i32
    %scan3A_474:6 = scf.for %scan3A_1010 = %scan3A_470 to %scan3A_472 step %scan3A_473 iter_args(%scan3A_1011 = %broadcast_in_dim3A_326, %scan3A_1012 = %broadcast_in_dim3A_326, %scan3A_1013 = %broadcast_in_dim3A_326, %scan3A_1014 = %broadcast_in_dim3A_326, %scan3A_1015 = %broadcast_in_dim3A_326, %scan3A_1016 = %broadcast_in_dim3A_326) -> (vector<16xf32>, vector<16xf32>, vector<16xf32>, vector<16xf32>, vector<16xf32>, vector<16xf32>)  : i32 {
      %mul3A_1017 = arith.constant 2 : i32
      %mul3A_1018 = arith.muli %mul3A_1017, %scan3A_1010 : i32
      %add3A_1019 = arith.constant 5 : i32
      %add3A_1020 = arith.addi %add3A_1019, %mul3A_1018 : i32
      %add3A_1021 = arith.constant 0 : i32
      %add3A_1022 = arith.addi %add3A_1020, %add3A_1021 : i32
      %get3A = arith.constant 3 : i32
      %get3A_1023 = arith.index_cast %get3A : i32 to index
      %get3A_1024 = arith.index_cast %add3A_1022 : i32 to index
      %get3A_1025 = arith.constant 45 : index
      %get3A_1026 = tpu.vector_load %arg4[%get3A_1023, %get3A_1024, %get3A_1025] {strides = array<i32>} : memref<16x48x128xf32, #tpu.memory_space<vmem>>, vector<16xf32>,
      %mul3A_1027 = arith.mulf %get3A_1026, %get3A_1026 : vector<16xf32>
      %add3A_1028 = arith.addf %scan3A_1011, %mul3A_1027 : vector<16xf32>
      %add3A_1029 = arith.constant 0 : i32
      %add3A_1030 = arith.addi %add3A_1020, %add3A_1029 : i32
      %get3A_1031 = arith.constant 3 : i32
      %get3A_1032 = arith.index_cast %get3A_1031 : i32 to index
      %get3A_1033 = arith.index_cast %add3A_1030 : i32 to index
      %get3A_1034 = arith.constant 61 : index
      %get3A_1035 = tpu.vector_load %arg4[%get3A_1032, %get3A_1033, %get3A_1034] {strides = array<i32>} : memref<16x48x128xf32, #tpu.memory_space<vmem>>, vector<16xf32>,
      %mul3A_1036 = arith.mulf %get3A_1035, %get3A_1035 : vector<16xf32>
      %add3A_1037 = arith.addf %scan3A_1012, %mul3A_1036 : vector<16xf32>
      %add3A_1038 = arith.constant 0 : i32
      %add3A_1039 = arith.addi %add3A_1020, %add3A_1038 : i32
      %get3A_1040 = arith.constant 3 : i32
      %get3A_1041 = arith.index_cast %get3A_1040 : i32 to index
      %get3A_1042 = arith.index_cast %add3A_1039 : i32 to index
      %get3A_1043 = arith.constant 77 : index
      %get3A_1044 = tpu.vector_load %arg4[%get3A_1041, %get3A_1042, %get3A_1043] {strides = array<i32>} : memref<16x48x128xf32, #tpu.memory_space<vmem>>, vector<16xf32>,
      %mul3A_1045 = arith.mulf %get3A_1044, %get3A_1044 : vector<16xf32>
      %add3A_1046 = arith.addf %scan3A_1013, %mul3A_1045 : vector<16xf32>
      %add3A_1047 = arith.constant 1 : i32
      %add3A_1048 = arith.addi %add3A_1020, %add3A_1047 : i32
      %get3A_1049 = arith.constant 3 : i32
      %get3A_1050 = arith.index_cast %get3A_1049 : i32 to index
      %get3A_1051 = arith.index_cast %add3A_1048 : i32 to index
      %get3A_1052 = arith.constant 45 : index
      %get3A_1053 = tpu.vector_load %arg4[%get3A_1050, %get3A_1051, %get3A_1052] {strides = array<i32>} : memref<16x48x128xf32, #tpu.memory_space<vmem>>, vector<16xf32>,
      %mul3A_1054 = arith.mulf %get3A_1053, %get3A_1053 : vector<16xf32>
      %add3A_1055 = arith.addf %scan3A_1014, %mul3A_1054 : vector<16xf32>
      %add3A_1056 = arith.constant 1 : i32
      %add3A_1057 = arith.addi %add3A_1020, %add3A_1056 : i32
      %get3A_1058 = arith.constant 3 : i32
      %get3A_1059 = arith.index_cast %get3A_1058 : i32 to index
      %get3A_1060 = arith.index_cast %add3A_1057 : i32 to index
      %get3A_1061 = arith.constant 61 : index
      %get3A_1062 = tpu.vector_load %arg4[%get3A_1059, %get3A_1060, %get3A_1061] {strides = array<i32>} : memref<16x48x128xf32, #tpu.memory_space<vmem>>, vector<16xf32>,
      %mul3A_1063 = arith.mulf %get3A_1062, %get3A_1062 : vector<16xf32>
      %add3A_1064 = arith.addf %scan3A_1015, %mul3A_1063 : vector<16xf32>
      %add3A_1065 = arith.constant 1 : i32
      %add3A_1066 = arith.addi %add3A_1020, %add3A_1065 : i32
      %get3A_1067 = arith.constant 3 : i32
      %get3A_1068 = arith.index_cast %get3A_1067 : i32 to index
      %get3A_1069 = arith.index_cast %add3A_1066 : i32 to index
      %get3A_1070 = arith.constant 77 : index
      %get3A_1071 = tpu.vector_load %arg4[%get3A_1068, %get3A_1069, %get3A_1070] {strides = array<i32>} : memref<16x48x128xf32, #tpu.memory_space<vmem>>, vector<16xf32>,
      %mul3A_1072 = arith.mulf %get3A_1071, %get3A_1071 : vector<16xf32>
      %add3A_1073 = arith.addf %scan3A_1016, %mul3A_1072 : vector<16xf32>
      scf.yield %add3A_1028, %add3A_1037, %add3A_1046, %add3A_1055, %add3A_1064, %add3A_1073 : vector<16xf32>, vector<16xf32>, vector<16xf32>, vector<16xf32>, vector<16xf32>, vector<16xf32>
    }
    %scan3A_475 = arith.constant 19 : i32
    %add3A_476 = arith.addf %scan3A_474#0, %scan3A_474#3 : vector<16xf32>
    %add3A_477 = arith.addf %scan3A_474#1, %scan3A_474#4 : vector<16xf32>
    %add3A_478 = arith.addf %scan3A_474#2, %scan3A_474#5 : vector<16xf32>
    %jit3A_479 = arith.constant 0.000000e+00 : f32
    %broadcast_in_dim3A_480 = vector.broadcast %jit3A_479 : f32 to vector<16xf32>
    %select_n3A_481 = arith.select %lt3A_2, %add3A_478, %broadcast_in_dim3A_480 : vector<16xi1>, vector<16xf32>
    %add3A_482 = arith.addf %add3A_476, %add3A_477 : vector<16xf32>
    %add3A_483 = arith.addf %add3A_482, %select_n3A_481 : vector<16xf32>
    %reduce_sum3A_484 = arith.constant true
    %reduce_sum3A_485 = vector.broadcast %reduce_sum3A_484 : i1 to vector<16xi1>
    %reduce_sum3A_486 = tpu.scan <sum>, %add3A_483 masked %reduce_sum3A_485 : vector<16xf32>, vector<16xi1> -> vector<16xf32>
    %reduce_sum3A_487 = vector.extract %reduce_sum3A_486[15] : f32 from vector<16xf32>
    %eq3A_488 = arith.constant 3 : i32
    %eq3A_489 = vector.broadcast %eq3A_488 : i32 to vector<16xi32>
    %eq3A_490 = arith.cmpi eq, %iota3A, %eq3A_489 : vector<16xi32>
    %broadcast_in_dim3A_491 = vector.broadcast %reduce_sum3A_487 : f32 to vector<16xf32>
    %select_n3A_492 = arith.select %eq3A_490, %broadcast_in_dim3A_491, %select_n3A_449 : vector<16xi1>, vector<16xf32>
    %dma_wait3A_493 = arith.constant 4 : i32
    %dma_wait3A_494 = arith.constant 4 : i32
    %dma_wait3A_495 = arith.constant 0 : i32
    %dma_wait3A_496 = arith.constant 0 : i32
    %dma_wait3A_497 = tpu.memref_slice %arg4[%dma_wait3A_493, %dma_wait3A_495, %dma_wait3A_496] : memref<16x48x128xf32, #tpu.memory_space<vmem>> -> memref<1x48x128xf32, #tpu.memory_space<vmem>>
    %dma_wait3A_498 = tpu.memref_squeeze %dma_wait3A_497 : memref<1x48x128xf32, #tpu.memory_space<vmem>> -> memref<48x128xf32, #tpu.memory_space<vmem>>
    %dma_wait3A_499 = arith.constant 424 : i32
    %dma_wait3A_500 = arith.constant 256 : i32
    %dma_wait3A_501 = tpu.memref_slice %arg2[%add3A_4, %dma_wait3A_499, %dma_wait3A_500] : memref<32x1024x1024xf32, #tpu.memory_space<hbm>> -> memref<1x48x128xf32, #tpu.memory_space<hbm>>
    %dma_wait3A_502 = tpu.memref_squeeze %dma_wait3A_501 : memref<1x48x128xf32, #tpu.memory_space<hbm>> -> memref<48x128xf32, #tpu.memory_space<hbm>>
    %dma_wait3A_503 = tpu.memref_slice %arg6[%dma_wait3A_494] : memref<16x!tpu.dma_semaphore, #tpu.memory_space<semaphore_mem>> -> memref<1x!tpu.dma_semaphore, #tpu.memory_space<semaphore_mem>>
    %dma_wait3A_504 = tpu.memref_squeeze %dma_wait3A_503 : memref<1x!tpu.dma_semaphore, #tpu.memory_space<semaphore_mem>> -> memref<!tpu.dma_semaphore, #tpu.memory_space<semaphore_mem>>
    %dma_wait3A_505 = arith.constant 0 : i32
    %dma_wait3A_506 = arith.constant 0 : i32
    %dma_wait3A_507 = tpu.memref_slice %arg4[%dma_wait3A_493, %dma_wait3A_505, %dma_wait3A_506] : memref<16x48x128xf32, #tpu.memory_space<vmem>> -> memref<1x48x128xf32, #tpu.memory_space<vmem>>
    %dma_wait3A_508 = tpu.memref_squeeze %dma_wait3A_507 : memref<1x48x128xf32, #tpu.memory_space<vmem>> -> memref<48x128xf32, #tpu.memory_space<vmem>>
    %dma_wait3A_509 = arith.constant 424 : i32
    %dma_wait3A_510 = arith.constant 256 : i32
    %dma_wait3A_511 = tpu.memref_slice %arg2[%add3A_4, %dma_wait3A_509, %dma_wait3A_510] : memref<32x1024x1024xf32, #tpu.memory_space<hbm>> -> memref<1x48x128xf32, #tpu.memory_space<hbm>>
    %dma_wait3A_512 = tpu.memref_squeeze %dma_wait3A_511 : memref<1x48x128xf32, #tpu.memory_space<hbm>> -> memref<48x128xf32, #tpu.memory_space<hbm>>
    tpu.wait_dma2 semaphore(%dma_wait3A_504 : memref<!tpu.dma_semaphore, #tpu.memory_space<semaphore_mem>>) src(%dma_wait3A_512 : memref<48x128xf32, #tpu.memory_space<hbm>>) dst(%dma_wait3A_508 : memref<48x128xf32, #tpu.memory_space<vmem>>)
    %scan3A_513 = arith.constant 0 : i32
    %scan3A_514 = arith.constant 19 : i32
    %scan3A_515 = arith.addi %scan3A_513, %scan3A_514 : i32
    %scan3A_516 = arith.constant 1 : i32
    %scan3A_517:6 = scf.for %scan3A_1010 = %scan3A_513 to %scan3A_515 step %scan3A_516 iter_args(%scan3A_1011 = %broadcast_in_dim3A_326, %scan3A_1012 = %broadcast_in_dim3A_326, %scan3A_1013 = %broadcast_in_dim3A_326, %scan3A_1014 = %broadcast_in_dim3A_326, %scan3A_1015 = %broadcast_in_dim3A_326, %scan3A_1016 = %broadcast_in_dim3A_326) -> (vector<16xf32>, vector<16xf32>, vector<16xf32>, vector<16xf32>, vector<16xf32>, vector<16xf32>)  : i32 {
      %mul3A_1017 = arith.constant 2 : i32
      %mul3A_1018 = arith.muli %mul3A_1017, %scan3A_1010 : i32
      %add3A_1019 = arith.constant 5 : i32
      %add3A_1020 = arith.addi %add3A_1019, %mul3A_1018 : i32
      %add3A_1021 = arith.constant 0 : i32
      %add3A_1022 = arith.addi %add3A_1020, %add3A_1021 : i32
      %get3A = arith.constant 4 : i32
      %get3A_1023 = arith.index_cast %get3A : i32 to index
      %get3A_1024 = arith.index_cast %add3A_1022 : i32 to index
      %get3A_1025 = arith.constant 45 : index
      %get3A_1026 = tpu.vector_load %arg4[%get3A_1023, %get3A_1024, %get3A_1025] {strides = array<i32>} : memref<16x48x128xf32, #tpu.memory_space<vmem>>, vector<16xf32>,
      %mul3A_1027 = arith.mulf %get3A_1026, %get3A_1026 : vector<16xf32>
      %add3A_1028 = arith.addf %scan3A_1011, %mul3A_1027 : vector<16xf32>
      %add3A_1029 = arith.constant 0 : i32
      %add3A_1030 = arith.addi %add3A_1020, %add3A_1029 : i32
      %get3A_1031 = arith.constant 4 : i32
      %get3A_1032 = arith.index_cast %get3A_1031 : i32 to index
      %get3A_1033 = arith.index_cast %add3A_1030 : i32 to index
      %get3A_1034 = arith.constant 61 : index
      %get3A_1035 = tpu.vector_load %arg4[%get3A_1032, %get3A_1033, %get3A_1034] {strides = array<i32>} : memref<16x48x128xf32, #tpu.memory_space<vmem>>, vector<16xf32>,
      %mul3A_1036 = arith.mulf %get3A_1035, %get3A_1035 : vector<16xf32>
      %add3A_1037 = arith.addf %scan3A_1012, %mul3A_1036 : vector<16xf32>
      %add3A_1038 = arith.constant 0 : i32
      %add3A_1039 = arith.addi %add3A_1020, %add3A_1038 : i32
      %get3A_1040 = arith.constant 4 : i32
      %get3A_1041 = arith.index_cast %get3A_1040 : i32 to index
      %get3A_1042 = arith.index_cast %add3A_1039 : i32 to index
      %get3A_1043 = arith.constant 77 : index
      %get3A_1044 = tpu.vector_load %arg4[%get3A_1041, %get3A_1042, %get3A_1043] {strides = array<i32>} : memref<16x48x128xf32, #tpu.memory_space<vmem>>, vector<16xf32>,
      %mul3A_1045 = arith.mulf %get3A_1044, %get3A_1044 : vector<16xf32>
      %add3A_1046 = arith.addf %scan3A_1013, %mul3A_1045 : vector<16xf32>
      %add3A_1047 = arith.constant 1 : i32
      %add3A_1048 = arith.addi %add3A_1020, %add3A_1047 : i32
      %get3A_1049 = arith.constant 4 : i32
      %get3A_1050 = arith.index_cast %get3A_1049 : i32 to index
      %get3A_1051 = arith.index_cast %add3A_1048 : i32 to index
      %get3A_1052 = arith.constant 45 : index
      %get3A_1053 = tpu.vector_load %arg4[%get3A_1050, %get3A_1051, %get3A_1052] {strides = array<i32>} : memref<16x48x128xf32, #tpu.memory_space<vmem>>, vector<16xf32>,
      %mul3A_1054 = arith.mulf %get3A_1053, %get3A_1053 : vector<16xf32>
      %add3A_1055 = arith.addf %scan3A_1014, %mul3A_1054 : vector<16xf32>
      %add3A_1056 = arith.constant 1 : i32
      %add3A_1057 = arith.addi %add3A_1020, %add3A_1056 : i32
      %get3A_1058 = arith.constant 4 : i32
      %get3A_1059 = arith.index_cast %get3A_1058 : i32 to index
      %get3A_1060 = arith.index_cast %add3A_1057 : i32 to index
      %get3A_1061 = arith.constant 61 : index
      %get3A_1062 = tpu.vector_load %arg4[%get3A_1059, %get3A_1060, %get3A_1061] {strides = array<i32>} : memref<16x48x128xf32, #tpu.memory_space<vmem>>, vector<16xf32>,
      %mul3A_1063 = arith.mulf %get3A_1062, %get3A_1062 : vector<16xf32>
      %add3A_1064 = arith.addf %scan3A_1015, %mul3A_1063 : vector<16xf32>
      %add3A_1065 = arith.constant 1 : i32
      %add3A_1066 = arith.addi %add3A_1020, %add3A_1065 : i32
      %get3A_1067 = arith.constant 4 : i32
      %get3A_1068 = arith.index_cast %get3A_1067 : i32 to index
      %get3A_1069 = arith.index_cast %add3A_1066 : i32 to index
      %get3A_1070 = arith.constant 77 : index
      %get3A_1071 = tpu.vector_load %arg4[%get3A_1068, %get3A_1069, %get3A_1070] {strides = array<i32>} : memref<16x48x128xf32, #tpu.memory_space<vmem>>, vector<16xf32>,
      %mul3A_1072 = arith.mulf %get3A_1071, %get3A_1071 : vector<16xf32>
      %add3A_1073 = arith.addf %scan3A_1016, %mul3A_1072 : vector<16xf32>
      scf.yield %add3A_1028, %add3A_1037, %add3A_1046, %add3A_1055, %add3A_1064, %add3A_1073 : vector<16xf32>, vector<16xf32>, vector<16xf32>, vector<16xf32>, vector<16xf32>, vector<16xf32>
    }
    %scan3A_518 = arith.constant 19 : i32
    %add3A_519 = arith.addf %scan3A_517#0, %scan3A_517#3 : vector<16xf32>
    %add3A_520 = arith.addf %scan3A_517#1, %scan3A_517#4 : vector<16xf32>
    %add3A_521 = arith.addf %scan3A_517#2, %scan3A_517#5 : vector<16xf32>
    %jit3A_522 = arith.constant 0.000000e+00 : f32
    %broadcast_in_dim3A_523 = vector.broadcast %jit3A_522 : f32 to vector<16xf32>
    %select_n3A_524 = arith.select %lt3A_2, %add3A_521, %broadcast_in_dim3A_523 : vector<16xi1>, vector<16xf32>
    %add3A_525 = arith.addf %add3A_519, %add3A_520 : vector<16xf32>
    %add3A_526 = arith.addf %add3A_525, %select_n3A_524 : vector<16xf32>
    %reduce_sum3A_527 = arith.constant true
    %reduce_sum3A_528 = vector.broadcast %reduce_sum3A_527 : i1 to vector<16xi1>
    %reduce_sum3A_529 = tpu.scan <sum>, %add3A_526 masked %reduce_sum3A_528 : vector<16xf32>, vector<16xi1> -> vector<16xf32>
    %reduce_sum3A_530 = vector.extract %reduce_sum3A_529[15] : f32 from vector<16xf32>
    %eq3A_531 = arith.constant 4 : i32
    %eq3A_532 = vector.broadcast %eq3A_531 : i32 to vector<16xi32>
    %eq3A_533 = arith.cmpi eq, %iota3A, %eq3A_532 : vector<16xi32>
    %broadcast_in_dim3A_534 = vector.broadcast %reduce_sum3A_530 : f32 to vector<16xf32>
    %select_n3A_535 = arith.select %eq3A_533, %broadcast_in_dim3A_534, %select_n3A_492 : vector<16xi1>, vector<16xf32>
    %dma_wait3A_536 = arith.constant 5 : i32
    %dma_wait3A_537 = arith.constant 5 : i32
    %dma_wait3A_538 = arith.constant 0 : i32
    %dma_wait3A_539 = arith.constant 0 : i32
    %dma_wait3A_540 = tpu.memref_slice %arg4[%dma_wait3A_536, %dma_wait3A_538, %dma_wait3A_539] : memref<16x48x128xf32, #tpu.memory_space<vmem>> -> memref<1x48x128xf32, #tpu.memory_space<vmem>>
    %dma_wait3A_541 = tpu.memref_squeeze %dma_wait3A_540 : memref<1x48x128xf32, #tpu.memory_space<vmem>> -> memref<48x128xf32, #tpu.memory_space<vmem>>
    %dma_wait3A_542 = arith.constant 424 : i32
    %dma_wait3A_543 = arith.constant 384 : i32
    %dma_wait3A_544 = tpu.memref_slice %arg2[%add3A_4, %dma_wait3A_542, %dma_wait3A_543] : memref<32x1024x1024xf32, #tpu.memory_space<hbm>> -> memref<1x48x128xf32, #tpu.memory_space<hbm>>
    %dma_wait3A_545 = tpu.memref_squeeze %dma_wait3A_544 : memref<1x48x128xf32, #tpu.memory_space<hbm>> -> memref<48x128xf32, #tpu.memory_space<hbm>>
    %dma_wait3A_546 = tpu.memref_slice %arg6[%dma_wait3A_537] : memref<16x!tpu.dma_semaphore, #tpu.memory_space<semaphore_mem>> -> memref<1x!tpu.dma_semaphore, #tpu.memory_space<semaphore_mem>>
    %dma_wait3A_547 = tpu.memref_squeeze %dma_wait3A_546 : memref<1x!tpu.dma_semaphore, #tpu.memory_space<semaphore_mem>> -> memref<!tpu.dma_semaphore, #tpu.memory_space<semaphore_mem>>
    %dma_wait3A_548 = arith.constant 0 : i32
    %dma_wait3A_549 = arith.constant 0 : i32
    %dma_wait3A_550 = tpu.memref_slice %arg4[%dma_wait3A_536, %dma_wait3A_548, %dma_wait3A_549] : memref<16x48x128xf32, #tpu.memory_space<vmem>> -> memref<1x48x128xf32, #tpu.memory_space<vmem>>
    %dma_wait3A_551 = tpu.memref_squeeze %dma_wait3A_550 : memref<1x48x128xf32, #tpu.memory_space<vmem>> -> memref<48x128xf32, #tpu.memory_space<vmem>>
    %dma_wait3A_552 = arith.constant 424 : i32
    %dma_wait3A_553 = arith.constant 384 : i32
    %dma_wait3A_554 = tpu.memref_slice %arg2[%add3A_4, %dma_wait3A_552, %dma_wait3A_553] : memref<32x1024x1024xf32, #tpu.memory_space<hbm>> -> memref<1x48x128xf32, #tpu.memory_space<hbm>>
    %dma_wait3A_555 = tpu.memref_squeeze %dma_wait3A_554 : memref<1x48x128xf32, #tpu.memory_space<hbm>> -> memref<48x128xf32, #tpu.memory_space<hbm>>
    tpu.wait_dma2 semaphore(%dma_wait3A_547 : memref<!tpu.dma_semaphore, #tpu.memory_space<semaphore_mem>>) src(%dma_wait3A_555 : memref<48x128xf32, #tpu.memory_space<hbm>>) dst(%dma_wait3A_551 : memref<48x128xf32, #tpu.memory_space<vmem>>)
    %scan3A_556 = arith.constant 0 : i32
    %scan3A_557 = arith.constant 19 : i32
    %scan3A_558 = arith.addi %scan3A_556, %scan3A_557 : i32
    %scan3A_559 = arith.constant 1 : i32
    %scan3A_560:6 = scf.for %scan3A_1010 = %scan3A_556 to %scan3A_558 step %scan3A_559 iter_args(%scan3A_1011 = %broadcast_in_dim3A_326, %scan3A_1012 = %broadcast_in_dim3A_326, %scan3A_1013 = %broadcast_in_dim3A_326, %scan3A_1014 = %broadcast_in_dim3A_326, %scan3A_1015 = %broadcast_in_dim3A_326, %scan3A_1016 = %broadcast_in_dim3A_326) -> (vector<16xf32>, vector<16xf32>, vector<16xf32>, vector<16xf32>, vector<16xf32>, vector<16xf32>)  : i32 {
      %mul3A_1017 = arith.constant 2 : i32
      %mul3A_1018 = arith.muli %mul3A_1017, %scan3A_1010 : i32
      %add3A_1019 = arith.constant 5 : i32
      %add3A_1020 = arith.addi %add3A_1019, %mul3A_1018 : i32
      %add3A_1021 = arith.constant 0 : i32
      %add3A_1022 = arith.addi %add3A_1020, %add3A_1021 : i32
      %get3A = arith.constant 5 : i32
      %get3A_1023 = arith.index_cast %get3A : i32 to index
      %get3A_1024 = arith.index_cast %add3A_1022 : i32 to index
      %get3A_1025 = arith.constant 45 : index
      %get3A_1026 = tpu.vector_load %arg4[%get3A_1023, %get3A_1024, %get3A_1025] {strides = array<i32>} : memref<16x48x128xf32, #tpu.memory_space<vmem>>, vector<16xf32>,
      %mul3A_1027 = arith.mulf %get3A_1026, %get3A_1026 : vector<16xf32>
      %add3A_1028 = arith.addf %scan3A_1011, %mul3A_1027 : vector<16xf32>
      %add3A_1029 = arith.constant 0 : i32
      %add3A_1030 = arith.addi %add3A_1020, %add3A_1029 : i32
      %get3A_1031 = arith.constant 5 : i32
      %get3A_1032 = arith.index_cast %get3A_1031 : i32 to index
      %get3A_1033 = arith.index_cast %add3A_1030 : i32 to index
      %get3A_1034 = arith.constant 61 : index
      %get3A_1035 = tpu.vector_load %arg4[%get3A_1032, %get3A_1033, %get3A_1034] {strides = array<i32>} : memref<16x48x128xf32, #tpu.memory_space<vmem>>, vector<16xf32>,
      %mul3A_1036 = arith.mulf %get3A_1035, %get3A_1035 : vector<16xf32>
      %add3A_1037 = arith.addf %scan3A_1012, %mul3A_1036 : vector<16xf32>
      %add3A_1038 = arith.constant 0 : i32
      %add3A_1039 = arith.addi %add3A_1020, %add3A_1038 : i32
      %get3A_1040 = arith.constant 5 : i32
      %get3A_1041 = arith.index_cast %get3A_1040 : i32 to index
      %get3A_1042 = arith.index_cast %add3A_1039 : i32 to index
      %get3A_1043 = arith.constant 77 : index
      %get3A_1044 = tpu.vector_load %arg4[%get3A_1041, %get3A_1042, %get3A_1043] {strides = array<i32>} : memref<16x48x128xf32, #tpu.memory_space<vmem>>, vector<16xf32>,
      %mul3A_1045 = arith.mulf %get3A_1044, %get3A_1044 : vector<16xf32>
      %add3A_1046 = arith.addf %scan3A_1013, %mul3A_1045 : vector<16xf32>
      %add3A_1047 = arith.constant 1 : i32
      %add3A_1048 = arith.addi %add3A_1020, %add3A_1047 : i32
      %get3A_1049 = arith.constant 5 : i32
      %get3A_1050 = arith.index_cast %get3A_1049 : i32 to index
      %get3A_1051 = arith.index_cast %add3A_1048 : i32 to index
      %get3A_1052 = arith.constant 45 : index
      %get3A_1053 = tpu.vector_load %arg4[%get3A_1050, %get3A_1051, %get3A_1052] {strides = array<i32>} : memref<16x48x128xf32, #tpu.memory_space<vmem>>, vector<16xf32>,
      %mul3A_1054 = arith.mulf %get3A_1053, %get3A_1053 : vector<16xf32>
      %add3A_1055 = arith.addf %scan3A_1014, %mul3A_1054 : vector<16xf32>
      %add3A_1056 = arith.constant 1 : i32
      %add3A_1057 = arith.addi %add3A_1020, %add3A_1056 : i32
      %get3A_1058 = arith.constant 5 : i32
      %get3A_1059 = arith.index_cast %get3A_1058 : i32 to index
      %get3A_1060 = arith.index_cast %add3A_1057 : i32 to index
      %get3A_1061 = arith.constant 61 : index
      %get3A_1062 = tpu.vector_load %arg4[%get3A_1059, %get3A_1060, %get3A_1061] {strides = array<i32>} : memref<16x48x128xf32, #tpu.memory_space<vmem>>, vector<16xf32>,
      %mul3A_1063 = arith.mulf %get3A_1062, %get3A_1062 : vector<16xf32>
      %add3A_1064 = arith.addf %scan3A_1015, %mul3A_1063 : vector<16xf32>
      %add3A_1065 = arith.constant 1 : i32
      %add3A_1066 = arith.addi %add3A_1020, %add3A_1065 : i32
      %get3A_1067 = arith.constant 5 : i32
      %get3A_1068 = arith.index_cast %get3A_1067 : i32 to index
      %get3A_1069 = arith.index_cast %add3A_1066 : i32 to index
      %get3A_1070 = arith.constant 77 : index
      %get3A_1071 = tpu.vector_load %arg4[%get3A_1068, %get3A_1069, %get3A_1070] {strides = array<i32>} : memref<16x48x128xf32, #tpu.memory_space<vmem>>, vector<16xf32>,
      %mul3A_1072 = arith.mulf %get3A_1071, %get3A_1071 : vector<16xf32>
      %add3A_1073 = arith.addf %scan3A_1016, %mul3A_1072 : vector<16xf32>
      scf.yield %add3A_1028, %add3A_1037, %add3A_1046, %add3A_1055, %add3A_1064, %add3A_1073 : vector<16xf32>, vector<16xf32>, vector<16xf32>, vector<16xf32>, vector<16xf32>, vector<16xf32>
    }
    %scan3A_561 = arith.constant 19 : i32
    %add3A_562 = arith.addf %scan3A_560#0, %scan3A_560#3 : vector<16xf32>
    %add3A_563 = arith.addf %scan3A_560#1, %scan3A_560#4 : vector<16xf32>
    %add3A_564 = arith.addf %scan3A_560#2, %scan3A_560#5 : vector<16xf32>
    %jit3A_565 = arith.constant 0.000000e+00 : f32
    %broadcast_in_dim3A_566 = vector.broadcast %jit3A_565 : f32 to vector<16xf32>
    %select_n3A_567 = arith.select %lt3A_2, %add3A_564, %broadcast_in_dim3A_566 : vector<16xi1>, vector<16xf32>
    %add3A_568 = arith.addf %add3A_562, %add3A_563 : vector<16xf32>
    %add3A_569 = arith.addf %add3A_568, %select_n3A_567 : vector<16xf32>
    %reduce_sum3A_570 = arith.constant true
    %reduce_sum3A_571 = vector.broadcast %reduce_sum3A_570 : i1 to vector<16xi1>
    %reduce_sum3A_572 = tpu.scan <sum>, %add3A_569 masked %reduce_sum3A_571 : vector<16xf32>, vector<16xi1> -> vector<16xf32>
    %reduce_sum3A_573 = vector.extract %reduce_sum3A_572[15] : f32 from vector<16xf32>
    %eq3A_574 = arith.constant 5 : i32
    %eq3A_575 = vector.broadcast %eq3A_574 : i32 to vector<16xi32>
    %eq3A_576 = arith.cmpi eq, %iota3A, %eq3A_575 : vector<16xi32>
    %broadcast_in_dim3A_577 = vector.broadcast %reduce_sum3A_573 : f32 to vector<16xf32>
    %select_n3A_578 = arith.select %eq3A_576, %broadcast_in_dim3A_577, %select_n3A_535 : vector<16xi1>, vector<16xf32>
    %dma_wait3A_579 = arith.constant 6 : i32
    %dma_wait3A_580 = arith.constant 6 : i32
    %dma_wait3A_581 = arith.constant 0 : i32
    %dma_wait3A_582 = arith.constant 0 : i32
    %dma_wait3A_583 = tpu.memref_slice %arg4[%dma_wait3A_579, %dma_wait3A_581, %dma_wait3A_582] : memref<16x48x128xf32, #tpu.memory_space<vmem>> -> memref<1x48x128xf32, #tpu.memory_space<vmem>>
    %dma_wait3A_584 = tpu.memref_squeeze %dma_wait3A_583 : memref<1x48x128xf32, #tpu.memory_space<vmem>> -> memref<48x128xf32, #tpu.memory_space<vmem>>
    %dma_wait3A_585 = arith.constant 424 : i32
    %dma_wait3A_586 = arith.constant 512 : i32
    %dma_wait3A_587 = tpu.memref_slice %arg2[%add3A_4, %dma_wait3A_585, %dma_wait3A_586] : memref<32x1024x1024xf32, #tpu.memory_space<hbm>> -> memref<1x48x128xf32, #tpu.memory_space<hbm>>
    %dma_wait3A_588 = tpu.memref_squeeze %dma_wait3A_587 : memref<1x48x128xf32, #tpu.memory_space<hbm>> -> memref<48x128xf32, #tpu.memory_space<hbm>>
    %dma_wait3A_589 = tpu.memref_slice %arg6[%dma_wait3A_580] : memref<16x!tpu.dma_semaphore, #tpu.memory_space<semaphore_mem>> -> memref<1x!tpu.dma_semaphore, #tpu.memory_space<semaphore_mem>>
    %dma_wait3A_590 = tpu.memref_squeeze %dma_wait3A_589 : memref<1x!tpu.dma_semaphore, #tpu.memory_space<semaphore_mem>> -> memref<!tpu.dma_semaphore, #tpu.memory_space<semaphore_mem>>
    %dma_wait3A_591 = arith.constant 0 : i32
    %dma_wait3A_592 = arith.constant 0 : i32
    %dma_wait3A_593 = tpu.memref_slice %arg4[%dma_wait3A_579, %dma_wait3A_591, %dma_wait3A_592] : memref<16x48x128xf32, #tpu.memory_space<vmem>> -> memref<1x48x128xf32, #tpu.memory_space<vmem>>
    %dma_wait3A_594 = tpu.memref_squeeze %dma_wait3A_593 : memref<1x48x128xf32, #tpu.memory_space<vmem>> -> memref<48x128xf32, #tpu.memory_space<vmem>>
    %dma_wait3A_595 = arith.constant 424 : i32
    %dma_wait3A_596 = arith.constant 512 : i32
    %dma_wait3A_597 = tpu.memref_slice %arg2[%add3A_4, %dma_wait3A_595, %dma_wait3A_596] : memref<32x1024x1024xf32, #tpu.memory_space<hbm>> -> memref<1x48x128xf32, #tpu.memory_space<hbm>>
    %dma_wait3A_598 = tpu.memref_squeeze %dma_wait3A_597 : memref<1x48x128xf32, #tpu.memory_space<hbm>> -> memref<48x128xf32, #tpu.memory_space<hbm>>
    tpu.wait_dma2 semaphore(%dma_wait3A_590 : memref<!tpu.dma_semaphore, #tpu.memory_space<semaphore_mem>>) src(%dma_wait3A_598 : memref<48x128xf32, #tpu.memory_space<hbm>>) dst(%dma_wait3A_594 : memref<48x128xf32, #tpu.memory_space<vmem>>)
    %scan3A_599 = arith.constant 0 : i32
    %scan3A_600 = arith.constant 19 : i32
    %scan3A_601 = arith.addi %scan3A_599, %scan3A_600 : i32
    %scan3A_602 = arith.constant 1 : i32
    %scan3A_603:6 = scf.for %scan3A_1010 = %scan3A_599 to %scan3A_601 step %scan3A_602 iter_args(%scan3A_1011 = %broadcast_in_dim3A_326, %scan3A_1012 = %broadcast_in_dim3A_326, %scan3A_1013 = %broadcast_in_dim3A_326, %scan3A_1014 = %broadcast_in_dim3A_326, %scan3A_1015 = %broadcast_in_dim3A_326, %scan3A_1016 = %broadcast_in_dim3A_326) -> (vector<16xf32>, vector<16xf32>, vector<16xf32>, vector<16xf32>, vector<16xf32>, vector<16xf32>)  : i32 {
      %mul3A_1017 = arith.constant 2 : i32
      %mul3A_1018 = arith.muli %mul3A_1017, %scan3A_1010 : i32
      %add3A_1019 = arith.constant 5 : i32
      %add3A_1020 = arith.addi %add3A_1019, %mul3A_1018 : i32
      %add3A_1021 = arith.constant 0 : i32
      %add3A_1022 = arith.addi %add3A_1020, %add3A_1021 : i32
      %get3A = arith.constant 6 : i32
      %get3A_1023 = arith.index_cast %get3A : i32 to index
      %get3A_1024 = arith.index_cast %add3A_1022 : i32 to index
      %get3A_1025 = arith.constant 45 : index
      %get3A_1026 = tpu.vector_load %arg4[%get3A_1023, %get3A_1024, %get3A_1025] {strides = array<i32>} : memref<16x48x128xf32, #tpu.memory_space<vmem>>, vector<16xf32>,
      %mul3A_1027 = arith.mulf %get3A_1026, %get3A_1026 : vector<16xf32>
      %add3A_1028 = arith.addf %scan3A_1011, %mul3A_1027 : vector<16xf32>
      %add3A_1029 = arith.constant 0 : i32
      %add3A_1030 = arith.addi %add3A_1020, %add3A_1029 : i32
      %get3A_1031 = arith.constant 6 : i32
      %get3A_1032 = arith.index_cast %get3A_1031 : i32 to index
      %get3A_1033 = arith.index_cast %add3A_1030 : i32 to index
      %get3A_1034 = arith.constant 61 : index
      %get3A_1035 = tpu.vector_load %arg4[%get3A_1032, %get3A_1033, %get3A_1034] {strides = array<i32>} : memref<16x48x128xf32, #tpu.memory_space<vmem>>, vector<16xf32>,
      %mul3A_1036 = arith.mulf %get3A_1035, %get3A_1035 : vector<16xf32>
      %add3A_1037 = arith.addf %scan3A_1012, %mul3A_1036 : vector<16xf32>
      %add3A_1038 = arith.constant 0 : i32
      %add3A_1039 = arith.addi %add3A_1020, %add3A_1038 : i32
      %get3A_1040 = arith.constant 6 : i32
      %get3A_1041 = arith.index_cast %get3A_1040 : i32 to index
      %get3A_1042 = arith.index_cast %add3A_1039 : i32 to index
      %get3A_1043 = arith.constant 77 : index
      %get3A_1044 = tpu.vector_load %arg4[%get3A_1041, %get3A_1042, %get3A_1043] {strides = array<i32>} : memref<16x48x128xf32, #tpu.memory_space<vmem>>, vector<16xf32>,
      %mul3A_1045 = arith.mulf %get3A_1044, %get3A_1044 : vector<16xf32>
      %add3A_1046 = arith.addf %scan3A_1013, %mul3A_1045 : vector<16xf32>
      %add3A_1047 = arith.constant 1 : i32
      %add3A_1048 = arith.addi %add3A_1020, %add3A_1047 : i32
      %get3A_1049 = arith.constant 6 : i32
      %get3A_1050 = arith.index_cast %get3A_1049 : i32 to index
      %get3A_1051 = arith.index_cast %add3A_1048 : i32 to index
      %get3A_1052 = arith.constant 45 : index
      %get3A_1053 = tpu.vector_load %arg4[%get3A_1050, %get3A_1051, %get3A_1052] {strides = array<i32>} : memref<16x48x128xf32, #tpu.memory_space<vmem>>, vector<16xf32>,
      %mul3A_1054 = arith.mulf %get3A_1053, %get3A_1053 : vector<16xf32>
      %add3A_1055 = arith.addf %scan3A_1014, %mul3A_1054 : vector<16xf32>
      %add3A_1056 = arith.constant 1 : i32
      %add3A_1057 = arith.addi %add3A_1020, %add3A_1056 : i32
      %get3A_1058 = arith.constant 6 : i32
      %get3A_1059 = arith.index_cast %get3A_1058 : i32 to index
      %get3A_1060 = arith.index_cast %add3A_1057 : i32 to index
      %get3A_1061 = arith.constant 61 : index
      %get3A_1062 = tpu.vector_load %arg4[%get3A_1059, %get3A_1060, %get3A_1061] {strides = array<i32>} : memref<16x48x128xf32, #tpu.memory_space<vmem>>, vector<16xf32>,
      %mul3A_1063 = arith.mulf %get3A_1062, %get3A_1062 : vector<16xf32>
      %add3A_1064 = arith.addf %scan3A_1015, %mul3A_1063 : vector<16xf32>
      %add3A_1065 = arith.constant 1 : i32
      %add3A_1066 = arith.addi %add3A_1020, %add3A_1065 : i32
      %get3A_1067 = arith.constant 6 : i32
      %get3A_1068 = arith.index_cast %get3A_1067 : i32 to index
      %get3A_1069 = arith.index_cast %add3A_1066 : i32 to index
      %get3A_1070 = arith.constant 77 : index
      %get3A_1071 = tpu.vector_load %arg4[%get3A_1068, %get3A_1069, %get3A_1070] {strides = array<i32>} : memref<16x48x128xf32, #tpu.memory_space<vmem>>, vector<16xf32>,
      %mul3A_1072 = arith.mulf %get3A_1071, %get3A_1071 : vector<16xf32>
      %add3A_1073 = arith.addf %scan3A_1016, %mul3A_1072 : vector<16xf32>
      scf.yield %add3A_1028, %add3A_1037, %add3A_1046, %add3A_1055, %add3A_1064, %add3A_1073 : vector<16xf32>, vector<16xf32>, vector<16xf32>, vector<16xf32>, vector<16xf32>, vector<16xf32>
    }
    %scan3A_604 = arith.constant 19 : i32
    %add3A_605 = arith.addf %scan3A_603#0, %scan3A_603#3 : vector<16xf32>
    %add3A_606 = arith.addf %scan3A_603#1, %scan3A_603#4 : vector<16xf32>
    %add3A_607 = arith.addf %scan3A_603#2, %scan3A_603#5 : vector<16xf32>
    %jit3A_608 = arith.constant 0.000000e+00 : f32
    %broadcast_in_dim3A_609 = vector.broadcast %jit3A_608 : f32 to vector<16xf32>
    %select_n3A_610 = arith.select %lt3A_2, %add3A_607, %broadcast_in_dim3A_609 : vector<16xi1>, vector<16xf32>
    %add3A_611 = arith.addf %add3A_605, %add3A_606 : vector<16xf32>
    %add3A_612 = arith.addf %add3A_611, %select_n3A_610 : vector<16xf32>
    %reduce_sum3A_613 = arith.constant true
    %reduce_sum3A_614 = vector.broadcast %reduce_sum3A_613 : i1 to vector<16xi1>
    %reduce_sum3A_615 = tpu.scan <sum>, %add3A_612 masked %reduce_sum3A_614 : vector<16xf32>, vector<16xi1> -> vector<16xf32>
    %reduce_sum3A_616 = vector.extract %reduce_sum3A_615[15] : f32 from vector<16xf32>
    %eq3A_617 = arith.constant 6 : i32
    %eq3A_618 = vector.broadcast %eq3A_617 : i32 to vector<16xi32>
    %eq3A_619 = arith.cmpi eq, %iota3A, %eq3A_618 : vector<16xi32>
    %broadcast_in_dim3A_620 = vector.broadcast %reduce_sum3A_616 : f32 to vector<16xf32>
    %select_n3A_621 = arith.select %eq3A_619, %broadcast_in_dim3A_620, %select_n3A_578 : vector<16xi1>, vector<16xf32>
    %dma_wait3A_622 = arith.constant 7 : i32
    %dma_wait3A_623 = arith.constant 7 : i32
    %dma_wait3A_624 = arith.constant 0 : i32
    %dma_wait3A_625 = arith.constant 0 : i32
    %dma_wait3A_626 = tpu.memref_slice %arg4[%dma_wait3A_622, %dma_wait3A_624, %dma_wait3A_625] : memref<16x48x128xf32, #tpu.memory_space<vmem>> -> memref<1x48x128xf32, #tpu.memory_space<vmem>>
    %dma_wait3A_627 = tpu.memref_squeeze %dma_wait3A_626 : memref<1x48x128xf32, #tpu.memory_space<vmem>> -> memref<48x128xf32, #tpu.memory_space<vmem>>
    %dma_wait3A_628 = arith.constant 424 : i32
    %dma_wait3A_629 = arith.constant 640 : i32
    %dma_wait3A_630 = tpu.memref_slice %arg2[%add3A_4, %dma_wait3A_628, %dma_wait3A_629] : memref<32x1024x1024xf32, #tpu.memory_space<hbm>> -> memref<1x48x128xf32, #tpu.memory_space<hbm>>
    %dma_wait3A_631 = tpu.memref_squeeze %dma_wait3A_630 : memref<1x48x128xf32, #tpu.memory_space<hbm>> -> memref<48x128xf32, #tpu.memory_space<hbm>>
    %dma_wait3A_632 = tpu.memref_slice %arg6[%dma_wait3A_623] : memref<16x!tpu.dma_semaphore, #tpu.memory_space<semaphore_mem>> -> memref<1x!tpu.dma_semaphore, #tpu.memory_space<semaphore_mem>>
    %dma_wait3A_633 = tpu.memref_squeeze %dma_wait3A_632 : memref<1x!tpu.dma_semaphore, #tpu.memory_space<semaphore_mem>> -> memref<!tpu.dma_semaphore, #tpu.memory_space<semaphore_mem>>
    %dma_wait3A_634 = arith.constant 0 : i32
    %dma_wait3A_635 = arith.constant 0 : i32
    %dma_wait3A_636 = tpu.memref_slice %arg4[%dma_wait3A_622, %dma_wait3A_634, %dma_wait3A_635] : memref<16x48x128xf32, #tpu.memory_space<vmem>> -> memref<1x48x128xf32, #tpu.memory_space<vmem>>
    %dma_wait3A_637 = tpu.memref_squeeze %dma_wait3A_636 : memref<1x48x128xf32, #tpu.memory_space<vmem>> -> memref<48x128xf32, #tpu.memory_space<vmem>>
    %dma_wait3A_638 = arith.constant 424 : i32
    %dma_wait3A_639 = arith.constant 640 : i32
    %dma_wait3A_640 = tpu.memref_slice %arg2[%add3A_4, %dma_wait3A_638, %dma_wait3A_639] : memref<32x1024x1024xf32, #tpu.memory_space<hbm>> -> memref<1x48x128xf32, #tpu.memory_space<hbm>>
    %dma_wait3A_641 = tpu.memref_squeeze %dma_wait3A_640 : memref<1x48x128xf32, #tpu.memory_space<hbm>> -> memref<48x128xf32, #tpu.memory_space<hbm>>
    tpu.wait_dma2 semaphore(%dma_wait3A_633 : memref<!tpu.dma_semaphore, #tpu.memory_space<semaphore_mem>>) src(%dma_wait3A_641 : memref<48x128xf32, #tpu.memory_space<hbm>>) dst(%dma_wait3A_637 : memref<48x128xf32, #tpu.memory_space<vmem>>)
    %scan3A_642 = arith.constant 0 : i32
    %scan3A_643 = arith.constant 19 : i32
    %scan3A_644 = arith.addi %scan3A_642, %scan3A_643 : i32
    %scan3A_645 = arith.constant 1 : i32
    %scan3A_646:6 = scf.for %scan3A_1010 = %scan3A_642 to %scan3A_644 step %scan3A_645 iter_args(%scan3A_1011 = %broadcast_in_dim3A_326, %scan3A_1012 = %broadcast_in_dim3A_326, %scan3A_1013 = %broadcast_in_dim3A_326, %scan3A_1014 = %broadcast_in_dim3A_326, %scan3A_1015 = %broadcast_in_dim3A_326, %scan3A_1016 = %broadcast_in_dim3A_326) -> (vector<16xf32>, vector<16xf32>, vector<16xf32>, vector<16xf32>, vector<16xf32>, vector<16xf32>)  : i32 {
      %mul3A_1017 = arith.constant 2 : i32
      %mul3A_1018 = arith.muli %mul3A_1017, %scan3A_1010 : i32
      %add3A_1019 = arith.constant 5 : i32
      %add3A_1020 = arith.addi %add3A_1019, %mul3A_1018 : i32
      %add3A_1021 = arith.constant 0 : i32
      %add3A_1022 = arith.addi %add3A_1020, %add3A_1021 : i32
      %get3A = arith.constant 7 : i32
      %get3A_1023 = arith.index_cast %get3A : i32 to index
      %get3A_1024 = arith.index_cast %add3A_1022 : i32 to index
      %get3A_1025 = arith.constant 45 : index
      %get3A_1026 = tpu.vector_load %arg4[%get3A_1023, %get3A_1024, %get3A_1025] {strides = array<i32>} : memref<16x48x128xf32, #tpu.memory_space<vmem>>, vector<16xf32>,
      %mul3A_1027 = arith.mulf %get3A_1026, %get3A_1026 : vector<16xf32>
      %add3A_1028 = arith.addf %scan3A_1011, %mul3A_1027 : vector<16xf32>
      %add3A_1029 = arith.constant 0 : i32
      %add3A_1030 = arith.addi %add3A_1020, %add3A_1029 : i32
      %get3A_1031 = arith.constant 7 : i32
      %get3A_1032 = arith.index_cast %get3A_1031 : i32 to index
      %get3A_1033 = arith.index_cast %add3A_1030 : i32 to index
      %get3A_1034 = arith.constant 61 : index
      %get3A_1035 = tpu.vector_load %arg4[%get3A_1032, %get3A_1033, %get3A_1034] {strides = array<i32>} : memref<16x48x128xf32, #tpu.memory_space<vmem>>, vector<16xf32>,
      %mul3A_1036 = arith.mulf %get3A_1035, %get3A_1035 : vector<16xf32>
      %add3A_1037 = arith.addf %scan3A_1012, %mul3A_1036 : vector<16xf32>
      %add3A_1038 = arith.constant 0 : i32
      %add3A_1039 = arith.addi %add3A_1020, %add3A_1038 : i32
      %get3A_1040 = arith.constant 7 : i32
      %get3A_1041 = arith.index_cast %get3A_1040 : i32 to index
      %get3A_1042 = arith.index_cast %add3A_1039 : i32 to index
      %get3A_1043 = arith.constant 77 : index
      %get3A_1044 = tpu.vector_load %arg4[%get3A_1041, %get3A_1042, %get3A_1043] {strides = array<i32>} : memref<16x48x128xf32, #tpu.memory_space<vmem>>, vector<16xf32>,
      %mul3A_1045 = arith.mulf %get3A_1044, %get3A_1044 : vector<16xf32>
      %add3A_1046 = arith.addf %scan3A_1013, %mul3A_1045 : vector<16xf32>
      %add3A_1047 = arith.constant 1 : i32
      %add3A_1048 = arith.addi %add3A_1020, %add3A_1047 : i32
      %get3A_1049 = arith.constant 7 : i32
      %get3A_1050 = arith.index_cast %get3A_1049 : i32 to index
      %get3A_1051 = arith.index_cast %add3A_1048 : i32 to index
      %get3A_1052 = arith.constant 45 : index
      %get3A_1053 = tpu.vector_load %arg4[%get3A_1050, %get3A_1051, %get3A_1052] {strides = array<i32>} : memref<16x48x128xf32, #tpu.memory_space<vmem>>, vector<16xf32>,
      %mul3A_1054 = arith.mulf %get3A_1053, %get3A_1053 : vector<16xf32>
      %add3A_1055 = arith.addf %scan3A_1014, %mul3A_1054 : vector<16xf32>
      %add3A_1056 = arith.constant 1 : i32
      %add3A_1057 = arith.addi %add3A_1020, %add3A_1056 : i32
      %get3A_1058 = arith.constant 7 : i32
      %get3A_1059 = arith.index_cast %get3A_1058 : i32 to index
      %get3A_1060 = arith.index_cast %add3A_1057 : i32 to index
      %get3A_1061 = arith.constant 61 : index
      %get3A_1062 = tpu.vector_load %arg4[%get3A_1059, %get3A_1060, %get3A_1061] {strides = array<i32>} : memref<16x48x128xf32, #tpu.memory_space<vmem>>, vector<16xf32>,
      %mul3A_1063 = arith.mulf %get3A_1062, %get3A_1062 : vector<16xf32>
      %add3A_1064 = arith.addf %scan3A_1015, %mul3A_1063 : vector<16xf32>
      %add3A_1065 = arith.constant 1 : i32
      %add3A_1066 = arith.addi %add3A_1020, %add3A_1065 : i32
      %get3A_1067 = arith.constant 7 : i32
      %get3A_1068 = arith.index_cast %get3A_1067 : i32 to index
      %get3A_1069 = arith.index_cast %add3A_1066 : i32 to index
      %get3A_1070 = arith.constant 77 : index
      %get3A_1071 = tpu.vector_load %arg4[%get3A_1068, %get3A_1069, %get3A_1070] {strides = array<i32>} : memref<16x48x128xf32, #tpu.memory_space<vmem>>, vector<16xf32>,
      %mul3A_1072 = arith.mulf %get3A_1071, %get3A_1071 : vector<16xf32>
      %add3A_1073 = arith.addf %scan3A_1016, %mul3A_1072 : vector<16xf32>
      scf.yield %add3A_1028, %add3A_1037, %add3A_1046, %add3A_1055, %add3A_1064, %add3A_1073 : vector<16xf32>, vector<16xf32>, vector<16xf32>, vector<16xf32>, vector<16xf32>, vector<16xf32>
    }
    %scan3A_647 = arith.constant 19 : i32
    %add3A_648 = arith.addf %scan3A_646#0, %scan3A_646#3 : vector<16xf32>
    %add3A_649 = arith.addf %scan3A_646#1, %scan3A_646#4 : vector<16xf32>
    %add3A_650 = arith.addf %scan3A_646#2, %scan3A_646#5 : vector<16xf32>
    %jit3A_651 = arith.constant 0.000000e+00 : f32
    %broadcast_in_dim3A_652 = vector.broadcast %jit3A_651 : f32 to vector<16xf32>
    %select_n3A_653 = arith.select %lt3A_2, %add3A_650, %broadcast_in_dim3A_652 : vector<16xi1>, vector<16xf32>
    %add3A_654 = arith.addf %add3A_648, %add3A_649 : vector<16xf32>
    %add3A_655 = arith.addf %add3A_654, %select_n3A_653 : vector<16xf32>
    %reduce_sum3A_656 = arith.constant true
    %reduce_sum3A_657 = vector.broadcast %reduce_sum3A_656 : i1 to vector<16xi1>
    %reduce_sum3A_658 = tpu.scan <sum>, %add3A_655 masked %reduce_sum3A_657 : vector<16xf32>, vector<16xi1> -> vector<16xf32>
    %reduce_sum3A_659 = vector.extract %reduce_sum3A_658[15] : f32 from vector<16xf32>
    %eq3A_660 = arith.constant 7 : i32
    %eq3A_661 = vector.broadcast %eq3A_660 : i32 to vector<16xi32>
    %eq3A_662 = arith.cmpi eq, %iota3A, %eq3A_661 : vector<16xi32>
    %broadcast_in_dim3A_663 = vector.broadcast %reduce_sum3A_659 : f32 to vector<16xf32>
    %select_n3A_664 = arith.select %eq3A_662, %broadcast_in_dim3A_663, %select_n3A_621 : vector<16xi1>, vector<16xf32>
    %dma_wait3A_665 = arith.constant 8 : i32
    %dma_wait3A_666 = arith.constant 8 : i32
    %dma_wait3A_667 = arith.constant 0 : i32
    %dma_wait3A_668 = arith.constant 0 : i32
    %dma_wait3A_669 = tpu.memref_slice %arg4[%dma_wait3A_665, %dma_wait3A_667, %dma_wait3A_668] : memref<16x48x128xf32, #tpu.memory_space<vmem>> -> memref<1x48x128xf32, #tpu.memory_space<vmem>>
    %dma_wait3A_670 = tpu.memref_squeeze %dma_wait3A_669 : memref<1x48x128xf32, #tpu.memory_space<vmem>> -> memref<48x128xf32, #tpu.memory_space<vmem>>
    %dma_wait3A_671 = arith.constant 552 : i32
    %dma_wait3A_672 = arith.constant 256 : i32
    %dma_wait3A_673 = tpu.memref_slice %arg2[%add3A_4, %dma_wait3A_671, %dma_wait3A_672] : memref<32x1024x1024xf32, #tpu.memory_space<hbm>> -> memref<1x48x128xf32, #tpu.memory_space<hbm>>
    %dma_wait3A_674 = tpu.memref_squeeze %dma_wait3A_673 : memref<1x48x128xf32, #tpu.memory_space<hbm>> -> memref<48x128xf32, #tpu.memory_space<hbm>>
    %dma_wait3A_675 = tpu.memref_slice %arg6[%dma_wait3A_666] : memref<16x!tpu.dma_semaphore, #tpu.memory_space<semaphore_mem>> -> memref<1x!tpu.dma_semaphore, #tpu.memory_space<semaphore_mem>>
    %dma_wait3A_676 = tpu.memref_squeeze %dma_wait3A_675 : memref<1x!tpu.dma_semaphore, #tpu.memory_space<semaphore_mem>> -> memref<!tpu.dma_semaphore, #tpu.memory_space<semaphore_mem>>
    %dma_wait3A_677 = arith.constant 0 : i32
    %dma_wait3A_678 = arith.constant 0 : i32
    %dma_wait3A_679 = tpu.memref_slice %arg4[%dma_wait3A_665, %dma_wait3A_677, %dma_wait3A_678] : memref<16x48x128xf32, #tpu.memory_space<vmem>> -> memref<1x48x128xf32, #tpu.memory_space<vmem>>
    %dma_wait3A_680 = tpu.memref_squeeze %dma_wait3A_679 : memref<1x48x128xf32, #tpu.memory_space<vmem>> -> memref<48x128xf32, #tpu.memory_space<vmem>>
    %dma_wait3A_681 = arith.constant 552 : i32
    %dma_wait3A_682 = arith.constant 256 : i32
    %dma_wait3A_683 = tpu.memref_slice %arg2[%add3A_4, %dma_wait3A_681, %dma_wait3A_682] : memref<32x1024x1024xf32, #tpu.memory_space<hbm>> -> memref<1x48x128xf32, #tpu.memory_space<hbm>>
    %dma_wait3A_684 = tpu.memref_squeeze %dma_wait3A_683 : memref<1x48x128xf32, #tpu.memory_space<hbm>> -> memref<48x128xf32, #tpu.memory_space<hbm>>
    tpu.wait_dma2 semaphore(%dma_wait3A_676 : memref<!tpu.dma_semaphore, #tpu.memory_space<semaphore_mem>>) src(%dma_wait3A_684 : memref<48x128xf32, #tpu.memory_space<hbm>>) dst(%dma_wait3A_680 : memref<48x128xf32, #tpu.memory_space<vmem>>)
    %scan3A_685 = arith.constant 0 : i32
    %scan3A_686 = arith.constant 19 : i32
    %scan3A_687 = arith.addi %scan3A_685, %scan3A_686 : i32
    %scan3A_688 = arith.constant 1 : i32
    %scan3A_689:6 = scf.for %scan3A_1010 = %scan3A_685 to %scan3A_687 step %scan3A_688 iter_args(%scan3A_1011 = %broadcast_in_dim3A_326, %scan3A_1012 = %broadcast_in_dim3A_326, %scan3A_1013 = %broadcast_in_dim3A_326, %scan3A_1014 = %broadcast_in_dim3A_326, %scan3A_1015 = %broadcast_in_dim3A_326, %scan3A_1016 = %broadcast_in_dim3A_326) -> (vector<16xf32>, vector<16xf32>, vector<16xf32>, vector<16xf32>, vector<16xf32>, vector<16xf32>)  : i32 {
      %mul3A_1017 = arith.constant 2 : i32
      %mul3A_1018 = arith.muli %mul3A_1017, %scan3A_1010 : i32
      %add3A_1019 = arith.constant 5 : i32
      %add3A_1020 = arith.addi %add3A_1019, %mul3A_1018 : i32
      %add3A_1021 = arith.constant 0 : i32
      %add3A_1022 = arith.addi %add3A_1020, %add3A_1021 : i32
      %get3A = arith.constant 8 : i32
      %get3A_1023 = arith.index_cast %get3A : i32 to index
      %get3A_1024 = arith.index_cast %add3A_1022 : i32 to index
      %get3A_1025 = arith.constant 45 : index
      %get3A_1026 = tpu.vector_load %arg4[%get3A_1023, %get3A_1024, %get3A_1025] {strides = array<i32>} : memref<16x48x128xf32, #tpu.memory_space<vmem>>, vector<16xf32>,
      %mul3A_1027 = arith.mulf %get3A_1026, %get3A_1026 : vector<16xf32>
      %add3A_1028 = arith.addf %scan3A_1011, %mul3A_1027 : vector<16xf32>
      %add3A_1029 = arith.constant 0 : i32
      %add3A_1030 = arith.addi %add3A_1020, %add3A_1029 : i32
      %get3A_1031 = arith.constant 8 : i32
      %get3A_1032 = arith.index_cast %get3A_1031 : i32 to index
      %get3A_1033 = arith.index_cast %add3A_1030 : i32 to index
      %get3A_1034 = arith.constant 61 : index
      %get3A_1035 = tpu.vector_load %arg4[%get3A_1032, %get3A_1033, %get3A_1034] {strides = array<i32>} : memref<16x48x128xf32, #tpu.memory_space<vmem>>, vector<16xf32>,
      %mul3A_1036 = arith.mulf %get3A_1035, %get3A_1035 : vector<16xf32>
      %add3A_1037 = arith.addf %scan3A_1012, %mul3A_1036 : vector<16xf32>
      %add3A_1038 = arith.constant 0 : i32
      %add3A_1039 = arith.addi %add3A_1020, %add3A_1038 : i32
      %get3A_1040 = arith.constant 8 : i32
      %get3A_1041 = arith.index_cast %get3A_1040 : i32 to index
      %get3A_1042 = arith.index_cast %add3A_1039 : i32 to index
      %get3A_1043 = arith.constant 77 : index
      %get3A_1044 = tpu.vector_load %arg4[%get3A_1041, %get3A_1042, %get3A_1043] {strides = array<i32>} : memref<16x48x128xf32, #tpu.memory_space<vmem>>, vector<16xf32>,
      %mul3A_1045 = arith.mulf %get3A_1044, %get3A_1044 : vector<16xf32>
      %add3A_1046 = arith.addf %scan3A_1013, %mul3A_1045 : vector<16xf32>
      %add3A_1047 = arith.constant 1 : i32
      %add3A_1048 = arith.addi %add3A_1020, %add3A_1047 : i32
      %get3A_1049 = arith.constant 8 : i32
      %get3A_1050 = arith.index_cast %get3A_1049 : i32 to index
      %get3A_1051 = arith.index_cast %add3A_1048 : i32 to index
      %get3A_1052 = arith.constant 45 : index
      %get3A_1053 = tpu.vector_load %arg4[%get3A_1050, %get3A_1051, %get3A_1052] {strides = array<i32>} : memref<16x48x128xf32, #tpu.memory_space<vmem>>, vector<16xf32>,
      %mul3A_1054 = arith.mulf %get3A_1053, %get3A_1053 : vector<16xf32>
      %add3A_1055 = arith.addf %scan3A_1014, %mul3A_1054 : vector<16xf32>
      %add3A_1056 = arith.constant 1 : i32
      %add3A_1057 = arith.addi %add3A_1020, %add3A_1056 : i32
      %get3A_1058 = arith.constant 8 : i32
      %get3A_1059 = arith.index_cast %get3A_1058 : i32 to index
      %get3A_1060 = arith.index_cast %add3A_1057 : i32 to index
      %get3A_1061 = arith.constant 61 : index
      %get3A_1062 = tpu.vector_load %arg4[%get3A_1059, %get3A_1060, %get3A_1061] {strides = array<i32>} : memref<16x48x128xf32, #tpu.memory_space<vmem>>, vector<16xf32>,
      %mul3A_1063 = arith.mulf %get3A_1062, %get3A_1062 : vector<16xf32>
      %add3A_1064 = arith.addf %scan3A_1015, %mul3A_1063 : vector<16xf32>
      %add3A_1065 = arith.constant 1 : i32
      %add3A_1066 = arith.addi %add3A_1020, %add3A_1065 : i32
      %get3A_1067 = arith.constant 8 : i32
      %get3A_1068 = arith.index_cast %get3A_1067 : i32 to index
      %get3A_1069 = arith.index_cast %add3A_1066 : i32 to index
      %get3A_1070 = arith.constant 77 : index
      %get3A_1071 = tpu.vector_load %arg4[%get3A_1068, %get3A_1069, %get3A_1070] {strides = array<i32>} : memref<16x48x128xf32, #tpu.memory_space<vmem>>, vector<16xf32>,
      %mul3A_1072 = arith.mulf %get3A_1071, %get3A_1071 : vector<16xf32>
      %add3A_1073 = arith.addf %scan3A_1016, %mul3A_1072 : vector<16xf32>
      scf.yield %add3A_1028, %add3A_1037, %add3A_1046, %add3A_1055, %add3A_1064, %add3A_1073 : vector<16xf32>, vector<16xf32>, vector<16xf32>, vector<16xf32>, vector<16xf32>, vector<16xf32>
    }
    %scan3A_690 = arith.constant 19 : i32
    %add3A_691 = arith.addf %scan3A_689#0, %scan3A_689#3 : vector<16xf32>
    %add3A_692 = arith.addf %scan3A_689#1, %scan3A_689#4 : vector<16xf32>
    %add3A_693 = arith.addf %scan3A_689#2, %scan3A_689#5 : vector<16xf32>
    %jit3A_694 = arith.constant 0.000000e+00 : f32
    %broadcast_in_dim3A_695 = vector.broadcast %jit3A_694 : f32 to vector<16xf32>
    %select_n3A_696 = arith.select %lt3A_2, %add3A_693, %broadcast_in_dim3A_695 : vector<16xi1>, vector<16xf32>
    %add3A_697 = arith.addf %add3A_691, %add3A_692 : vector<16xf32>
    %add3A_698 = arith.addf %add3A_697, %select_n3A_696 : vector<16xf32>
    %reduce_sum3A_699 = arith.constant true
    %reduce_sum3A_700 = vector.broadcast %reduce_sum3A_699 : i1 to vector<16xi1>
    %reduce_sum3A_701 = tpu.scan <sum>, %add3A_698 masked %reduce_sum3A_700 : vector<16xf32>, vector<16xi1> -> vector<16xf32>
    %reduce_sum3A_702 = vector.extract %reduce_sum3A_701[15] : f32 from vector<16xf32>
    %eq3A_703 = arith.constant 8 : i32
    %eq3A_704 = vector.broadcast %eq3A_703 : i32 to vector<16xi32>
    %eq3A_705 = arith.cmpi eq, %iota3A, %eq3A_704 : vector<16xi32>
    %broadcast_in_dim3A_706 = vector.broadcast %reduce_sum3A_702 : f32 to vector<16xf32>
    %select_n3A_707 = arith.select %eq3A_705, %broadcast_in_dim3A_706, %select_n3A_664 : vector<16xi1>, vector<16xf32>
    %dma_wait3A_708 = arith.constant 9 : i32
    %dma_wait3A_709 = arith.constant 9 : i32
    %dma_wait3A_710 = arith.constant 0 : i32
    %dma_wait3A_711 = arith.constant 0 : i32
    %dma_wait3A_712 = tpu.memref_slice %arg4[%dma_wait3A_708, %dma_wait3A_710, %dma_wait3A_711] : memref<16x48x128xf32, #tpu.memory_space<vmem>> -> memref<1x48x128xf32, #tpu.memory_space<vmem>>
    %dma_wait3A_713 = tpu.memref_squeeze %dma_wait3A_712 : memref<1x48x128xf32, #tpu.memory_space<vmem>> -> memref<48x128xf32, #tpu.memory_space<vmem>>
    %dma_wait3A_714 = arith.constant 552 : i32
    %dma_wait3A_715 = arith.constant 384 : i32
    %dma_wait3A_716 = tpu.memref_slice %arg2[%add3A_4, %dma_wait3A_714, %dma_wait3A_715] : memref<32x1024x1024xf32, #tpu.memory_space<hbm>> -> memref<1x48x128xf32, #tpu.memory_space<hbm>>
    %dma_wait3A_717 = tpu.memref_squeeze %dma_wait3A_716 : memref<1x48x128xf32, #tpu.memory_space<hbm>> -> memref<48x128xf32, #tpu.memory_space<hbm>>
    %dma_wait3A_718 = tpu.memref_slice %arg6[%dma_wait3A_709] : memref<16x!tpu.dma_semaphore, #tpu.memory_space<semaphore_mem>> -> memref<1x!tpu.dma_semaphore, #tpu.memory_space<semaphore_mem>>
    %dma_wait3A_719 = tpu.memref_squeeze %dma_wait3A_718 : memref<1x!tpu.dma_semaphore, #tpu.memory_space<semaphore_mem>> -> memref<!tpu.dma_semaphore, #tpu.memory_space<semaphore_mem>>
    %dma_wait3A_720 = arith.constant 0 : i32
    %dma_wait3A_721 = arith.constant 0 : i32
    %dma_wait3A_722 = tpu.memref_slice %arg4[%dma_wait3A_708, %dma_wait3A_720, %dma_wait3A_721] : memref<16x48x128xf32, #tpu.memory_space<vmem>> -> memref<1x48x128xf32, #tpu.memory_space<vmem>>
    %dma_wait3A_723 = tpu.memref_squeeze %dma_wait3A_722 : memref<1x48x128xf32, #tpu.memory_space<vmem>> -> memref<48x128xf32, #tpu.memory_space<vmem>>
    %dma_wait3A_724 = arith.constant 552 : i32
    %dma_wait3A_725 = arith.constant 384 : i32
    %dma_wait3A_726 = tpu.memref_slice %arg2[%add3A_4, %dma_wait3A_724, %dma_wait3A_725] : memref<32x1024x1024xf32, #tpu.memory_space<hbm>> -> memref<1x48x128xf32, #tpu.memory_space<hbm>>
    %dma_wait3A_727 = tpu.memref_squeeze %dma_wait3A_726 : memref<1x48x128xf32, #tpu.memory_space<hbm>> -> memref<48x128xf32, #tpu.memory_space<hbm>>
    tpu.wait_dma2 semaphore(%dma_wait3A_719 : memref<!tpu.dma_semaphore, #tpu.memory_space<semaphore_mem>>) src(%dma_wait3A_727 : memref<48x128xf32, #tpu.memory_space<hbm>>) dst(%dma_wait3A_723 : memref<48x128xf32, #tpu.memory_space<vmem>>)
    %scan3A_728 = arith.constant 0 : i32
    %scan3A_729 = arith.constant 19 : i32
    %scan3A_730 = arith.addi %scan3A_728, %scan3A_729 : i32
    %scan3A_731 = arith.constant 1 : i32
    %scan3A_732:6 = scf.for %scan3A_1010 = %scan3A_728 to %scan3A_730 step %scan3A_731 iter_args(%scan3A_1011 = %broadcast_in_dim3A_326, %scan3A_1012 = %broadcast_in_dim3A_326, %scan3A_1013 = %broadcast_in_dim3A_326, %scan3A_1014 = %broadcast_in_dim3A_326, %scan3A_1015 = %broadcast_in_dim3A_326, %scan3A_1016 = %broadcast_in_dim3A_326) -> (vector<16xf32>, vector<16xf32>, vector<16xf32>, vector<16xf32>, vector<16xf32>, vector<16xf32>)  : i32 {
      %mul3A_1017 = arith.constant 2 : i32
      %mul3A_1018 = arith.muli %mul3A_1017, %scan3A_1010 : i32
      %add3A_1019 = arith.constant 5 : i32
      %add3A_1020 = arith.addi %add3A_1019, %mul3A_1018 : i32
      %add3A_1021 = arith.constant 0 : i32
      %add3A_1022 = arith.addi %add3A_1020, %add3A_1021 : i32
      %get3A = arith.constant 9 : i32
      %get3A_1023 = arith.index_cast %get3A : i32 to index
      %get3A_1024 = arith.index_cast %add3A_1022 : i32 to index
      %get3A_1025 = arith.constant 45 : index
      %get3A_1026 = tpu.vector_load %arg4[%get3A_1023, %get3A_1024, %get3A_1025] {strides = array<i32>} : memref<16x48x128xf32, #tpu.memory_space<vmem>>, vector<16xf32>,
      %mul3A_1027 = arith.mulf %get3A_1026, %get3A_1026 : vector<16xf32>
      %add3A_1028 = arith.addf %scan3A_1011, %mul3A_1027 : vector<16xf32>
      %add3A_1029 = arith.constant 0 : i32
      %add3A_1030 = arith.addi %add3A_1020, %add3A_1029 : i32
      %get3A_1031 = arith.constant 9 : i32
      %get3A_1032 = arith.index_cast %get3A_1031 : i32 to index
      %get3A_1033 = arith.index_cast %add3A_1030 : i32 to index
      %get3A_1034 = arith.constant 61 : index
      %get3A_1035 = tpu.vector_load %arg4[%get3A_1032, %get3A_1033, %get3A_1034] {strides = array<i32>} : memref<16x48x128xf32, #tpu.memory_space<vmem>>, vector<16xf32>,
      %mul3A_1036 = arith.mulf %get3A_1035, %get3A_1035 : vector<16xf32>
      %add3A_1037 = arith.addf %scan3A_1012, %mul3A_1036 : vector<16xf32>
      %add3A_1038 = arith.constant 0 : i32
      %add3A_1039 = arith.addi %add3A_1020, %add3A_1038 : i32
      %get3A_1040 = arith.constant 9 : i32
      %get3A_1041 = arith.index_cast %get3A_1040 : i32 to index
      %get3A_1042 = arith.index_cast %add3A_1039 : i32 to index
      %get3A_1043 = arith.constant 77 : index
      %get3A_1044 = tpu.vector_load %arg4[%get3A_1041, %get3A_1042, %get3A_1043] {strides = array<i32>} : memref<16x48x128xf32, #tpu.memory_space<vmem>>, vector<16xf32>,
      %mul3A_1045 = arith.mulf %get3A_1044, %get3A_1044 : vector<16xf32>
      %add3A_1046 = arith.addf %scan3A_1013, %mul3A_1045 : vector<16xf32>
      %add3A_1047 = arith.constant 1 : i32
      %add3A_1048 = arith.addi %add3A_1020, %add3A_1047 : i32
      %get3A_1049 = arith.constant 9 : i32
      %get3A_1050 = arith.index_cast %get3A_1049 : i32 to index
      %get3A_1051 = arith.index_cast %add3A_1048 : i32 to index
      %get3A_1052 = arith.constant 45 : index
      %get3A_1053 = tpu.vector_load %arg4[%get3A_1050, %get3A_1051, %get3A_1052] {strides = array<i32>} : memref<16x48x128xf32, #tpu.memory_space<vmem>>, vector<16xf32>,
      %mul3A_1054 = arith.mulf %get3A_1053, %get3A_1053 : vector<16xf32>
      %add3A_1055 = arith.addf %scan3A_1014, %mul3A_1054 : vector<16xf32>
      %add3A_1056 = arith.constant 1 : i32
      %add3A_1057 = arith.addi %add3A_1020, %add3A_1056 : i32
      %get3A_1058 = arith.constant 9 : i32
      %get3A_1059 = arith.index_cast %get3A_1058 : i32 to index
      %get3A_1060 = arith.index_cast %add3A_1057 : i32 to index
      %get3A_1061 = arith.constant 61 : index
      %get3A_1062 = tpu.vector_load %arg4[%get3A_1059, %get3A_1060, %get3A_1061] {strides = array<i32>} : memref<16x48x128xf32, #tpu.memory_space<vmem>>, vector<16xf32>,
      %mul3A_1063 = arith.mulf %get3A_1062, %get3A_1062 : vector<16xf32>
      %add3A_1064 = arith.addf %scan3A_1015, %mul3A_1063 : vector<16xf32>
      %add3A_1065 = arith.constant 1 : i32
      %add3A_1066 = arith.addi %add3A_1020, %add3A_1065 : i32
      %get3A_1067 = arith.constant 9 : i32
      %get3A_1068 = arith.index_cast %get3A_1067 : i32 to index
      %get3A_1069 = arith.index_cast %add3A_1066 : i32 to index
      %get3A_1070 = arith.constant 77 : index
      %get3A_1071 = tpu.vector_load %arg4[%get3A_1068, %get3A_1069, %get3A_1070] {strides = array<i32>} : memref<16x48x128xf32, #tpu.memory_space<vmem>>, vector<16xf32>,
      %mul3A_1072 = arith.mulf %get3A_1071, %get3A_1071 : vector<16xf32>
      %add3A_1073 = arith.addf %scan3A_1016, %mul3A_1072 : vector<16xf32>
      scf.yield %add3A_1028, %add3A_1037, %add3A_1046, %add3A_1055, %add3A_1064, %add3A_1073 : vector<16xf32>, vector<16xf32>, vector<16xf32>, vector<16xf32>, vector<16xf32>, vector<16xf32>
    }
    %scan3A_733 = arith.constant 19 : i32
    %add3A_734 = arith.addf %scan3A_732#0, %scan3A_732#3 : vector<16xf32>
    %add3A_735 = arith.addf %scan3A_732#1, %scan3A_732#4 : vector<16xf32>
    %add3A_736 = arith.addf %scan3A_732#2, %scan3A_732#5 : vector<16xf32>
    %jit3A_737 = arith.constant 0.000000e+00 : f32
    %broadcast_in_dim3A_738 = vector.broadcast %jit3A_737 : f32 to vector<16xf32>
    %select_n3A_739 = arith.select %lt3A_2, %add3A_736, %broadcast_in_dim3A_738 : vector<16xi1>, vector<16xf32>
    %add3A_740 = arith.addf %add3A_734, %add3A_735 : vector<16xf32>
    %add3A_741 = arith.addf %add3A_740, %select_n3A_739 : vector<16xf32>
    %reduce_sum3A_742 = arith.constant true
    %reduce_sum3A_743 = vector.broadcast %reduce_sum3A_742 : i1 to vector<16xi1>
    %reduce_sum3A_744 = tpu.scan <sum>, %add3A_741 masked %reduce_sum3A_743 : vector<16xf32>, vector<16xi1> -> vector<16xf32>
    %reduce_sum3A_745 = vector.extract %reduce_sum3A_744[15] : f32 from vector<16xf32>
    %eq3A_746 = arith.constant 9 : i32
    %eq3A_747 = vector.broadcast %eq3A_746 : i32 to vector<16xi32>
    %eq3A_748 = arith.cmpi eq, %iota3A, %eq3A_747 : vector<16xi32>
    %broadcast_in_dim3A_749 = vector.broadcast %reduce_sum3A_745 : f32 to vector<16xf32>
    %select_n3A_750 = arith.select %eq3A_748, %broadcast_in_dim3A_749, %select_n3A_707 : vector<16xi1>, vector<16xf32>
    %dma_wait3A_751 = arith.constant 10 : i32
    %dma_wait3A_752 = arith.constant 10 : i32
    %dma_wait3A_753 = arith.constant 0 : i32
    %dma_wait3A_754 = arith.constant 0 : i32
    %dma_wait3A_755 = tpu.memref_slice %arg4[%dma_wait3A_751, %dma_wait3A_753, %dma_wait3A_754] : memref<16x48x128xf32, #tpu.memory_space<vmem>> -> memref<1x48x128xf32, #tpu.memory_space<vmem>>
    %dma_wait3A_756 = tpu.memref_squeeze %dma_wait3A_755 : memref<1x48x128xf32, #tpu.memory_space<vmem>> -> memref<48x128xf32, #tpu.memory_space<vmem>>
    %dma_wait3A_757 = arith.constant 552 : i32
    %dma_wait3A_758 = arith.constant 512 : i32
    %dma_wait3A_759 = tpu.memref_slice %arg2[%add3A_4, %dma_wait3A_757, %dma_wait3A_758] : memref<32x1024x1024xf32, #tpu.memory_space<hbm>> -> memref<1x48x128xf32, #tpu.memory_space<hbm>>
    %dma_wait3A_760 = tpu.memref_squeeze %dma_wait3A_759 : memref<1x48x128xf32, #tpu.memory_space<hbm>> -> memref<48x128xf32, #tpu.memory_space<hbm>>
    %dma_wait3A_761 = tpu.memref_slice %arg6[%dma_wait3A_752] : memref<16x!tpu.dma_semaphore, #tpu.memory_space<semaphore_mem>> -> memref<1x!tpu.dma_semaphore, #tpu.memory_space<semaphore_mem>>
    %dma_wait3A_762 = tpu.memref_squeeze %dma_wait3A_761 : memref<1x!tpu.dma_semaphore, #tpu.memory_space<semaphore_mem>> -> memref<!tpu.dma_semaphore, #tpu.memory_space<semaphore_mem>>
    %dma_wait3A_763 = arith.constant 0 : i32
    %dma_wait3A_764 = arith.constant 0 : i32
    %dma_wait3A_765 = tpu.memref_slice %arg4[%dma_wait3A_751, %dma_wait3A_763, %dma_wait3A_764] : memref<16x48x128xf32, #tpu.memory_space<vmem>> -> memref<1x48x128xf32, #tpu.memory_space<vmem>>
    %dma_wait3A_766 = tpu.memref_squeeze %dma_wait3A_765 : memref<1x48x128xf32, #tpu.memory_space<vmem>> -> memref<48x128xf32, #tpu.memory_space<vmem>>
    %dma_wait3A_767 = arith.constant 552 : i32
    %dma_wait3A_768 = arith.constant 512 : i32
    %dma_wait3A_769 = tpu.memref_slice %arg2[%add3A_4, %dma_wait3A_767, %dma_wait3A_768] : memref<32x1024x1024xf32, #tpu.memory_space<hbm>> -> memref<1x48x128xf32, #tpu.memory_space<hbm>>
    %dma_wait3A_770 = tpu.memref_squeeze %dma_wait3A_769 : memref<1x48x128xf32, #tpu.memory_space<hbm>> -> memref<48x128xf32, #tpu.memory_space<hbm>>
    tpu.wait_dma2 semaphore(%dma_wait3A_762 : memref<!tpu.dma_semaphore, #tpu.memory_space<semaphore_mem>>) src(%dma_wait3A_770 : memref<48x128xf32, #tpu.memory_space<hbm>>) dst(%dma_wait3A_766 : memref<48x128xf32, #tpu.memory_space<vmem>>)
    %scan3A_771 = arith.constant 0 : i32
    %scan3A_772 = arith.constant 19 : i32
    %scan3A_773 = arith.addi %scan3A_771, %scan3A_772 : i32
    %scan3A_774 = arith.constant 1 : i32
    %scan3A_775:6 = scf.for %scan3A_1010 = %scan3A_771 to %scan3A_773 step %scan3A_774 iter_args(%scan3A_1011 = %broadcast_in_dim3A_326, %scan3A_1012 = %broadcast_in_dim3A_326, %scan3A_1013 = %broadcast_in_dim3A_326, %scan3A_1014 = %broadcast_in_dim3A_326, %scan3A_1015 = %broadcast_in_dim3A_326, %scan3A_1016 = %broadcast_in_dim3A_326) -> (vector<16xf32>, vector<16xf32>, vector<16xf32>, vector<16xf32>, vector<16xf32>, vector<16xf32>)  : i32 {
      %mul3A_1017 = arith.constant 2 : i32
      %mul3A_1018 = arith.muli %mul3A_1017, %scan3A_1010 : i32
      %add3A_1019 = arith.constant 5 : i32
      %add3A_1020 = arith.addi %add3A_1019, %mul3A_1018 : i32
      %add3A_1021 = arith.constant 0 : i32
      %add3A_1022 = arith.addi %add3A_1020, %add3A_1021 : i32
      %get3A = arith.constant 10 : i32
      %get3A_1023 = arith.index_cast %get3A : i32 to index
      %get3A_1024 = arith.index_cast %add3A_1022 : i32 to index
      %get3A_1025 = arith.constant 45 : index
      %get3A_1026 = tpu.vector_load %arg4[%get3A_1023, %get3A_1024, %get3A_1025] {strides = array<i32>} : memref<16x48x128xf32, #tpu.memory_space<vmem>>, vector<16xf32>,
      %mul3A_1027 = arith.mulf %get3A_1026, %get3A_1026 : vector<16xf32>
      %add3A_1028 = arith.addf %scan3A_1011, %mul3A_1027 : vector<16xf32>
      %add3A_1029 = arith.constant 0 : i32
      %add3A_1030 = arith.addi %add3A_1020, %add3A_1029 : i32
      %get3A_1031 = arith.constant 10 : i32
      %get3A_1032 = arith.index_cast %get3A_1031 : i32 to index
      %get3A_1033 = arith.index_cast %add3A_1030 : i32 to index
      %get3A_1034 = arith.constant 61 : index
      %get3A_1035 = tpu.vector_load %arg4[%get3A_1032, %get3A_1033, %get3A_1034] {strides = array<i32>} : memref<16x48x128xf32, #tpu.memory_space<vmem>>, vector<16xf32>,
      %mul3A_1036 = arith.mulf %get3A_1035, %get3A_1035 : vector<16xf32>
      %add3A_1037 = arith.addf %scan3A_1012, %mul3A_1036 : vector<16xf32>
      %add3A_1038 = arith.constant 0 : i32
      %add3A_1039 = arith.addi %add3A_1020, %add3A_1038 : i32
      %get3A_1040 = arith.constant 10 : i32
      %get3A_1041 = arith.index_cast %get3A_1040 : i32 to index
      %get3A_1042 = arith.index_cast %add3A_1039 : i32 to index
      %get3A_1043 = arith.constant 77 : index
      %get3A_1044 = tpu.vector_load %arg4[%get3A_1041, %get3A_1042, %get3A_1043] {strides = array<i32>} : memref<16x48x128xf32, #tpu.memory_space<vmem>>, vector<16xf32>,
      %mul3A_1045 = arith.mulf %get3A_1044, %get3A_1044 : vector<16xf32>
      %add3A_1046 = arith.addf %scan3A_1013, %mul3A_1045 : vector<16xf32>
      %add3A_1047 = arith.constant 1 : i32
      %add3A_1048 = arith.addi %add3A_1020, %add3A_1047 : i32
      %get3A_1049 = arith.constant 10 : i32
      %get3A_1050 = arith.index_cast %get3A_1049 : i32 to index
      %get3A_1051 = arith.index_cast %add3A_1048 : i32 to index
      %get3A_1052 = arith.constant 45 : index
      %get3A_1053 = tpu.vector_load %arg4[%get3A_1050, %get3A_1051, %get3A_1052] {strides = array<i32>} : memref<16x48x128xf32, #tpu.memory_space<vmem>>, vector<16xf32>,
      %mul3A_1054 = arith.mulf %get3A_1053, %get3A_1053 : vector<16xf32>
      %add3A_1055 = arith.addf %scan3A_1014, %mul3A_1054 : vector<16xf32>
      %add3A_1056 = arith.constant 1 : i32
      %add3A_1057 = arith.addi %add3A_1020, %add3A_1056 : i32
      %get3A_1058 = arith.constant 10 : i32
      %get3A_1059 = arith.index_cast %get3A_1058 : i32 to index
      %get3A_1060 = arith.index_cast %add3A_1057 : i32 to index
      %get3A_1061 = arith.constant 61 : index
      %get3A_1062 = tpu.vector_load %arg4[%get3A_1059, %get3A_1060, %get3A_1061] {strides = array<i32>} : memref<16x48x128xf32, #tpu.memory_space<vmem>>, vector<16xf32>,
      %mul3A_1063 = arith.mulf %get3A_1062, %get3A_1062 : vector<16xf32>
      %add3A_1064 = arith.addf %scan3A_1015, %mul3A_1063 : vector<16xf32>
      %add3A_1065 = arith.constant 1 : i32
      %add3A_1066 = arith.addi %add3A_1020, %add3A_1065 : i32
      %get3A_1067 = arith.constant 10 : i32
      %get3A_1068 = arith.index_cast %get3A_1067 : i32 to index
      %get3A_1069 = arith.index_cast %add3A_1066 : i32 to index
      %get3A_1070 = arith.constant 77 : index
      %get3A_1071 = tpu.vector_load %arg4[%get3A_1068, %get3A_1069, %get3A_1070] {strides = array<i32>} : memref<16x48x128xf32, #tpu.memory_space<vmem>>, vector<16xf32>,
      %mul3A_1072 = arith.mulf %get3A_1071, %get3A_1071 : vector<16xf32>
      %add3A_1073 = arith.addf %scan3A_1016, %mul3A_1072 : vector<16xf32>
      scf.yield %add3A_1028, %add3A_1037, %add3A_1046, %add3A_1055, %add3A_1064, %add3A_1073 : vector<16xf32>, vector<16xf32>, vector<16xf32>, vector<16xf32>, vector<16xf32>, vector<16xf32>
    }
    %scan3A_776 = arith.constant 19 : i32
    %add3A_777 = arith.addf %scan3A_775#0, %scan3A_775#3 : vector<16xf32>
    %add3A_778 = arith.addf %scan3A_775#1, %scan3A_775#4 : vector<16xf32>
    %add3A_779 = arith.addf %scan3A_775#2, %scan3A_775#5 : vector<16xf32>
    %jit3A_780 = arith.constant 0.000000e+00 : f32
    %broadcast_in_dim3A_781 = vector.broadcast %jit3A_780 : f32 to vector<16xf32>
    %select_n3A_782 = arith.select %lt3A_2, %add3A_779, %broadcast_in_dim3A_781 : vector<16xi1>, vector<16xf32>
    %add3A_783 = arith.addf %add3A_777, %add3A_778 : vector<16xf32>
    %add3A_784 = arith.addf %add3A_783, %select_n3A_782 : vector<16xf32>
    %reduce_sum3A_785 = arith.constant true
    %reduce_sum3A_786 = vector.broadcast %reduce_sum3A_785 : i1 to vector<16xi1>
    %reduce_sum3A_787 = tpu.scan <sum>, %add3A_784 masked %reduce_sum3A_786 : vector<16xf32>, vector<16xi1> -> vector<16xf32>
    %reduce_sum3A_788 = vector.extract %reduce_sum3A_787[15] : f32 from vector<16xf32>
    %eq3A_789 = arith.constant 10 : i32
    %eq3A_790 = vector.broadcast %eq3A_789 : i32 to vector<16xi32>
    %eq3A_791 = arith.cmpi eq, %iota3A, %eq3A_790 : vector<16xi32>
    %broadcast_in_dim3A_792 = vector.broadcast %reduce_sum3A_788 : f32 to vector<16xf32>
    %select_n3A_793 = arith.select %eq3A_791, %broadcast_in_dim3A_792, %select_n3A_750 : vector<16xi1>, vector<16xf32>
    %dma_wait3A_794 = arith.constant 11 : i32
    %dma_wait3A_795 = arith.constant 11 : i32
    %dma_wait3A_796 = arith.constant 0 : i32
    %dma_wait3A_797 = arith.constant 0 : i32
    %dma_wait3A_798 = tpu.memref_slice %arg4[%dma_wait3A_794, %dma_wait3A_796, %dma_wait3A_797] : memref<16x48x128xf32, #tpu.memory_space<vmem>> -> memref<1x48x128xf32, #tpu.memory_space<vmem>>
    %dma_wait3A_799 = tpu.memref_squeeze %dma_wait3A_798 : memref<1x48x128xf32, #tpu.memory_space<vmem>> -> memref<48x128xf32, #tpu.memory_space<vmem>>
    %dma_wait3A_800 = arith.constant 552 : i32
    %dma_wait3A_801 = arith.constant 640 : i32
    %dma_wait3A_802 = tpu.memref_slice %arg2[%add3A_4, %dma_wait3A_800, %dma_wait3A_801] : memref<32x1024x1024xf32, #tpu.memory_space<hbm>> -> memref<1x48x128xf32, #tpu.memory_space<hbm>>
    %dma_wait3A_803 = tpu.memref_squeeze %dma_wait3A_802 : memref<1x48x128xf32, #tpu.memory_space<hbm>> -> memref<48x128xf32, #tpu.memory_space<hbm>>
    %dma_wait3A_804 = tpu.memref_slice %arg6[%dma_wait3A_795] : memref<16x!tpu.dma_semaphore, #tpu.memory_space<semaphore_mem>> -> memref<1x!tpu.dma_semaphore, #tpu.memory_space<semaphore_mem>>
    %dma_wait3A_805 = tpu.memref_squeeze %dma_wait3A_804 : memref<1x!tpu.dma_semaphore, #tpu.memory_space<semaphore_mem>> -> memref<!tpu.dma_semaphore, #tpu.memory_space<semaphore_mem>>
    %dma_wait3A_806 = arith.constant 0 : i32
    %dma_wait3A_807 = arith.constant 0 : i32
    %dma_wait3A_808 = tpu.memref_slice %arg4[%dma_wait3A_794, %dma_wait3A_806, %dma_wait3A_807] : memref<16x48x128xf32, #tpu.memory_space<vmem>> -> memref<1x48x128xf32, #tpu.memory_space<vmem>>
    %dma_wait3A_809 = tpu.memref_squeeze %dma_wait3A_808 : memref<1x48x128xf32, #tpu.memory_space<vmem>> -> memref<48x128xf32, #tpu.memory_space<vmem>>
    %dma_wait3A_810 = arith.constant 552 : i32
    %dma_wait3A_811 = arith.constant 640 : i32
    %dma_wait3A_812 = tpu.memref_slice %arg2[%add3A_4, %dma_wait3A_810, %dma_wait3A_811] : memref<32x1024x1024xf32, #tpu.memory_space<hbm>> -> memref<1x48x128xf32, #tpu.memory_space<hbm>>
    %dma_wait3A_813 = tpu.memref_squeeze %dma_wait3A_812 : memref<1x48x128xf32, #tpu.memory_space<hbm>> -> memref<48x128xf32, #tpu.memory_space<hbm>>
    tpu.wait_dma2 semaphore(%dma_wait3A_805 : memref<!tpu.dma_semaphore, #tpu.memory_space<semaphore_mem>>) src(%dma_wait3A_813 : memref<48x128xf32, #tpu.memory_space<hbm>>) dst(%dma_wait3A_809 : memref<48x128xf32, #tpu.memory_space<vmem>>)
    %scan3A_814 = arith.constant 0 : i32
    %scan3A_815 = arith.constant 19 : i32
    %scan3A_816 = arith.addi %scan3A_814, %scan3A_815 : i32
    %scan3A_817 = arith.constant 1 : i32
    %scan3A_818:6 = scf.for %scan3A_1010 = %scan3A_814 to %scan3A_816 step %scan3A_817 iter_args(%scan3A_1011 = %broadcast_in_dim3A_326, %scan3A_1012 = %broadcast_in_dim3A_326, %scan3A_1013 = %broadcast_in_dim3A_326, %scan3A_1014 = %broadcast_in_dim3A_326, %scan3A_1015 = %broadcast_in_dim3A_326, %scan3A_1016 = %broadcast_in_dim3A_326) -> (vector<16xf32>, vector<16xf32>, vector<16xf32>, vector<16xf32>, vector<16xf32>, vector<16xf32>)  : i32 {
      %mul3A_1017 = arith.constant 2 : i32
      %mul3A_1018 = arith.muli %mul3A_1017, %scan3A_1010 : i32
      %add3A_1019 = arith.constant 5 : i32
      %add3A_1020 = arith.addi %add3A_1019, %mul3A_1018 : i32
      %add3A_1021 = arith.constant 0 : i32
      %add3A_1022 = arith.addi %add3A_1020, %add3A_1021 : i32
      %get3A = arith.constant 11 : i32
      %get3A_1023 = arith.index_cast %get3A : i32 to index
      %get3A_1024 = arith.index_cast %add3A_1022 : i32 to index
      %get3A_1025 = arith.constant 45 : index
      %get3A_1026 = tpu.vector_load %arg4[%get3A_1023, %get3A_1024, %get3A_1025] {strides = array<i32>} : memref<16x48x128xf32, #tpu.memory_space<vmem>>, vector<16xf32>,
      %mul3A_1027 = arith.mulf %get3A_1026, %get3A_1026 : vector<16xf32>
      %add3A_1028 = arith.addf %scan3A_1011, %mul3A_1027 : vector<16xf32>
      %add3A_1029 = arith.constant 0 : i32
      %add3A_1030 = arith.addi %add3A_1020, %add3A_1029 : i32
      %get3A_1031 = arith.constant 11 : i32
      %get3A_1032 = arith.index_cast %get3A_1031 : i32 to index
      %get3A_1033 = arith.index_cast %add3A_1030 : i32 to index
      %get3A_1034 = arith.constant 61 : index
      %get3A_1035 = tpu.vector_load %arg4[%get3A_1032, %get3A_1033, %get3A_1034] {strides = array<i32>} : memref<16x48x128xf32, #tpu.memory_space<vmem>>, vector<16xf32>,
      %mul3A_1036 = arith.mulf %get3A_1035, %get3A_1035 : vector<16xf32>
      %add3A_1037 = arith.addf %scan3A_1012, %mul3A_1036 : vector<16xf32>
      %add3A_1038 = arith.constant 0 : i32
      %add3A_1039 = arith.addi %add3A_1020, %add3A_1038 : i32
      %get3A_1040 = arith.constant 11 : i32
      %get3A_1041 = arith.index_cast %get3A_1040 : i32 to index
      %get3A_1042 = arith.index_cast %add3A_1039 : i32 to index
      %get3A_1043 = arith.constant 77 : index
      %get3A_1044 = tpu.vector_load %arg4[%get3A_1041, %get3A_1042, %get3A_1043] {strides = array<i32>} : memref<16x48x128xf32, #tpu.memory_space<vmem>>, vector<16xf32>,
      %mul3A_1045 = arith.mulf %get3A_1044, %get3A_1044 : vector<16xf32>
      %add3A_1046 = arith.addf %scan3A_1013, %mul3A_1045 : vector<16xf32>
      %add3A_1047 = arith.constant 1 : i32
      %add3A_1048 = arith.addi %add3A_1020, %add3A_1047 : i32
      %get3A_1049 = arith.constant 11 : i32
      %get3A_1050 = arith.index_cast %get3A_1049 : i32 to index
      %get3A_1051 = arith.index_cast %add3A_1048 : i32 to index
      %get3A_1052 = arith.constant 45 : index
      %get3A_1053 = tpu.vector_load %arg4[%get3A_1050, %get3A_1051, %get3A_1052] {strides = array<i32>} : memref<16x48x128xf32, #tpu.memory_space<vmem>>, vector<16xf32>,
      %mul3A_1054 = arith.mulf %get3A_1053, %get3A_1053 : vector<16xf32>
      %add3A_1055 = arith.addf %scan3A_1014, %mul3A_1054 : vector<16xf32>
      %add3A_1056 = arith.constant 1 : i32
      %add3A_1057 = arith.addi %add3A_1020, %add3A_1056 : i32
      %get3A_1058 = arith.constant 11 : i32
      %get3A_1059 = arith.index_cast %get3A_1058 : i32 to index
      %get3A_1060 = arith.index_cast %add3A_1057 : i32 to index
      %get3A_1061 = arith.constant 61 : index
      %get3A_1062 = tpu.vector_load %arg4[%get3A_1059, %get3A_1060, %get3A_1061] {strides = array<i32>} : memref<16x48x128xf32, #tpu.memory_space<vmem>>, vector<16xf32>,
      %mul3A_1063 = arith.mulf %get3A_1062, %get3A_1062 : vector<16xf32>
      %add3A_1064 = arith.addf %scan3A_1015, %mul3A_1063 : vector<16xf32>
      %add3A_1065 = arith.constant 1 : i32
      %add3A_1066 = arith.addi %add3A_1020, %add3A_1065 : i32
      %get3A_1067 = arith.constant 11 : i32
      %get3A_1068 = arith.index_cast %get3A_1067 : i32 to index
      %get3A_1069 = arith.index_cast %add3A_1066 : i32 to index
      %get3A_1070 = arith.constant 77 : index
      %get3A_1071 = tpu.vector_load %arg4[%get3A_1068, %get3A_1069, %get3A_1070] {strides = array<i32>} : memref<16x48x128xf32, #tpu.memory_space<vmem>>, vector<16xf32>,
      %mul3A_1072 = arith.mulf %get3A_1071, %get3A_1071 : vector<16xf32>
      %add3A_1073 = arith.addf %scan3A_1016, %mul3A_1072 : vector<16xf32>
      scf.yield %add3A_1028, %add3A_1037, %add3A_1046, %add3A_1055, %add3A_1064, %add3A_1073 : vector<16xf32>, vector<16xf32>, vector<16xf32>, vector<16xf32>, vector<16xf32>, vector<16xf32>
    }
    %scan3A_819 = arith.constant 19 : i32
    %add3A_820 = arith.addf %scan3A_818#0, %scan3A_818#3 : vector<16xf32>
    %add3A_821 = arith.addf %scan3A_818#1, %scan3A_818#4 : vector<16xf32>
    %add3A_822 = arith.addf %scan3A_818#2, %scan3A_818#5 : vector<16xf32>
    %jit3A_823 = arith.constant 0.000000e+00 : f32
    %broadcast_in_dim3A_824 = vector.broadcast %jit3A_823 : f32 to vector<16xf32>
    %select_n3A_825 = arith.select %lt3A_2, %add3A_822, %broadcast_in_dim3A_824 : vector<16xi1>, vector<16xf32>
    %add3A_826 = arith.addf %add3A_820, %add3A_821 : vector<16xf32>
    %add3A_827 = arith.addf %add3A_826, %select_n3A_825 : vector<16xf32>
    %reduce_sum3A_828 = arith.constant true
    %reduce_sum3A_829 = vector.broadcast %reduce_sum3A_828 : i1 to vector<16xi1>
    %reduce_sum3A_830 = tpu.scan <sum>, %add3A_827 masked %reduce_sum3A_829 : vector<16xf32>, vector<16xi1> -> vector<16xf32>
    %reduce_sum3A_831 = vector.extract %reduce_sum3A_830[15] : f32 from vector<16xf32>
    %eq3A_832 = arith.constant 11 : i32
    %eq3A_833 = vector.broadcast %eq3A_832 : i32 to vector<16xi32>
    %eq3A_834 = arith.cmpi eq, %iota3A, %eq3A_833 : vector<16xi32>
    %broadcast_in_dim3A_835 = vector.broadcast %reduce_sum3A_831 : f32 to vector<16xf32>
    %select_n3A_836 = arith.select %eq3A_834, %broadcast_in_dim3A_835, %select_n3A_793 : vector<16xi1>, vector<16xf32>
    %dma_wait3A_837 = arith.constant 12 : i32
    %dma_wait3A_838 = arith.constant 12 : i32
    %dma_wait3A_839 = arith.constant 0 : i32
    %dma_wait3A_840 = arith.constant 0 : i32
    %dma_wait3A_841 = tpu.memref_slice %arg4[%dma_wait3A_837, %dma_wait3A_839, %dma_wait3A_840] : memref<16x48x128xf32, #tpu.memory_space<vmem>> -> memref<1x48x128xf32, #tpu.memory_space<vmem>>
    %dma_wait3A_842 = tpu.memref_squeeze %dma_wait3A_841 : memref<1x48x128xf32, #tpu.memory_space<vmem>> -> memref<48x128xf32, #tpu.memory_space<vmem>>
    %dma_wait3A_843 = arith.constant 680 : i32
    %dma_wait3A_844 = arith.constant 256 : i32
    %dma_wait3A_845 = tpu.memref_slice %arg2[%add3A_4, %dma_wait3A_843, %dma_wait3A_844] : memref<32x1024x1024xf32, #tpu.memory_space<hbm>> -> memref<1x48x128xf32, #tpu.memory_space<hbm>>
    %dma_wait3A_846 = tpu.memref_squeeze %dma_wait3A_845 : memref<1x48x128xf32, #tpu.memory_space<hbm>> -> memref<48x128xf32, #tpu.memory_space<hbm>>
    %dma_wait3A_847 = tpu.memref_slice %arg6[%dma_wait3A_838] : memref<16x!tpu.dma_semaphore, #tpu.memory_space<semaphore_mem>> -> memref<1x!tpu.dma_semaphore, #tpu.memory_space<semaphore_mem>>
    %dma_wait3A_848 = tpu.memref_squeeze %dma_wait3A_847 : memref<1x!tpu.dma_semaphore, #tpu.memory_space<semaphore_mem>> -> memref<!tpu.dma_semaphore, #tpu.memory_space<semaphore_mem>>
    %dma_wait3A_849 = arith.constant 0 : i32
    %dma_wait3A_850 = arith.constant 0 : i32
    %dma_wait3A_851 = tpu.memref_slice %arg4[%dma_wait3A_837, %dma_wait3A_849, %dma_wait3A_850] : memref<16x48x128xf32, #tpu.memory_space<vmem>> -> memref<1x48x128xf32, #tpu.memory_space<vmem>>
    %dma_wait3A_852 = tpu.memref_squeeze %dma_wait3A_851 : memref<1x48x128xf32, #tpu.memory_space<vmem>> -> memref<48x128xf32, #tpu.memory_space<vmem>>
    %dma_wait3A_853 = arith.constant 680 : i32
    %dma_wait3A_854 = arith.constant 256 : i32
    %dma_wait3A_855 = tpu.memref_slice %arg2[%add3A_4, %dma_wait3A_853, %dma_wait3A_854] : memref<32x1024x1024xf32, #tpu.memory_space<hbm>> -> memref<1x48x128xf32, #tpu.memory_space<hbm>>
    %dma_wait3A_856 = tpu.memref_squeeze %dma_wait3A_855 : memref<1x48x128xf32, #tpu.memory_space<hbm>> -> memref<48x128xf32, #tpu.memory_space<hbm>>
    tpu.wait_dma2 semaphore(%dma_wait3A_848 : memref<!tpu.dma_semaphore, #tpu.memory_space<semaphore_mem>>) src(%dma_wait3A_856 : memref<48x128xf32, #tpu.memory_space<hbm>>) dst(%dma_wait3A_852 : memref<48x128xf32, #tpu.memory_space<vmem>>)
    %scan3A_857 = arith.constant 0 : i32
    %scan3A_858 = arith.constant 19 : i32
    %scan3A_859 = arith.addi %scan3A_857, %scan3A_858 : i32
    %scan3A_860 = arith.constant 1 : i32
    %scan3A_861:6 = scf.for %scan3A_1010 = %scan3A_857 to %scan3A_859 step %scan3A_860 iter_args(%scan3A_1011 = %broadcast_in_dim3A_326, %scan3A_1012 = %broadcast_in_dim3A_326, %scan3A_1013 = %broadcast_in_dim3A_326, %scan3A_1014 = %broadcast_in_dim3A_326, %scan3A_1015 = %broadcast_in_dim3A_326, %scan3A_1016 = %broadcast_in_dim3A_326) -> (vector<16xf32>, vector<16xf32>, vector<16xf32>, vector<16xf32>, vector<16xf32>, vector<16xf32>)  : i32 {
      %mul3A_1017 = arith.constant 2 : i32
      %mul3A_1018 = arith.muli %mul3A_1017, %scan3A_1010 : i32
      %add3A_1019 = arith.constant 5 : i32
      %add3A_1020 = arith.addi %add3A_1019, %mul3A_1018 : i32
      %add3A_1021 = arith.constant 0 : i32
      %add3A_1022 = arith.addi %add3A_1020, %add3A_1021 : i32
      %get3A = arith.constant 12 : i32
      %get3A_1023 = arith.index_cast %get3A : i32 to index
      %get3A_1024 = arith.index_cast %add3A_1022 : i32 to index
      %get3A_1025 = arith.constant 45 : index
      %get3A_1026 = tpu.vector_load %arg4[%get3A_1023, %get3A_1024, %get3A_1025] {strides = array<i32>} : memref<16x48x128xf32, #tpu.memory_space<vmem>>, vector<16xf32>,
      %mul3A_1027 = arith.mulf %get3A_1026, %get3A_1026 : vector<16xf32>
      %add3A_1028 = arith.addf %scan3A_1011, %mul3A_1027 : vector<16xf32>
      %add3A_1029 = arith.constant 0 : i32
      %add3A_1030 = arith.addi %add3A_1020, %add3A_1029 : i32
      %get3A_1031 = arith.constant 12 : i32
      %get3A_1032 = arith.index_cast %get3A_1031 : i32 to index
      %get3A_1033 = arith.index_cast %add3A_1030 : i32 to index
      %get3A_1034 = arith.constant 61 : index
      %get3A_1035 = tpu.vector_load %arg4[%get3A_1032, %get3A_1033, %get3A_1034] {strides = array<i32>} : memref<16x48x128xf32, #tpu.memory_space<vmem>>, vector<16xf32>,
      %mul3A_1036 = arith.mulf %get3A_1035, %get3A_1035 : vector<16xf32>
      %add3A_1037 = arith.addf %scan3A_1012, %mul3A_1036 : vector<16xf32>
      %add3A_1038 = arith.constant 0 : i32
      %add3A_1039 = arith.addi %add3A_1020, %add3A_1038 : i32
      %get3A_1040 = arith.constant 12 : i32
      %get3A_1041 = arith.index_cast %get3A_1040 : i32 to index
      %get3A_1042 = arith.index_cast %add3A_1039 : i32 to index
      %get3A_1043 = arith.constant 77 : index
      %get3A_1044 = tpu.vector_load %arg4[%get3A_1041, %get3A_1042, %get3A_1043] {strides = array<i32>} : memref<16x48x128xf32, #tpu.memory_space<vmem>>, vector<16xf32>,
      %mul3A_1045 = arith.mulf %get3A_1044, %get3A_1044 : vector<16xf32>
      %add3A_1046 = arith.addf %scan3A_1013, %mul3A_1045 : vector<16xf32>
      %add3A_1047 = arith.constant 1 : i32
      %add3A_1048 = arith.addi %add3A_1020, %add3A_1047 : i32
      %get3A_1049 = arith.constant 12 : i32
      %get3A_1050 = arith.index_cast %get3A_1049 : i32 to index
      %get3A_1051 = arith.index_cast %add3A_1048 : i32 to index
      %get3A_1052 = arith.constant 45 : index
      %get3A_1053 = tpu.vector_load %arg4[%get3A_1050, %get3A_1051, %get3A_1052] {strides = array<i32>} : memref<16x48x128xf32, #tpu.memory_space<vmem>>, vector<16xf32>,
      %mul3A_1054 = arith.mulf %get3A_1053, %get3A_1053 : vector<16xf32>
      %add3A_1055 = arith.addf %scan3A_1014, %mul3A_1054 : vector<16xf32>
      %add3A_1056 = arith.constant 1 : i32
      %add3A_1057 = arith.addi %add3A_1020, %add3A_1056 : i32
      %get3A_1058 = arith.constant 12 : i32
      %get3A_1059 = arith.index_cast %get3A_1058 : i32 to index
      %get3A_1060 = arith.index_cast %add3A_1057 : i32 to index
      %get3A_1061 = arith.constant 61 : index
      %get3A_1062 = tpu.vector_load %arg4[%get3A_1059, %get3A_1060, %get3A_1061] {strides = array<i32>} : memref<16x48x128xf32, #tpu.memory_space<vmem>>, vector<16xf32>,
      %mul3A_1063 = arith.mulf %get3A_1062, %get3A_1062 : vector<16xf32>
      %add3A_1064 = arith.addf %scan3A_1015, %mul3A_1063 : vector<16xf32>
      %add3A_1065 = arith.constant 1 : i32
      %add3A_1066 = arith.addi %add3A_1020, %add3A_1065 : i32
      %get3A_1067 = arith.constant 12 : i32
      %get3A_1068 = arith.index_cast %get3A_1067 : i32 to index
      %get3A_1069 = arith.index_cast %add3A_1066 : i32 to index
      %get3A_1070 = arith.constant 77 : index
      %get3A_1071 = tpu.vector_load %arg4[%get3A_1068, %get3A_1069, %get3A_1070] {strides = array<i32>} : memref<16x48x128xf32, #tpu.memory_space<vmem>>, vector<16xf32>,
      %mul3A_1072 = arith.mulf %get3A_1071, %get3A_1071 : vector<16xf32>
      %add3A_1073 = arith.addf %scan3A_1016, %mul3A_1072 : vector<16xf32>
      scf.yield %add3A_1028, %add3A_1037, %add3A_1046, %add3A_1055, %add3A_1064, %add3A_1073 : vector<16xf32>, vector<16xf32>, vector<16xf32>, vector<16xf32>, vector<16xf32>, vector<16xf32>
    }
    %scan3A_862 = arith.constant 19 : i32
    %add3A_863 = arith.addf %scan3A_861#0, %scan3A_861#3 : vector<16xf32>
    %add3A_864 = arith.addf %scan3A_861#1, %scan3A_861#4 : vector<16xf32>
    %add3A_865 = arith.addf %scan3A_861#2, %scan3A_861#5 : vector<16xf32>
    %jit3A_866 = arith.constant 0.000000e+00 : f32
    %broadcast_in_dim3A_867 = vector.broadcast %jit3A_866 : f32 to vector<16xf32>
    %select_n3A_868 = arith.select %lt3A_2, %add3A_865, %broadcast_in_dim3A_867 : vector<16xi1>, vector<16xf32>
    %add3A_869 = arith.addf %add3A_863, %add3A_864 : vector<16xf32>
    %add3A_870 = arith.addf %add3A_869, %select_n3A_868 : vector<16xf32>
    %reduce_sum3A_871 = arith.constant true
    %reduce_sum3A_872 = vector.broadcast %reduce_sum3A_871 : i1 to vector<16xi1>
    %reduce_sum3A_873 = tpu.scan <sum>, %add3A_870 masked %reduce_sum3A_872 : vector<16xf32>, vector<16xi1> -> vector<16xf32>
    %reduce_sum3A_874 = vector.extract %reduce_sum3A_873[15] : f32 from vector<16xf32>
    %eq3A_875 = arith.constant 12 : i32
    %eq3A_876 = vector.broadcast %eq3A_875 : i32 to vector<16xi32>
    %eq3A_877 = arith.cmpi eq, %iota3A, %eq3A_876 : vector<16xi32>
    %broadcast_in_dim3A_878 = vector.broadcast %reduce_sum3A_874 : f32 to vector<16xf32>
    %select_n3A_879 = arith.select %eq3A_877, %broadcast_in_dim3A_878, %select_n3A_836 : vector<16xi1>, vector<16xf32>
    %dma_wait3A_880 = arith.constant 13 : i32
    %dma_wait3A_881 = arith.constant 13 : i32
    %dma_wait3A_882 = arith.constant 0 : i32
    %dma_wait3A_883 = arith.constant 0 : i32
    %dma_wait3A_884 = tpu.memref_slice %arg4[%dma_wait3A_880, %dma_wait3A_882, %dma_wait3A_883] : memref<16x48x128xf32, #tpu.memory_space<vmem>> -> memref<1x48x128xf32, #tpu.memory_space<vmem>>
    %dma_wait3A_885 = tpu.memref_squeeze %dma_wait3A_884 : memref<1x48x128xf32, #tpu.memory_space<vmem>> -> memref<48x128xf32, #tpu.memory_space<vmem>>
    %dma_wait3A_886 = arith.constant 680 : i32
    %dma_wait3A_887 = arith.constant 384 : i32
    %dma_wait3A_888 = tpu.memref_slice %arg2[%add3A_4, %dma_wait3A_886, %dma_wait3A_887] : memref<32x1024x1024xf32, #tpu.memory_space<hbm>> -> memref<1x48x128xf32, #tpu.memory_space<hbm>>
    %dma_wait3A_889 = tpu.memref_squeeze %dma_wait3A_888 : memref<1x48x128xf32, #tpu.memory_space<hbm>> -> memref<48x128xf32, #tpu.memory_space<hbm>>
    %dma_wait3A_890 = tpu.memref_slice %arg6[%dma_wait3A_881] : memref<16x!tpu.dma_semaphore, #tpu.memory_space<semaphore_mem>> -> memref<1x!tpu.dma_semaphore, #tpu.memory_space<semaphore_mem>>
    %dma_wait3A_891 = tpu.memref_squeeze %dma_wait3A_890 : memref<1x!tpu.dma_semaphore, #tpu.memory_space<semaphore_mem>> -> memref<!tpu.dma_semaphore, #tpu.memory_space<semaphore_mem>>
    %dma_wait3A_892 = arith.constant 0 : i32
    %dma_wait3A_893 = arith.constant 0 : i32
    %dma_wait3A_894 = tpu.memref_slice %arg4[%dma_wait3A_880, %dma_wait3A_892, %dma_wait3A_893] : memref<16x48x128xf32, #tpu.memory_space<vmem>> -> memref<1x48x128xf32, #tpu.memory_space<vmem>>
    %dma_wait3A_895 = tpu.memref_squeeze %dma_wait3A_894 : memref<1x48x128xf32, #tpu.memory_space<vmem>> -> memref<48x128xf32, #tpu.memory_space<vmem>>
    %dma_wait3A_896 = arith.constant 680 : i32
    %dma_wait3A_897 = arith.constant 384 : i32
    %dma_wait3A_898 = tpu.memref_slice %arg2[%add3A_4, %dma_wait3A_896, %dma_wait3A_897] : memref<32x1024x1024xf32, #tpu.memory_space<hbm>> -> memref<1x48x128xf32, #tpu.memory_space<hbm>>
    %dma_wait3A_899 = tpu.memref_squeeze %dma_wait3A_898 : memref<1x48x128xf32, #tpu.memory_space<hbm>> -> memref<48x128xf32, #tpu.memory_space<hbm>>
    tpu.wait_dma2 semaphore(%dma_wait3A_891 : memref<!tpu.dma_semaphore, #tpu.memory_space<semaphore_mem>>) src(%dma_wait3A_899 : memref<48x128xf32, #tpu.memory_space<hbm>>) dst(%dma_wait3A_895 : memref<48x128xf32, #tpu.memory_space<vmem>>)
    %scan3A_900 = arith.constant 0 : i32
    %scan3A_901 = arith.constant 19 : i32
    %scan3A_902 = arith.addi %scan3A_900, %scan3A_901 : i32
    %scan3A_903 = arith.constant 1 : i32
    %scan3A_904:6 = scf.for %scan3A_1010 = %scan3A_900 to %scan3A_902 step %scan3A_903 iter_args(%scan3A_1011 = %broadcast_in_dim3A_326, %scan3A_1012 = %broadcast_in_dim3A_326, %scan3A_1013 = %broadcast_in_dim3A_326, %scan3A_1014 = %broadcast_in_dim3A_326, %scan3A_1015 = %broadcast_in_dim3A_326, %scan3A_1016 = %broadcast_in_dim3A_326) -> (vector<16xf32>, vector<16xf32>, vector<16xf32>, vector<16xf32>, vector<16xf32>, vector<16xf32>)  : i32 {
      %mul3A_1017 = arith.constant 2 : i32
      %mul3A_1018 = arith.muli %mul3A_1017, %scan3A_1010 : i32
      %add3A_1019 = arith.constant 5 : i32
      %add3A_1020 = arith.addi %add3A_1019, %mul3A_1018 : i32
      %add3A_1021 = arith.constant 0 : i32
      %add3A_1022 = arith.addi %add3A_1020, %add3A_1021 : i32
      %get3A = arith.constant 13 : i32
      %get3A_1023 = arith.index_cast %get3A : i32 to index
      %get3A_1024 = arith.index_cast %add3A_1022 : i32 to index
      %get3A_1025 = arith.constant 45 : index
      %get3A_1026 = tpu.vector_load %arg4[%get3A_1023, %get3A_1024, %get3A_1025] {strides = array<i32>} : memref<16x48x128xf32, #tpu.memory_space<vmem>>, vector<16xf32>,
      %mul3A_1027 = arith.mulf %get3A_1026, %get3A_1026 : vector<16xf32>
      %add3A_1028 = arith.addf %scan3A_1011, %mul3A_1027 : vector<16xf32>
      %add3A_1029 = arith.constant 0 : i32
      %add3A_1030 = arith.addi %add3A_1020, %add3A_1029 : i32
      %get3A_1031 = arith.constant 13 : i32
      %get3A_1032 = arith.index_cast %get3A_1031 : i32 to index
      %get3A_1033 = arith.index_cast %add3A_1030 : i32 to index
      %get3A_1034 = arith.constant 61 : index
      %get3A_1035 = tpu.vector_load %arg4[%get3A_1032, %get3A_1033, %get3A_1034] {strides = array<i32>} : memref<16x48x128xf32, #tpu.memory_space<vmem>>, vector<16xf32>,
      %mul3A_1036 = arith.mulf %get3A_1035, %get3A_1035 : vector<16xf32>
      %add3A_1037 = arith.addf %scan3A_1012, %mul3A_1036 : vector<16xf32>
      %add3A_1038 = arith.constant 0 : i32
      %add3A_1039 = arith.addi %add3A_1020, %add3A_1038 : i32
      %get3A_1040 = arith.constant 13 : i32
      %get3A_1041 = arith.index_cast %get3A_1040 : i32 to index
      %get3A_1042 = arith.index_cast %add3A_1039 : i32 to index
      %get3A_1043 = arith.constant 77 : index
      %get3A_1044 = tpu.vector_load %arg4[%get3A_1041, %get3A_1042, %get3A_1043] {strides = array<i32>} : memref<16x48x128xf32, #tpu.memory_space<vmem>>, vector<16xf32>,
      %mul3A_1045 = arith.mulf %get3A_1044, %get3A_1044 : vector<16xf32>
      %add3A_1046 = arith.addf %scan3A_1013, %mul3A_1045 : vector<16xf32>
      %add3A_1047 = arith.constant 1 : i32
      %add3A_1048 = arith.addi %add3A_1020, %add3A_1047 : i32
      %get3A_1049 = arith.constant 13 : i32
      %get3A_1050 = arith.index_cast %get3A_1049 : i32 to index
      %get3A_1051 = arith.index_cast %add3A_1048 : i32 to index
      %get3A_1052 = arith.constant 45 : index
      %get3A_1053 = tpu.vector_load %arg4[%get3A_1050, %get3A_1051, %get3A_1052] {strides = array<i32>} : memref<16x48x128xf32, #tpu.memory_space<vmem>>, vector<16xf32>,
      %mul3A_1054 = arith.mulf %get3A_1053, %get3A_1053 : vector<16xf32>
      %add3A_1055 = arith.addf %scan3A_1014, %mul3A_1054 : vector<16xf32>
      %add3A_1056 = arith.constant 1 : i32
      %add3A_1057 = arith.addi %add3A_1020, %add3A_1056 : i32
      %get3A_1058 = arith.constant 13 : i32
      %get3A_1059 = arith.index_cast %get3A_1058 : i32 to index
      %get3A_1060 = arith.index_cast %add3A_1057 : i32 to index
      %get3A_1061 = arith.constant 61 : index
      %get3A_1062 = tpu.vector_load %arg4[%get3A_1059, %get3A_1060, %get3A_1061] {strides = array<i32>} : memref<16x48x128xf32, #tpu.memory_space<vmem>>, vector<16xf32>,
      %mul3A_1063 = arith.mulf %get3A_1062, %get3A_1062 : vector<16xf32>
      %add3A_1064 = arith.addf %scan3A_1015, %mul3A_1063 : vector<16xf32>
      %add3A_1065 = arith.constant 1 : i32
      %add3A_1066 = arith.addi %add3A_1020, %add3A_1065 : i32
      %get3A_1067 = arith.constant 13 : i32
      %get3A_1068 = arith.index_cast %get3A_1067 : i32 to index
      %get3A_1069 = arith.index_cast %add3A_1066 : i32 to index
      %get3A_1070 = arith.constant 77 : index
      %get3A_1071 = tpu.vector_load %arg4[%get3A_1068, %get3A_1069, %get3A_1070] {strides = array<i32>} : memref<16x48x128xf32, #tpu.memory_space<vmem>>, vector<16xf32>,
      %mul3A_1072 = arith.mulf %get3A_1071, %get3A_1071 : vector<16xf32>
      %add3A_1073 = arith.addf %scan3A_1016, %mul3A_1072 : vector<16xf32>
      scf.yield %add3A_1028, %add3A_1037, %add3A_1046, %add3A_1055, %add3A_1064, %add3A_1073 : vector<16xf32>, vector<16xf32>, vector<16xf32>, vector<16xf32>, vector<16xf32>, vector<16xf32>
    }
    %scan3A_905 = arith.constant 19 : i32
    %add3A_906 = arith.addf %scan3A_904#0, %scan3A_904#3 : vector<16xf32>
    %add3A_907 = arith.addf %scan3A_904#1, %scan3A_904#4 : vector<16xf32>
    %add3A_908 = arith.addf %scan3A_904#2, %scan3A_904#5 : vector<16xf32>
    %jit3A_909 = arith.constant 0.000000e+00 : f32
    %broadcast_in_dim3A_910 = vector.broadcast %jit3A_909 : f32 to vector<16xf32>
    %select_n3A_911 = arith.select %lt3A_2, %add3A_908, %broadcast_in_dim3A_910 : vector<16xi1>, vector<16xf32>
    %add3A_912 = arith.addf %add3A_906, %add3A_907 : vector<16xf32>
    %add3A_913 = arith.addf %add3A_912, %select_n3A_911 : vector<16xf32>
    %reduce_sum3A_914 = arith.constant true
    %reduce_sum3A_915 = vector.broadcast %reduce_sum3A_914 : i1 to vector<16xi1>
    %reduce_sum3A_916 = tpu.scan <sum>, %add3A_913 masked %reduce_sum3A_915 : vector<16xf32>, vector<16xi1> -> vector<16xf32>
    %reduce_sum3A_917 = vector.extract %reduce_sum3A_916[15] : f32 from vector<16xf32>
    %eq3A_918 = arith.constant 13 : i32
    %eq3A_919 = vector.broadcast %eq3A_918 : i32 to vector<16xi32>
    %eq3A_920 = arith.cmpi eq, %iota3A, %eq3A_919 : vector<16xi32>
    %broadcast_in_dim3A_921 = vector.broadcast %reduce_sum3A_917 : f32 to vector<16xf32>
    %select_n3A_922 = arith.select %eq3A_920, %broadcast_in_dim3A_921, %select_n3A_879 : vector<16xi1>, vector<16xf32>
    %dma_wait3A_923 = arith.constant 14 : i32
    %dma_wait3A_924 = arith.constant 14 : i32
    %dma_wait3A_925 = arith.constant 0 : i32
    %dma_wait3A_926 = arith.constant 0 : i32
    %dma_wait3A_927 = tpu.memref_slice %arg4[%dma_wait3A_923, %dma_wait3A_925, %dma_wait3A_926] : memref<16x48x128xf32, #tpu.memory_space<vmem>> -> memref<1x48x128xf32, #tpu.memory_space<vmem>>
    %dma_wait3A_928 = tpu.memref_squeeze %dma_wait3A_927 : memref<1x48x128xf32, #tpu.memory_space<vmem>> -> memref<48x128xf32, #tpu.memory_space<vmem>>
    %dma_wait3A_929 = arith.constant 680 : i32
    %dma_wait3A_930 = arith.constant 512 : i32
    %dma_wait3A_931 = tpu.memref_slice %arg2[%add3A_4, %dma_wait3A_929, %dma_wait3A_930] : memref<32x1024x1024xf32, #tpu.memory_space<hbm>> -> memref<1x48x128xf32, #tpu.memory_space<hbm>>
    %dma_wait3A_932 = tpu.memref_squeeze %dma_wait3A_931 : memref<1x48x128xf32, #tpu.memory_space<hbm>> -> memref<48x128xf32, #tpu.memory_space<hbm>>
    %dma_wait3A_933 = tpu.memref_slice %arg6[%dma_wait3A_924] : memref<16x!tpu.dma_semaphore, #tpu.memory_space<semaphore_mem>> -> memref<1x!tpu.dma_semaphore, #tpu.memory_space<semaphore_mem>>
    %dma_wait3A_934 = tpu.memref_squeeze %dma_wait3A_933 : memref<1x!tpu.dma_semaphore, #tpu.memory_space<semaphore_mem>> -> memref<!tpu.dma_semaphore, #tpu.memory_space<semaphore_mem>>
    %dma_wait3A_935 = arith.constant 0 : i32
    %dma_wait3A_936 = arith.constant 0 : i32
    %dma_wait3A_937 = tpu.memref_slice %arg4[%dma_wait3A_923, %dma_wait3A_935, %dma_wait3A_936] : memref<16x48x128xf32, #tpu.memory_space<vmem>> -> memref<1x48x128xf32, #tpu.memory_space<vmem>>
    %dma_wait3A_938 = tpu.memref_squeeze %dma_wait3A_937 : memref<1x48x128xf32, #tpu.memory_space<vmem>> -> memref<48x128xf32, #tpu.memory_space<vmem>>
    %dma_wait3A_939 = arith.constant 680 : i32
    %dma_wait3A_940 = arith.constant 512 : i32
    %dma_wait3A_941 = tpu.memref_slice %arg2[%add3A_4, %dma_wait3A_939, %dma_wait3A_940] : memref<32x1024x1024xf32, #tpu.memory_space<hbm>> -> memref<1x48x128xf32, #tpu.memory_space<hbm>>
    %dma_wait3A_942 = tpu.memref_squeeze %dma_wait3A_941 : memref<1x48x128xf32, #tpu.memory_space<hbm>> -> memref<48x128xf32, #tpu.memory_space<hbm>>
    tpu.wait_dma2 semaphore(%dma_wait3A_934 : memref<!tpu.dma_semaphore, #tpu.memory_space<semaphore_mem>>) src(%dma_wait3A_942 : memref<48x128xf32, #tpu.memory_space<hbm>>) dst(%dma_wait3A_938 : memref<48x128xf32, #tpu.memory_space<vmem>>)
    %scan3A_943 = arith.constant 0 : i32
    %scan3A_944 = arith.constant 19 : i32
    %scan3A_945 = arith.addi %scan3A_943, %scan3A_944 : i32
    %scan3A_946 = arith.constant 1 : i32
    %scan3A_947:6 = scf.for %scan3A_1010 = %scan3A_943 to %scan3A_945 step %scan3A_946 iter_args(%scan3A_1011 = %broadcast_in_dim3A_326, %scan3A_1012 = %broadcast_in_dim3A_326, %scan3A_1013 = %broadcast_in_dim3A_326, %scan3A_1014 = %broadcast_in_dim3A_326, %scan3A_1015 = %broadcast_in_dim3A_326, %scan3A_1016 = %broadcast_in_dim3A_326) -> (vector<16xf32>, vector<16xf32>, vector<16xf32>, vector<16xf32>, vector<16xf32>, vector<16xf32>)  : i32 {
      %mul3A_1017 = arith.constant 2 : i32
      %mul3A_1018 = arith.muli %mul3A_1017, %scan3A_1010 : i32
      %add3A_1019 = arith.constant 5 : i32
      %add3A_1020 = arith.addi %add3A_1019, %mul3A_1018 : i32
      %add3A_1021 = arith.constant 0 : i32
      %add3A_1022 = arith.addi %add3A_1020, %add3A_1021 : i32
      %get3A = arith.constant 14 : i32
      %get3A_1023 = arith.index_cast %get3A : i32 to index
      %get3A_1024 = arith.index_cast %add3A_1022 : i32 to index
      %get3A_1025 = arith.constant 45 : index
      %get3A_1026 = tpu.vector_load %arg4[%get3A_1023, %get3A_1024, %get3A_1025] {strides = array<i32>} : memref<16x48x128xf32, #tpu.memory_space<vmem>>, vector<16xf32>,
      %mul3A_1027 = arith.mulf %get3A_1026, %get3A_1026 : vector<16xf32>
      %add3A_1028 = arith.addf %scan3A_1011, %mul3A_1027 : vector<16xf32>
      %add3A_1029 = arith.constant 0 : i32
      %add3A_1030 = arith.addi %add3A_1020, %add3A_1029 : i32
      %get3A_1031 = arith.constant 14 : i32
      %get3A_1032 = arith.index_cast %get3A_1031 : i32 to index
      %get3A_1033 = arith.index_cast %add3A_1030 : i32 to index
      %get3A_1034 = arith.constant 61 : index
      %get3A_1035 = tpu.vector_load %arg4[%get3A_1032, %get3A_1033, %get3A_1034] {strides = array<i32>} : memref<16x48x128xf32, #tpu.memory_space<vmem>>, vector<16xf32>,
      %mul3A_1036 = arith.mulf %get3A_1035, %get3A_1035 : vector<16xf32>
      %add3A_1037 = arith.addf %scan3A_1012, %mul3A_1036 : vector<16xf32>
      %add3A_1038 = arith.constant 0 : i32
      %add3A_1039 = arith.addi %add3A_1020, %add3A_1038 : i32
      %get3A_1040 = arith.constant 14 : i32
      %get3A_1041 = arith.index_cast %get3A_1040 : i32 to index
      %get3A_1042 = arith.index_cast %add3A_1039 : i32 to index
      %get3A_1043 = arith.constant 77 : index
      %get3A_1044 = tpu.vector_load %arg4[%get3A_1041, %get3A_1042, %get3A_1043] {strides = array<i32>} : memref<16x48x128xf32, #tpu.memory_space<vmem>>, vector<16xf32>,
      %mul3A_1045 = arith.mulf %get3A_1044, %get3A_1044 : vector<16xf32>
      %add3A_1046 = arith.addf %scan3A_1013, %mul3A_1045 : vector<16xf32>
      %add3A_1047 = arith.constant 1 : i32
      %add3A_1048 = arith.addi %add3A_1020, %add3A_1047 : i32
      %get3A_1049 = arith.constant 14 : i32
      %get3A_1050 = arith.index_cast %get3A_1049 : i32 to index
      %get3A_1051 = arith.index_cast %add3A_1048 : i32 to index
      %get3A_1052 = arith.constant 45 : index
      %get3A_1053 = tpu.vector_load %arg4[%get3A_1050, %get3A_1051, %get3A_1052] {strides = array<i32>} : memref<16x48x128xf32, #tpu.memory_space<vmem>>, vector<16xf32>,
      %mul3A_1054 = arith.mulf %get3A_1053, %get3A_1053 : vector<16xf32>
      %add3A_1055 = arith.addf %scan3A_1014, %mul3A_1054 : vector<16xf32>
      %add3A_1056 = arith.constant 1 : i32
      %add3A_1057 = arith.addi %add3A_1020, %add3A_1056 : i32
      %get3A_1058 = arith.constant 14 : i32
      %get3A_1059 = arith.index_cast %get3A_1058 : i32 to index
      %get3A_1060 = arith.index_cast %add3A_1057 : i32 to index
      %get3A_1061 = arith.constant 61 : index
      %get3A_1062 = tpu.vector_load %arg4[%get3A_1059, %get3A_1060, %get3A_1061] {strides = array<i32>} : memref<16x48x128xf32, #tpu.memory_space<vmem>>, vector<16xf32>,
      %mul3A_1063 = arith.mulf %get3A_1062, %get3A_1062 : vector<16xf32>
      %add3A_1064 = arith.addf %scan3A_1015, %mul3A_1063 : vector<16xf32>
      %add3A_1065 = arith.constant 1 : i32
      %add3A_1066 = arith.addi %add3A_1020, %add3A_1065 : i32
      %get3A_1067 = arith.constant 14 : i32
      %get3A_1068 = arith.index_cast %get3A_1067 : i32 to index
      %get3A_1069 = arith.index_cast %add3A_1066 : i32 to index
      %get3A_1070 = arith.constant 77 : index
      %get3A_1071 = tpu.vector_load %arg4[%get3A_1068, %get3A_1069, %get3A_1070] {strides = array<i32>} : memref<16x48x128xf32, #tpu.memory_space<vmem>>, vector<16xf32>,
      %mul3A_1072 = arith.mulf %get3A_1071, %get3A_1071 : vector<16xf32>
      %add3A_1073 = arith.addf %scan3A_1016, %mul3A_1072 : vector<16xf32>
      scf.yield %add3A_1028, %add3A_1037, %add3A_1046, %add3A_1055, %add3A_1064, %add3A_1073 : vector<16xf32>, vector<16xf32>, vector<16xf32>, vector<16xf32>, vector<16xf32>, vector<16xf32>
    }
    %scan3A_948 = arith.constant 19 : i32
    %add3A_949 = arith.addf %scan3A_947#0, %scan3A_947#3 : vector<16xf32>
    %add3A_950 = arith.addf %scan3A_947#1, %scan3A_947#4 : vector<16xf32>
    %add3A_951 = arith.addf %scan3A_947#2, %scan3A_947#5 : vector<16xf32>
    %jit3A_952 = arith.constant 0.000000e+00 : f32
    %broadcast_in_dim3A_953 = vector.broadcast %jit3A_952 : f32 to vector<16xf32>
    %select_n3A_954 = arith.select %lt3A_2, %add3A_951, %broadcast_in_dim3A_953 : vector<16xi1>, vector<16xf32>
    %add3A_955 = arith.addf %add3A_949, %add3A_950 : vector<16xf32>
    %add3A_956 = arith.addf %add3A_955, %select_n3A_954 : vector<16xf32>
    %reduce_sum3A_957 = arith.constant true
    %reduce_sum3A_958 = vector.broadcast %reduce_sum3A_957 : i1 to vector<16xi1>
    %reduce_sum3A_959 = tpu.scan <sum>, %add3A_956 masked %reduce_sum3A_958 : vector<16xf32>, vector<16xi1> -> vector<16xf32>
    %reduce_sum3A_960 = vector.extract %reduce_sum3A_959[15] : f32 from vector<16xf32>
    %eq3A_961 = arith.constant 14 : i32
    %eq3A_962 = vector.broadcast %eq3A_961 : i32 to vector<16xi32>
    %eq3A_963 = arith.cmpi eq, %iota3A, %eq3A_962 : vector<16xi32>
    %broadcast_in_dim3A_964 = vector.broadcast %reduce_sum3A_960 : f32 to vector<16xf32>
    %select_n3A_965 = arith.select %eq3A_963, %broadcast_in_dim3A_964, %select_n3A_922 : vector<16xi1>, vector<16xf32>
    %dma_wait3A_966 = arith.constant 15 : i32
    %dma_wait3A_967 = arith.constant 15 : i32
    %dma_wait3A_968 = arith.constant 0 : i32
    %dma_wait3A_969 = arith.constant 0 : i32
    %dma_wait3A_970 = tpu.memref_slice %arg4[%dma_wait3A_966, %dma_wait3A_968, %dma_wait3A_969] : memref<16x48x128xf32, #tpu.memory_space<vmem>> -> memref<1x48x128xf32, #tpu.memory_space<vmem>>
    %dma_wait3A_971 = tpu.memref_squeeze %dma_wait3A_970 : memref<1x48x128xf32, #tpu.memory_space<vmem>> -> memref<48x128xf32, #tpu.memory_space<vmem>>
    %dma_wait3A_972 = arith.constant 680 : i32
    %dma_wait3A_973 = arith.constant 640 : i32
    %dma_wait3A_974 = tpu.memref_slice %arg2[%add3A_4, %dma_wait3A_972, %dma_wait3A_973] : memref<32x1024x1024xf32, #tpu.memory_space<hbm>> -> memref<1x48x128xf32, #tpu.memory_space<hbm>>
    %dma_wait3A_975 = tpu.memref_squeeze %dma_wait3A_974 : memref<1x48x128xf32, #tpu.memory_space<hbm>> -> memref<48x128xf32, #tpu.memory_space<hbm>>
    %dma_wait3A_976 = tpu.memref_slice %arg6[%dma_wait3A_967] : memref<16x!tpu.dma_semaphore, #tpu.memory_space<semaphore_mem>> -> memref<1x!tpu.dma_semaphore, #tpu.memory_space<semaphore_mem>>
    %dma_wait3A_977 = tpu.memref_squeeze %dma_wait3A_976 : memref<1x!tpu.dma_semaphore, #tpu.memory_space<semaphore_mem>> -> memref<!tpu.dma_semaphore, #tpu.memory_space<semaphore_mem>>
    %dma_wait3A_978 = arith.constant 0 : i32
    %dma_wait3A_979 = arith.constant 0 : i32
    %dma_wait3A_980 = tpu.memref_slice %arg4[%dma_wait3A_966, %dma_wait3A_978, %dma_wait3A_979] : memref<16x48x128xf32, #tpu.memory_space<vmem>> -> memref<1x48x128xf32, #tpu.memory_space<vmem>>
    %dma_wait3A_981 = tpu.memref_squeeze %dma_wait3A_980 : memref<1x48x128xf32, #tpu.memory_space<vmem>> -> memref<48x128xf32, #tpu.memory_space<vmem>>
    %dma_wait3A_982 = arith.constant 680 : i32
    %dma_wait3A_983 = arith.constant 640 : i32
    %dma_wait3A_984 = tpu.memref_slice %arg2[%add3A_4, %dma_wait3A_982, %dma_wait3A_983] : memref<32x1024x1024xf32, #tpu.memory_space<hbm>> -> memref<1x48x128xf32, #tpu.memory_space<hbm>>
    %dma_wait3A_985 = tpu.memref_squeeze %dma_wait3A_984 : memref<1x48x128xf32, #tpu.memory_space<hbm>> -> memref<48x128xf32, #tpu.memory_space<hbm>>
    tpu.wait_dma2 semaphore(%dma_wait3A_977 : memref<!tpu.dma_semaphore, #tpu.memory_space<semaphore_mem>>) src(%dma_wait3A_985 : memref<48x128xf32, #tpu.memory_space<hbm>>) dst(%dma_wait3A_981 : memref<48x128xf32, #tpu.memory_space<vmem>>)
    %scan3A_986 = arith.constant 0 : i32
    %scan3A_987 = arith.constant 19 : i32
    %scan3A_988 = arith.addi %scan3A_986, %scan3A_987 : i32
    %scan3A_989 = arith.constant 1 : i32
    %scan3A_990:6 = scf.for %scan3A_1010 = %scan3A_986 to %scan3A_988 step %scan3A_989 iter_args(%scan3A_1011 = %broadcast_in_dim3A_326, %scan3A_1012 = %broadcast_in_dim3A_326, %scan3A_1013 = %broadcast_in_dim3A_326, %scan3A_1014 = %broadcast_in_dim3A_326, %scan3A_1015 = %broadcast_in_dim3A_326, %scan3A_1016 = %broadcast_in_dim3A_326) -> (vector<16xf32>, vector<16xf32>, vector<16xf32>, vector<16xf32>, vector<16xf32>, vector<16xf32>)  : i32 {
      %mul3A_1017 = arith.constant 2 : i32
      %mul3A_1018 = arith.muli %mul3A_1017, %scan3A_1010 : i32
      %add3A_1019 = arith.constant 5 : i32
      %add3A_1020 = arith.addi %add3A_1019, %mul3A_1018 : i32
      %add3A_1021 = arith.constant 0 : i32
      %add3A_1022 = arith.addi %add3A_1020, %add3A_1021 : i32
      %get3A = arith.constant 15 : i32
      %get3A_1023 = arith.index_cast %get3A : i32 to index
      %get3A_1024 = arith.index_cast %add3A_1022 : i32 to index
      %get3A_1025 = arith.constant 45 : index
      %get3A_1026 = tpu.vector_load %arg4[%get3A_1023, %get3A_1024, %get3A_1025] {strides = array<i32>} : memref<16x48x128xf32, #tpu.memory_space<vmem>>, vector<16xf32>,
      %mul3A_1027 = arith.mulf %get3A_1026, %get3A_1026 : vector<16xf32>
      %add3A_1028 = arith.addf %scan3A_1011, %mul3A_1027 : vector<16xf32>
      %add3A_1029 = arith.constant 0 : i32
      %add3A_1030 = arith.addi %add3A_1020, %add3A_1029 : i32
      %get3A_1031 = arith.constant 15 : i32
      %get3A_1032 = arith.index_cast %get3A_1031 : i32 to index
      %get3A_1033 = arith.index_cast %add3A_1030 : i32 to index
      %get3A_1034 = arith.constant 61 : index
      %get3A_1035 = tpu.vector_load %arg4[%get3A_1032, %get3A_1033, %get3A_1034] {strides = array<i32>} : memref<16x48x128xf32, #tpu.memory_space<vmem>>, vector<16xf32>,
      %mul3A_1036 = arith.mulf %get3A_1035, %get3A_1035 : vector<16xf32>
      %add3A_1037 = arith.addf %scan3A_1012, %mul3A_1036 : vector<16xf32>
      %add3A_1038 = arith.constant 0 : i32
      %add3A_1039 = arith.addi %add3A_1020, %add3A_1038 : i32
      %get3A_1040 = arith.constant 15 : i32
      %get3A_1041 = arith.index_cast %get3A_1040 : i32 to index
      %get3A_1042 = arith.index_cast %add3A_1039 : i32 to index
      %get3A_1043 = arith.constant 77 : index
      %get3A_1044 = tpu.vector_load %arg4[%get3A_1041, %get3A_1042, %get3A_1043] {strides = array<i32>} : memref<16x48x128xf32, #tpu.memory_space<vmem>>, vector<16xf32>,
      %mul3A_1045 = arith.mulf %get3A_1044, %get3A_1044 : vector<16xf32>
      %add3A_1046 = arith.addf %scan3A_1013, %mul3A_1045 : vector<16xf32>
      %add3A_1047 = arith.constant 1 : i32
      %add3A_1048 = arith.addi %add3A_1020, %add3A_1047 : i32
      %get3A_1049 = arith.constant 15 : i32
      %get3A_1050 = arith.index_cast %get3A_1049 : i32 to index
      %get3A_1051 = arith.index_cast %add3A_1048 : i32 to index
      %get3A_1052 = arith.constant 45 : index
      %get3A_1053 = tpu.vector_load %arg4[%get3A_1050, %get3A_1051, %get3A_1052] {strides = array<i32>} : memref<16x48x128xf32, #tpu.memory_space<vmem>>, vector<16xf32>,
      %mul3A_1054 = arith.mulf %get3A_1053, %get3A_1053 : vector<16xf32>
      %add3A_1055 = arith.addf %scan3A_1014, %mul3A_1054 : vector<16xf32>
      %add3A_1056 = arith.constant 1 : i32
      %add3A_1057 = arith.addi %add3A_1020, %add3A_1056 : i32
      %get3A_1058 = arith.constant 15 : i32
      %get3A_1059 = arith.index_cast %get3A_1058 : i32 to index
      %get3A_1060 = arith.index_cast %add3A_1057 : i32 to index
      %get3A_1061 = arith.constant 61 : index
      %get3A_1062 = tpu.vector_load %arg4[%get3A_1059, %get3A_1060, %get3A_1061] {strides = array<i32>} : memref<16x48x128xf32, #tpu.memory_space<vmem>>, vector<16xf32>,
      %mul3A_1063 = arith.mulf %get3A_1062, %get3A_1062 : vector<16xf32>
      %add3A_1064 = arith.addf %scan3A_1015, %mul3A_1063 : vector<16xf32>
      %add3A_1065 = arith.constant 1 : i32
      %add3A_1066 = arith.addi %add3A_1020, %add3A_1065 : i32
      %get3A_1067 = arith.constant 15 : i32
      %get3A_1068 = arith.index_cast %get3A_1067 : i32 to index
      %get3A_1069 = arith.index_cast %add3A_1066 : i32 to index
      %get3A_1070 = arith.constant 77 : index
      %get3A_1071 = tpu.vector_load %arg4[%get3A_1068, %get3A_1069, %get3A_1070] {strides = array<i32>} : memref<16x48x128xf32, #tpu.memory_space<vmem>>, vector<16xf32>,
      %mul3A_1072 = arith.mulf %get3A_1071, %get3A_1071 : vector<16xf32>
      %add3A_1073 = arith.addf %scan3A_1016, %mul3A_1072 : vector<16xf32>
      scf.yield %add3A_1028, %add3A_1037, %add3A_1046, %add3A_1055, %add3A_1064, %add3A_1073 : vector<16xf32>, vector<16xf32>, vector<16xf32>, vector<16xf32>, vector<16xf32>, vector<16xf32>
    }
    %scan3A_991 = arith.constant 19 : i32
    %add3A_992 = arith.addf %scan3A_990#0, %scan3A_990#3 : vector<16xf32>
    %add3A_993 = arith.addf %scan3A_990#1, %scan3A_990#4 : vector<16xf32>
    %add3A_994 = arith.addf %scan3A_990#2, %scan3A_990#5 : vector<16xf32>
    %jit3A_995 = arith.constant 0.000000e+00 : f32
    %broadcast_in_dim3A_996 = vector.broadcast %jit3A_995 : f32 to vector<16xf32>
    %select_n3A_997 = arith.select %lt3A_2, %add3A_994, %broadcast_in_dim3A_996 : vector<16xi1>, vector<16xf32>
    %add3A_998 = arith.addf %add3A_992, %add3A_993 : vector<16xf32>
    %add3A_999 = arith.addf %add3A_998, %select_n3A_997 : vector<16xf32>
    %reduce_sum3A_1000 = arith.constant true
    %reduce_sum3A_1001 = vector.broadcast %reduce_sum3A_1000 : i1 to vector<16xi1>
    %reduce_sum3A_1002 = tpu.scan <sum>, %add3A_999 masked %reduce_sum3A_1001 : vector<16xf32>, vector<16xi1> -> vector<16xf32>
    %reduce_sum3A_1003 = vector.extract %reduce_sum3A_1002[15] : f32 from vector<16xf32>
    %eq3A_1004 = arith.constant 15 : i32
    %eq3A_1005 = vector.broadcast %eq3A_1004 : i32 to vector<16xi32>
    %eq3A_1006 = arith.cmpi eq, %iota3A, %eq3A_1005 : vector<16xi32>
    %broadcast_in_dim3A_1007 = vector.broadcast %reduce_sum3A_1003 : f32 to vector<16xf32>
    %select_n3A_1008 = arith.select %eq3A_1006, %broadcast_in_dim3A_1007, %select_n3A_965 : vector<16xi1>, vector<16xf32>
    %swap3A = arith.constant 0 : index
    %swap3A_1009 = tpu.vector_load %arg5[%swap3A] {strides = array<i32>} : memref<16xf32, #tpu.memory_space<vmem>>, vector<16xf32>,
    tpu.vector_store %arg5[%swap3A], %select_n3A_1008 {strides = array<i32>} : memref<16xf32, #tpu.memory_space<vmem>>, vector<16xf32>,
    "tpu.region"() ({
      %run_scoped3A = tpu.sem_alloc : memref<!tpu.dma_semaphore, #tpu.memory_space<semaphore_mem>>
      %dma_start3A_1010 = arith.constant 0 : i32
      %dma_start3A_1011 = tpu.memref_slice %arg3[%add3A_4, %dma_start3A_1010] : memref<32x16xf32, #tpu.memory_space<hbm>> -> memref<1x16xf32, #tpu.memory_space<hbm>>
      %dma_start3A_1012 = tpu.memref_squeeze %dma_start3A_1011 : memref<1x16xf32, #tpu.memory_space<hbm>> -> memref<16xf32, #tpu.memory_space<hbm>>
      %dma_start3A_1013 = arith.constant 0 : i32
      %dma_start3A_1014 = tpu.memref_slice %arg3[%add3A_4, %dma_start3A_1013] : memref<32x16xf32, #tpu.memory_space<hbm>> -> memref<1x16xf32, #tpu.memory_space<hbm>>
      %dma_start3A_1015 = tpu.memref_squeeze %dma_start3A_1014 : memref<1x16xf32, #tpu.memory_space<hbm>> -> memref<16xf32, #tpu.memory_space<hbm>>
      tpu.enqueue_dma source(%arg5 : memref<16xf32, #tpu.memory_space<vmem>>) target(%dma_start3A_1015 : memref<16xf32, #tpu.memory_space<hbm>>) target_semaphore(%run_scoped3A : memref<!tpu.dma_semaphore, #tpu.memory_space<semaphore_mem>>)
      %dma_wait3A_1016 = arith.constant 0 : i32
      %dma_wait3A_1017 = tpu.memref_slice %arg3[%add3A_4, %dma_wait3A_1016] : memref<32x16xf32, #tpu.memory_space<hbm>> -> memref<1x16xf32, #tpu.memory_space<hbm>>
      %dma_wait3A_1018 = tpu.memref_squeeze %dma_wait3A_1017 : memref<1x16xf32, #tpu.memory_space<hbm>> -> memref<16xf32, #tpu.memory_space<hbm>>
      %dma_wait3A_1019 = arith.constant 0 : i32
      %dma_wait3A_1020 = tpu.memref_slice %arg3[%add3A_4, %dma_wait3A_1019] : memref<32x16xf32, #tpu.memory_space<hbm>> -> memref<1x16xf32, #tpu.memory_space<hbm>>
      %dma_wait3A_1021 = tpu.memref_squeeze %dma_wait3A_1020 : memref<1x16xf32, #tpu.memory_space<hbm>> -> memref<16xf32, #tpu.memory_space<hbm>>
      tpu.wait_dma2 semaphore(%run_scoped3A : memref<!tpu.dma_semaphore, #tpu.memory_space<semaphore_mem>>) src(%arg5 : memref<16xf32, #tpu.memory_space<vmem>>) dst(%dma_wait3A_1021 : memref<16xf32, #tpu.memory_space<hbm>>)
      tpu.yield
    }) : () -> ()
    return
  }
}

</mosaic_0001>

<sc_bundles>
// kernel: kernel.3.cloned.1.call-start
scs
__scs_entry_jumppad:
0x0: {  	(pc) =	sbr.rel $0x88, $3  }
0x1: {  	(tag) =	ssettag $0x0;
	lr =	simm.s32 $0x1  }
0x2: {  	[smem:$0x3FA0] =	sst lr;
	_ =	strace $0xD0000000  }
0x3: {  	_ = 	snop  }
0x4: {  	_ = 	snop  }
0x5: {  	_ = 	snop  }
0x6: {  	_ = 	snop  }
0x7: {  	_ = 	snop  }
__scs_overlays_trampoline_lowered:
0x8: {  	[smem:$0x3FAF] =	sst s0  }
0x9: {  	[smem:$0x3FB0] =	sst s1  }
0xa: {  	[smem:$0x3FB1] =	sst s2  }
0xb: {  	[smem:$0x3FB2] =	sst s3  }
0xc: {  	[smem:$0x3FB3] =	sst s4  }
0xd: {  	[smem:$0x3FB4] =	sst s5  }
0xe: {  	[smem:$0x3FB5] =	sst s6  }
0xf: {  	[smem:$0x3FB6] =	sst s7  }
0x10: {  	[smem:$0x3FB7] =	sst s8  }
0x11: {  	[smem:$0x3FB8] =	sst s9;
	s0 =	simm.s32 @!p0 $0x0  }
0x12: {  	s1 =	sld [smem:$0x3F9E];
	s0 =	simm.s32 @p0 $0x1  }
0x13: {  	[smem:$0x3FB9] =	sst s0;
	s0 =	simm.s32 @!p1 $0x0  }
0x14: {  	s2 =	sld [smem:$0x3F9D];
	s0 =	simm.s32 @p1 $0x1  }
0x15: {  	[smem:$0x3FBA] =	sst s0;
	s0 =	simm.s32 @!p2 $0x0  }
0x16: {  	s3 =	sld [smem:$0x3FDB];
	s0 =	simm.s32 @p2 $0x1  }
0x17: {  	s4 =	simm.s32 $0x1BF5;
	[smem:$0x3FBC] =	sst s0  }
0x18: {  	s0 =	sld [smem:$0x3F9F];
	_ =	swait.ge [sflag:s4], $0x0  }
0x19: {  	s7 =	sld [smem:$0x3FA0]  }
0x1a: {  	s8 =	sadd.s32 $0xFFFFE003, lr  }
0x1b: {  	s9 =	sadd.s32 $0xFFFFFEF7, lr;
	s5 =	simm.s32 $0xFFFFFFFF;
	p2 =	slt.u32 s8, $0xFFFFF086  }
0x1c: {  	p1 =	slt.u32 s9, $0xF7A;
	s5 =	simm.s32 @!p2 $0x0  }
0x1d: {  	s5 =	simm.s32 @p1 $0x1;
	p0 =	seq.s32 s7, s2  }
0x1e: {  	s7 =	smul.u32 @!p0 $0xF7A, s2;
	p2 =	seq.s32 @!p0 s5, $0x0  }
0x1f: {  	s9 =	smul.u32 $0xF7A, s1;
	s8 =	simm.s32 @!p0 $0x1BF5;
	p2 =	por !p2, p0  }
0x20: {  	[sflag:s8] =	ssyncset.s32 @!p0 $0xFFFFF086;
	s6 =	sadd.s32 @!p0 s3, s7;
	s7 =	simm.s32 @!p0 $0x108  }
0x21: {  	s3 =	sadd.s32 s3, s9;
	s6 =	sadd.s32 @!p0 $0x88, s6;
	s7 =	simm.s32 @p2 $0x1082  }
0x22: {  	[simem:s7], [sflag:s8] =	dma.local @!p0 [hbm:s6], $0xF7A  }
0x23: {  	s9 =	sor.u32 $0xD0000000, s2;
	s6 =	simm.s32 $0x108;
	_ =	swait.ge @!p0 [sflag:s8], $0x0  }
0x24: {  	s3 =	sadd.s32 $0x88, s3;
	s6 =	simm.s32 @!p1 $0x1082;
	[sflag:s4] =	ssyncset.s32 $0xFFFFF086  }
0x25: {  	[simem:s6], [sflag:s4] =	dma.local [hbm:s3], $0xF7A  }
0x26: {  	[smem:$0x3FA0] =	sst s1;
	(tag) =	ssettag s2;
	_ =	strace s9  }
0x27: {  	s1 =	sld [smem:$0x3FB0]  }
0x28: {  	s2 =	sld [smem:$0x3FB1]  }
0x29: {  	s4 =	sld [smem:$0x3FB3]  }
0x2a: {  	p0 =	seq.s32 s5, $0x0;
	s5 =	sld [smem:$0x3FB4]  }
0x2b: {  	s6 =	sld [smem:$0x3FB5]  }
0x2c: {  	s7 =	sld [smem:$0x3FB6]  }
0x2d: {  	s3 =	simm.s32 $0x108;
	s8 =	sld [smem:$0x3FB7]  }
0x2e: {  	s3 =	simm.s32 @!p0 $0x1082;
	s9 =	sld [smem:$0x3FB8]  }
0x2f: {  	lr =	sadd.s32 s0, s3;
	s0 =	sld [smem:$0x3FAF]  }
0x30: {  	s3 =	sld [smem:$0x3FB2]  }
0x31: {  	[smem:$0x3FBB] =	sst s10  }
0x32: {  	s10 =	sld [smem:$0x3FB9];
	_ =	sdelay $0x3  }
0x33: {  	p0 =	seq.s32 s10, $0x1;
	s10 =	sld [smem:$0x3FBB];
	_ =	sdelay $0x3  }
0x34: {  	[smem:$0x3FBB] =	sst s10  }
0x35: {  	s10 =	sld [smem:$0x3FBA];
	_ =	sdelay $0x3  }
0x36: {  	p1 =	seq.s32 s10, $0x1;
	s10 =	sld [smem:$0x3FBB];
	_ =	sdelay $0x3  }
0x37: {  	[smem:$0x3FBB] =	sst s10  }
0x38: {  	s10 =	sld [smem:$0x3FBC]  }
0x39: {  	_ = 	snop;
	(pc) =	sbr.ind lr, $3  }
0x3a: {  	_ = 	snop  }
0x3b: {  	_ = 	snop  }
0x3c: {  	p2 =	seq.s32 s10, $0x1;
	s10 =	sld [smem:$0x3FBB]  }
0x3d: {  	_ =	shalt  }
0x3e: {  	_ =	shalt  }
0x3f: {  	_ =	shalt  }
0x40: {  	_ =	shalt  }
0x41: {  	_ =	shalt  }
0x42: {  	_ =	shalt  }
0x43: {  	_ =	shalt  }
0x44: {  	_ =	shalt  }
0x45: {  	_ =	shalt  }
0x46: {  	_ =	shalt  }
0x47: {  	_ =	shalt  }
0x48: {  	_ =	shalt  }
0x49: {  	_ =	shalt  }
0x4a: {  	_ =	shalt  }
0x4b: {  	_ =	shalt  }
0x4c: {  	_ =	shalt  }
0x4d: {  	_ =	shalt  }
0x4e: {  	_ =	shalt  }
0x4f: {  	_ =	shalt  }
0x50: {  	_ =	shalt  }
0x51: {  	_ =	shalt  }
0x52: {  	_ =	shalt  }
0x53: {  	_ =	shalt  }
0x54: {  	_ =	shalt  }
0x55: {  	_ =	shalt  }
0x56: {  	_ =	shalt  }
0x57: {  	_ =	shalt  }
0x58: {  	_ =	shalt  }
0x59: {  	_ =	shalt  }
0x5a: {  	_ =	shalt  }
0x5b: {  	_ =	shalt  }
0x5c: {  	_ =	shalt  }
0x5d: {  	_ =	shalt  }
0x5e: {  	_ =	shalt  }
0x5f: {  	_ =	shalt  }
0x60: {  	_ =	shalt  }
0x61: {  	_ =	shalt  }
0x62: {  	_ =	shalt  }
0x63: {  	_ =	shalt  }
0x64: {  	_ =	shalt  }
0x65: {  	_ =	shalt  }
0x66: {  	_ =	shalt  }
0x67: {  	_ =	shalt  }
0x68: {  	_ =	shalt  }
0x69: {  	_ =	shalt  }
0x6a: {  	_ =	shalt  }
0x6b: {  	_ =	shalt  }
0x6c: {  	_ =	shalt  }
0x6d: {  	_ =	shalt  }
0x6e: {  	_ =	shalt  }
0x6f: {  	_ =	shalt  }
0x70: {  	_ =	shalt  }
0x71: {  	_ =	shalt  }
0x72: {  	_ =	shalt  }
0x73: {  	_ =	shalt  }
0x74: {  	_ =	shalt  }
0x75: {  	_ =	shalt  }
0x76: {  	_ =	shalt  }
0x77: {  	_ =	shalt  }
0x78: {  	_ =	shalt  }
0x79: {  	_ =	shalt  }
0x7a: {  	_ =	shalt  }
0x7b: {  	_ =	shalt  }
0x7c: {  	_ =	shalt  }
0x7d: {  	_ =	shalt  }
0x7e: {  	_ =	shalt  }
0x7f: {  	_ =	shalt  }
0x80: {  	_ =	shalt  }
0x81: {  	_ =	shalt  }
0x82: {  	_ =	shalt  }
0x83: {  	_ =	shalt  }
0x84: {  	_ =	shalt  }
0x85: {  	_ =	shalt  }
0x86: {  	_ =	shalt  }
0x87: {  	_ =	shalt  }
.Lfunc_end0:
.L_simem_size_0:
called_computation_lowered:
.L_overlay_start_0:
0x88: {  	s2 =	sld [smem:$0x3FD9]  }
0x89: {  	s3 =	sld [smem:$0x3FFE];
	_ =	sdelay $0x1  }
0x8a: {  	s1 =	srdreg.scid  }
0x8b: {  	s0 =	sand.u32 $0x1, s1  }
0x8c: {  	s17 =	sshll.u32 s0, $0xA;
	s2 =	sadd.s32 s3, s2  }
0x8d: {  	s2 =	sadd.s32 s2, s17  }
0x8e: {  	[smem:$0x3FC7] =	sst s2  }
0x8f: {  	_ = 	snop  }
0x90: {  	s2 =	sld [smem:$0x3FC9];
	(tm) =	ssettm $0x1  }
0x91: {  	s18 =	sld [smem:$0x3FFB];
	_ =	sdelay $0x3  }
0x92: {  	_ =	strace s18  }
0x93: {  	s3 =	sld [smem:$0x3FFC];
	_ =	sdelay $0x3  }
0x94: {  	_ =	strace s3  }
0x95: {  	s3 =	sld [smem:$0x3FFD];
	_ =	sdelay $0x3  }
0x96: {  	_ =	strace s3  }
0x97: {  	_ =	strace $0x8FFFFFFF  }
0x98: {  	s19 =	sld [smem:$0x3FDB];
	_ =	sdelay $0x1  }
0x99: {  	s4 =	simm.s32 $_scs_section_size  }
0x9a: {  	s5 =	simm.s32 $_size__tile_overlayer_lowered;
	s6 =	simm.s32 $_tile_overlayer_lowered  }
0x9b: {  	s22 =	simm.s32 $0x1BFF;
	s21 =	sshll.u32 s6, $0x1;
	s3 =	sadd.s32 s4, s19  }
0x9c: {  	s7 =	simm.s32 $0x0;
	s20 =	sshll.u32 s5, $0x1;
	s5 =	sadd.s32 s21, s3  }
0x9d: {  	[timem:s7], [sflag:s22] =	dma.local [hbm:s5], s20  }
0x9e: {  	_ =	swait.ge [sflag:s22], s20  }
0x9f: {  	s4 =	ssub.s32 $0x0, s20;
	[sflag:s22] =	ssyncset.done $0x0  }
0xa0: {  	[sflag:s22] =	ssyncadd.s32 s4;
	_ =	sdelay $0x1  }
0xa1: {  	s23 =	simm.s32 $0x1B8B  }
0xa2: {  	_ =	swait.ge [sflag:s23], $0x1  }
0xa3: {  	[sflag:s23] =	ssyncset.done $0x0  }
0xa4: {  	s25 =	simm.s32 $0x1B8E;
	s24 =	sld [smem:$0x3FFE];
	[sflag:s23] =	ssyncadd.s32 $0xFFFFFFFF  }
0xa5: {  	s26 =	simm.s32 $execute0_lowered;
	[smem:$0x3FD2] =	sst s25  }
0xa6: {  	s5 =	sshll.u32 s26, $0x1;
	_ =	strace $0x80000046;
	[dreg:$0x1] =	wrdreg $0xFFFFFFFF  }
0xa7: {  	s28 =	simm.s32 $_size_execute0_lowered;
	s3 =	sadd.s32 s3, s5;
	[dreg:$0x0] =	wrdreg $0x0  }
0xa8: {  	s5 =	sshll.u32 s28, $0x1;
	[dreg:$0x2] =	wrdreg s3  }
0xa9: {  	[dreg:$0x3] =	wrdreg s5  }
0xaa: {  	[dreg:$0x4] =	wrdreg $0xC0  }
0xab: {  	_ =	task [dreg:s7], $0x5FFFF  }
0xac: {  	[dreg:$0x1] =	wrdreg $0xFFFFFFFF  }
0xad: {  	[dreg:$0x0] =	wrdreg $0x60  }
0xae: {  	[dreg:$0x2] =	wrdreg s2  }
0xaf: {  	[dreg:$0x3] =	wrdreg s24  }
0xb0: {  	[dreg:$0x4] =	wrdreg $0x9  }
0xb1: {  	_ =	task.clear_ibuf [dreg:s7], $0x5FFFF;
	_ =	strace $0x90000046  }
0xb2: {  	s29 =	simm.s32 $0x9;
	_ =	strace $0x80000048  }
0xb3: {  	_ =	swait.ge [sflag:s29], $0x1  }
0xb4: {  	[sflag:s29] =	ssyncadd.s32 $0xFFFFFFFF  }
0xb5: {  	_ =	strace $0x90000048  }
0xb6: {  	_ =	sfence  }
0xb7: {  	s30 =	sld [smem:$0x0];
	_ =	sdelay $0x2  }
0xb8: {  	s31 =	sshll.u32 s1, $0xD;
	s1 =	sshrl.u32 s1, $0x2  }
0xb9: {  	s3 =	sand.u32 $0x4000, s31;
	s1 =	sadd.s32 s1, s30  }
0xba: {  	s0 =	sor.u32 s3, s0;
	s1 =	sshll.u32 s1, $0x11  }
0xbb: {  	s0 =	sor.u32 s1, s0  }
0xbc: {  	s0 =	sadd.s32 $0x8F2B, s0  }
0xbd: {  	[sflag:s0] =	ssyncadd.remote.s32 $0x1  }
0xbe: {  	_ =	sfence.sel $0xFFFF  }
0xbf: {  	[dreg:$0x0] =	wrdreg $0xFFFFFFFF;
	(pc) =	sbr.abs _section_cstart, $3  }
0xc0: {  	[dreg:$0x1] =	wrdreg $0xFFFFFFFF  }
0xc1: {  	_ =	task.clear_ibuf [dreg:s7], $0x2FFFF;
	_ =	strace $0x9FFFFFFF  }
0xc2: {  	(tm) =	ssettm $0x7FFFFFFF  }
0xc3: {  	_ =	shalt  }
tec
execute0_lowered:
.L_overlay_start_1:
0x0: {  	(tag) =	ssettag $0x1  }
0x1: {  	s0 =	rddreg [dreg:$0x0]  }
0x2: {  	s1 =	rddreg [dreg:$0x1];
	s10 =	simm.s32 $0x0;
	s2 =	srdreg.scid  }
0x3: {  	s3 =	stileid.u32;
	s29 =	simm.s32 $0x1;
	s30 =	simm.s32 $0x2  }
0x4: {  	s31 =	simm.s32 $0x3;
	s28 =	simm.s32 $0xA;
	s6 =	simm.s32 $0xF  }
0x5: {  	s7 =	simm.s32 $0x10;
	s8 =	simm.s32 $0x11;
	s9 =	simm.s32 $0x0  }
0x6: {  	[smem:$0x7FF] =	sst s10;
	s2 =	sand.u32 $0x1, s2;
	s3 =	sshll.u32 s3, $0x1  }
0x7: {  	_ =	strace $0x80000047;
	s3 =	sor.u32 s2, s3;
	s2 =	ssub.s32 $0x2, s2  }
0x8: {  	s4 =	sshll.u32 s3, $0x4;
	s5 =	sshrl.u32 s2, $0x1;
	s3 =	sshll.u32 s3, $0x11  }
0x9: {  	s1 =	sadd.s32 s4, s1;
	s2 =	ssub.s32 s2, s5;
	s0 =	sadd.s32 s3, s0  }
0xa: {  	s4 =	simm.s32 $0xD;
	s5 =	simm.s32 $0xE;
	s3 =	sadd.s32 $0x9500, s0  }
0xb: {  	s19 =	sadd.s32 $0x9580, s0;
	s20 =	sadd.s32 $0x9600, s0;
	[dreg:$0x3] =	wrdreg s3  }
0xc: {  	s21 =	sadd.s32 $0x9680, s0;
	s22 =	sadd.s32 $0xD500, s0;
	[dreg:$0x4] =	wrdreg s19  }
0xd: {  	s23 =	sadd.s32 $0xD580, s0;
	s24 =	sadd.s32 $0xD600, s0;
	[dreg:$0x5] =	wrdreg s20  }
0xe: {  	s25 =	sadd.s32 $0xD680, s0;
	s26 =	sadd.s32 $0x11500, s0;
	[dreg:$0x6] =	wrdreg s21  }
0xf: {  	s12 =	sadd.s32 $0x11580, s0;
	s13 =	sadd.s32 $0x11600, s0;
	[dreg:$0x7] =	wrdreg s22  }
0x10: {  	s14 =	sadd.s32 $0x11680, s0;
	s15 =	sadd.s32 $0x15500, s0;
	[dreg:$0x8] =	wrdreg s23  }
0x11: {  	s16 =	sadd.s32 $0x15580, s0;
	s17 =	sadd.s32 $0x15600, s0;
	[dreg:$0x9] =	wrdreg s24  }
0x12: {  	s18 =	sadd.s32 $0x15680, s0;
	s0 =	simm.s32 $0x4;
	[dreg:$0xa] =	wrdreg s25  }
0x13: {  	[dreg:$0xb] =	wrdreg s26;
	s19 =	sadd.s32 $0x400, s1;
	s20 =	smax.u32 s2, $0x1  }
0x14: {  	s21 =	simm.s32 $0x400;
	s22 =	simm.s32 $0x2000;
	s1 =	simm.s32 $0x5  }
0x15: {  	s23 =	simm.s32 $0x6;
	s24 =	simm.s32 $0x7;
	s25 =	simm.s32 $0x8  }
0x16: {  	s26 =	simm.s32 $0x9;
	s2 =	simm.s32 $0xB;
	s3 =	simm.s32 $0xC  }
.LBB2_1:
0x17: {  	s11 =	rddreg [dreg:$0x3]  }
0x18: {  	[tilespmem:s10], [sflag:$0x1] =	stream.strided.gather [hbm4b:s11+s21], $0x1800, s22, s21, $0x38;
	[tilespmem:$0x18080] =	vst v63  }
0x19: {  	s10 =	rddreg [dreg:$0x4];
	s11 =	simm.s32 $0x1800  }
0x1a: {  	[tilespmem:s11], [sflag:$0x2] =	stream.strided.gather [hbm4b:s10+s21], $0x1800, s22, s21, $0x38;
	[tilespmem:$0x18080] =	vst v63  }
0x1b: {  	s10 =	rddreg [dreg:$0x5];
	s11 =	simm.s32 $0x3000  }
0x1c: {  	[tilespmem:s11], [sflag:$0x3] =	stream.strided.gather [hbm4b:s10+s21], $0x1800, s22, s21, $0x38;
	[tilespmem:$0x18080] =	vst v63  }
0x1d: {  	s10 =	rddreg [dreg:$0x6];
	s11 =	simm.s32 $0x4800  }
0x1e: {  	[tilespmem:s11], [sflag:$0x4] =	stream.strided.gather [hbm4b:s10+s21], $0x1800, s22, s21, $0x38;
	[tilespmem:$0x18080] =	vst v63  }
0x1f: {  	s10 =	rddreg [dreg:$0x7];
	s11 =	simm.s32 $0x6000  }
0x20: {  	[tilespmem:s11], [sflag:$0x5] =	stream.strided.gather [hbm4b:s10+s21], $0x1800, s22, s21, $0x38;
	[tilespmem:$0x18080] =	vst v63  }
0x21: {  	s10 =	rddreg [dreg:$0x8];
	s11 =	simm.s32 $0x7800  }
0x22: {  	[tilespmem:s11], [sflag:$0x6] =	stream.strided.gather [hbm4b:s10+s21], $0x1800, s22, s21, $0x38;
	[tilespmem:$0x18080] =	vst v63  }
0x23: {  	s10 =	rddreg [dreg:$0x9];
	s11 =	simm.s32 $0x9000  }
0x24: {  	[tilespmem:s11], [sflag:$0x7] =	stream.strided.gather [hbm4b:s10+s21], $0x1800, s22, s21, $0x38;
	[tilespmem:$0x18080] =	vst v63  }
0x25: {  	s10 =	rddreg [dreg:$0xa];
	s11 =	simm.s32 $0xA800  }
0x26: {  	[tilespmem:s11], [sflag:$0x8] =	stream.strided.gather [hbm4b:s10+s21], $0x1800, s22, s21, $0x38;
	[tilespmem:$0x18080] =	vst v63  }
0x27: {  	s10 =	rddreg [dreg:$0xb];
	s11 =	simm.s32 $0xC000  }
0x28: {  	[tilespmem:s11], [sflag:$0x9] =	stream.strided.gather [hbm4b:s10+s21], $0x1800, s22, s21, $0x38;
	[tilespmem:$0x18080] =	vst v63  }
0x29: {  	s11 =	simm.s32 $0xD800  }
0x2a: {  	[tilespmem:s11], [sflag:$0xA] =	stream.strided.gather [hbm4b:s12+s21], $0x1800, s22, s21, $0x38;
	[tilespmem:$0x18080] =	vst v63  }
0x2b: {  	s11 =	simm.s32 $0xF000  }
0x2c: {  	[tilespmem:s11], [sflag:$0xB] =	stream.strided.gather [hbm4b:s13+s21], $0x1800, s22, s21, $0x38;
	[tilespmem:$0x18080] =	vst v63  }
0x2d: {  	s11 =	simm.s32 $0x10800  }
0x2e: {  	[tilespmem:s11], [sflag:$0xC] =	stream.strided.gather [hbm4b:s14+s21], $0x1800, s22, s21, $0x38;
	[tilespmem:$0x18080] =	vst v63  }
0x2f: {  	s11 =	simm.s32 $0x12000  }
0x30: {  	[tilespmem:s11], [sflag:$0xD] =	stream.strided.gather [hbm4b:s15+s21], $0x1800, s22, s21, $0x38;
	[tilespmem:$0x18080] =	vst v63  }
0x31: {  	s11 =	simm.s32 $0x13800  }
0x32: {  	[tilespmem:s11], [sflag:$0xE] =	stream.strided.gather [hbm4b:s16+s21], $0x1800, s22, s21, $0x38;
	[tilespmem:$0x18080] =	vst v63  }
0x33: {  	s11 =	simm.s32 $0x15000  }
0x34: {  	[tilespmem:s11], [sflag:$0xF] =	stream.strided.gather [hbm4b:s17+s21], $0x1800, s22, s21, $0x38;
	[tilespmem:$0x18080] =	vst v63  }
0x35: {  	s11 =	simm.s32 $0x16800  }
0x36: {  	[tilespmem:s11], [sflag:$0x10] =	stream.strided.gather [hbm4b:s18+s21], $0x1800, s22, s21, $0x38;
	[tilespmem:$0x18080] =	vst v63  }
0x37: {  	_ =	swait.ge [sflag:s29], $0x1800  }
0x38: {  	[sflag:s29] =	ssyncset.done $0x0  }
0x39: {  	s11 =	simm.s32 $0x34D;
	[sflag:s29] =	ssyncadd.s32 $0xFFFFE800  }
0x3a: {  	v0 =	vld [tilespmem:s11+$0x0]  }
0x3b: {  	v1 =	vld [tilespmem:s11+$0xFFFFFF60]  }
0x3c: {  	v2 =	vld [tilespmem:s11+$0xFFFFFF70]  }
0x3d: {  	v4 =	vld [tilespmem:s11+$0xFFFFFF80]  }
0x3e: {  	v10 =	vld [tilespmem:s11+$0xFFFFFFF0]  }
0x3f: {  	v9 =	vld [tilespmem:s11+$0xFFFFFFE0]  }
0x40: {  	s10 =	simm.s32 $0x44D  }
0x41: {  	v5 =	vld [tilespmem:s10+$0x0];
	v0 =	vmul.f32 v0, v0  }
0x42: {  	v6 =	vld [tilespmem:s10+$0xFFFFFF60];
	v1 =	vmul.f32 v1, v1;
	v11 =	vmul.f32 v2, v2  }
0x43: {  	v3 =	vimm.f32 $0.0e+00;
	v7 =	vld [tilespmem:s10+$0xFFFFFF70];
	v4 =	vmul.f32 v4, v4;
	v12 =	vmul.f32 v10, v10  }
0x44: {  	v8 =	vld [tilespmem:s10+$0xFFFFFF80];
	v2 =	vadd.f32 v1, v3;
	v1 =	vadd.f32 v11, v3;
	v11 =	vmul.f32 v9, v9  }
0x45: {  	s11 =	simm.s32 $0x1534;
	v10 =	vimm.f32 $0.0e+00;
	v0 =	vadd.f32 v0, v3;
	v9 =	vld [tilespmem:s10+$0xFFFFFFE0];
	v4 =	vadd.f32 v4, v3  }
.LBB2_2:
0x46: {  	p0 =	sne.s32 s11, $0x5534;
	v13 =	vld [tilespmem:s10+$0xFFFFFFF0];
	s10 =	sshra.s32 s11, $0x2;
	s11 =	sadd.s32 $0x400, s11;
	v14 =	vmul.f32 v5, v5;
	v3 =	vadd.f32 v11, v3  }
.Ltmp0:
0x47: {  	v5 =	vld [tilespmem:s10+$0x0];
	v11 =	vmul.f32 v6, v6;
	v10 =	vadd.f32 v12, v10;
	(pc) =	sbr.rel @p0 .LBB2_2-.Ltmp0, $4  }
0x48: {  	v6 =	vld [tilespmem:s10+$0xFFFFFF60];
	v12 =	vmul.f32 v7, v7;
	v0 =	vadd.f32 v14, v0  }
0x49: {  	v7 =	vld [tilespmem:s10+$0xFFFFFF70];
	v2 =	vadd.f32 v11, v2;
	v14 =	vmul.f32 v8, v8  }
0x4a: {  	v8 =	vld [tilespmem:s10+$0xFFFFFF80];
	v1 =	vadd.f32 v12, v1;
	v11 =	vmul.f32 v9, v9  }
0x4b: {  	v9 =	vld [tilespmem:s10+$0xFFFFFFE0];
	v4 =	vadd.f32 v14, v4;
	v12 =	vmul.f32 v13, v13  }
0x4c: {  	v13 =	vld [tilespmem:s10+$0xFFFFFFF0];
	_ =	swait.ge [sflag:s30], $0x1800  }
0x4d: {  	v5 =	vmul.f32 v5, v5;
	[sflag:s30] =	ssyncset.done $0x0  }
0x4e: {  	s11 =	simm.s32 $0x0;
	[sflag:s30] =	ssyncadd.s32 $0xFFFFE800  }
0x4f: {  	v6 =	vmul.f32 v6, v6;
	v0 =	vadd.f32 v5, v0;
	v14 =	vld [tilespmem:s11+$0x1B4D]  }
0x50: {  	v7 =	vmul.f32 v7, v7;
	v15 =	vld [tilespmem:s11+$0x1AAD]  }
0x51: {  	v3 =	vadd.f32 v11, v3;
	v11 =	vld [tilespmem:s11+$0x1ABD];
	[tilespmem:$0x1FFA0] =	vst v0;
	v0 =	vadd.f32 v6, v2  }
0x52: {  	v10 =	vadd.f32 v12, v10;
	v8 =	vmul.f32 v8, v8;
	v12 =	vld [tilespmem:s11+$0x1ACD];
	v1 =	vadd.f32 v7, v1  }
0x53: {  	v16 =	vld [tilespmem:s11+$0x1B3D];
	[tilespmem:$0x1FFB0] =	vst v0;
	v0 =	vmul.f32 v9, v9  }
0x54: {  	v9 =	vld [tilespmem:s11+$0x1B2D];
	[tilespmem:$0x1FFC0] =	vst v1;
	v1 =	vadd.f32 v8, v4  }
0x55: {  	s10 =	simm.s32 $0x100;
	v0 =	vadd.f32 v0, v3  }
0x56: {  	v5 =	vld [tilespmem:s10+$0x1B4D];
	[tilespmem:$0x1FFD0] =	vst v1;
	v1 =	vmul.f32 v13, v13;
	v3 =	vmul.f32 v15, v15  }
0x57: {  	v2 =	vimm.f32 $0.0e+00;
	v6 =	vld [tilespmem:s10+$0x1AAD];
	v4 =	vmul.f32 v11, v11;
	[tilespmem:$0x1FFE0] =	vst v0;
	v0 =	vmul.f32 v14, v14  }
0x58: {  	v7 =	vld [tilespmem:s10+$0x1ABD];
	v1 =	vadd.f32 v1, v10;
	v10 =	vmul.f32 v12, v12;
	v3 =	vadd.f32 v3, v2  }
0x59: {  	v8 =	vld [tilespmem:s10+$0x1ACD];
	v12 =	vmul.f32 v16, v16;
	v11 =	vmul.f32 v9, v9;
	v0 =	vadd.f32 v0, v2  }
0x5a: {  	s11 =	simm.s32 $0x800;
	v9 =	vld [tilespmem:s10+$0x1B2D];
	[tilespmem:$0x1FFF0] =	vst v1;
	v1 =	vadd.f32 v4, v2;
	v4 =	vadd.f32 v10, v2;
	v10 =	vimm.f32 $0.0e+00  }
.LBB2_4:
0x5b: {  	p0 =	sne.s32 s11, $0x4800;
	v13 =	vld [tilespmem:s10+$0x1B3D];
	s10 =	sshra.s32 s11, $0x2;
	s11 =	sadd.s32 $0x400, s11;
	v14 =	vmul.f32 v5, v5;
	v2 =	vadd.f32 v11, v2  }
.Ltmp1:
0x5c: {  	v5 =	vld [tilespmem:s10+$0x1B4D];
	v11 =	vmul.f32 v6, v6;
	v10 =	vadd.f32 v12, v10;
	(pc) =	sbr.rel @p0 .LBB2_4-.Ltmp1, $4  }
0x5d: {  	v6 =	vld [tilespmem:s10+$0x1AAD];
	v12 =	vmul.f32 v7, v7;
	v0 =	vadd.f32 v14, v0  }
0x5e: {  	v7 =	vld [tilespmem:s10+$0x1ABD];
	v3 =	vadd.f32 v11, v3;
	v14 =	vmul.f32 v8, v8  }
0x5f: {  	v8 =	vld [tilespmem:s10+$0x1ACD];
	v1 =	vadd.f32 v12, v1;
	v11 =	vmul.f32 v9, v9  }
0x60: {  	v9 =	vld [tilespmem:s10+$0x1B2D];
	v4 =	vadd.f32 v14, v4;
	v12 =	vmul.f32 v13, v13  }
0x61: {  	v13 =	vld [tilespmem:s10+$0x1B3D];
	_ =	swait.ge [sflag:s31], $0x1800  }
0x62: {  	v5 =	vmul.f32 v5, v5;
	[sflag:s31] =	ssyncset.done $0x0  }
0x63: {  	s11 =	simm.s32 $0x0;
	[sflag:s31] =	ssyncadd.s32 $0xFFFFE800  }
0x64: {  	v6 =	vmul.f32 v6, v6;
	v0 =	vadd.f32 v5, v0;
	v14 =	vld [tilespmem:s11+$0x334D]  }
0x65: {  	v7 =	vmul.f32 v7, v7;
	v15 =	vld [tilespmem:s11+$0x32AD]  }
0x66: {  	v2 =	vadd.f32 v11, v2;
	v11 =	vld [tilespmem:s11+$0x32BD];
	[tilespmem:$0x1FF40] =	vst v0;
	v0 =	vadd.f32 v6, v3  }
0x67: {  	v10 =	vadd.f32 v12, v10;
	v8 =	vmul.f32 v8, v8;
	v12 =	vld [tilespmem:s11+$0x32CD];
	v1 =	vadd.f32 v7, v1  }
0x68: {  	v16 =	vld [tilespmem:s11+$0x333D];
	[tilespmem:$0x1FF50] =	vst v0;
	v0 =	vmul.f32 v9, v9  }
0x69: {  	v9 =	vld [tilespmem:s11+$0x332D];
	[tilespmem:$0x1FF60] =	vst v1;
	v1 =	vadd.f32 v8, v4  }
0x6a: {  	s10 =	simm.s32 $0x100;
	v0 =	vadd.f32 v0, v2  }
0x6b: {  	v5 =	vld [tilespmem:s10+$0x334D];
	[tilespmem:$0x1FF70] =	vst v1;
	v1 =	vmul.f32 v13, v13;
	v3 =	vmul.f32 v15, v15  }
0x6c: {  	v6 =	vld [tilespmem:s10+$0x32AD];
	v2 =	vimm.f32 $0.0e+00;
	v4 =	vmul.f32 v11, v11;
	[tilespmem:$0x1FF80] =	vst v0;
	v0 =	vmul.f32 v14, v14  }
0x6d: {  	v7 =	vld [tilespmem:s10+$0x32BD];
	v1 =	vadd.f32 v1, v10;
	v10 =	vmul.f32 v12, v12;
	v3 =	vadd.f32 v3, v2  }
0x6e: {  	v8 =	vld [tilespmem:s10+$0x32CD];
	v12 =	vmul.f32 v16, v16;
	v11 =	vmul.f32 v9, v9;
	v0 =	vadd.f32 v0, v2  }
0x6f: {  	s11 =	simm.s32 $0x800;
	v9 =	vld [tilespmem:s10+$0x332D];
	[tilespmem:$0x1FF90] =	vst v1;
	v1 =	vadd.f32 v4, v2;
	v4 =	vadd.f32 v10, v2;
	v10 =	vimm.f32 $0.0e+00  }
.LBB2_6:
0x70: {  	p0 =	sne.s32 s11, $0x4800;
	v13 =	vld [tilespmem:s10+$0x333D];
	s10 =	sshra.s32 s11, $0x2;
	s11 =	sadd.s32 $0x400, s11;
	v14 =	vmul.f32 v5, v5;
	v2 =	vadd.f32 v11, v2  }
.Ltmp2:
0x71: {  	v5 =	vld [tilespmem:s10+$0x334D];
	v11 =	vmul.f32 v6, v6;
	v10 =	vadd.f32 v12, v10;
	(pc) =	sbr.rel @p0 .LBB2_6-.Ltmp2, $4  }
0x72: {  	v6 =	vld [tilespmem:s10+$0x32AD];
	v12 =	vmul.f32 v7, v7;
	v0 =	vadd.f32 v14, v0  }
0x73: {  	v7 =	vld [tilespmem:s10+$0x32BD];
	v3 =	vadd.f32 v11, v3;
	v14 =	vmul.f32 v8, v8  }
0x74: {  	v8 =	vld [tilespmem:s10+$0x32CD];
	v1 =	vadd.f32 v12, v1;
	v11 =	vmul.f32 v9, v9  }
0x75: {  	v9 =	vld [tilespmem:s10+$0x332D];
	v4 =	vadd.f32 v14, v4;
	v12 =	vmul.f32 v13, v13  }
0x76: {  	v13 =	vld [tilespmem:s10+$0x333D];
	_ =	swait.ge [sflag:s0], $0x1800  }
0x77: {  	v5 =	vmul.f32 v5, v5;
	[sflag:s0] =	ssyncset.done $0x0  }
0x78: {  	s11 =	simm.s32 $0x0;
	[sflag:s0] =	ssyncadd.s32 $0xFFFFE800  }
0x79: {  	v6 =	vmul.f32 v6, v6;
	v0 =	vadd.f32 v5, v0;
	v14 =	vld [tilespmem:s11+$0x4B4D]  }
0x7a: {  	v7 =	vmul.f32 v7, v7;
	v15 =	vld [tilespmem:s11+$0x4AAD]  }
0x7b: {  	v2 =	vadd.f32 v11, v2;
	v11 =	vld [tilespmem:s11+$0x4ABD];
	[tilespmem:$0x1FEE0] =	vst v0;
	v0 =	vadd.f32 v6, v3  }
0x7c: {  	v10 =	vadd.f32 v12, v10;
	v8 =	vmul.f32 v8, v8;
	v12 =	vld [tilespmem:s11+$0x4ACD];
	v1 =	vadd.f32 v7, v1  }
0x7d: {  	v16 =	vld [tilespmem:s11+$0x4B3D];
	[tilespmem:$0x1FEF0] =	vst v0;
	v0 =	vmul.f32 v9, v9  }
0x7e: {  	v9 =	vld [tilespmem:s11+$0x4B2D];
	[tilespmem:$0x1FF00] =	vst v1;
	v1 =	vadd.f32 v8, v4  }
0x7f: {  	s10 =	simm.s32 $0x100;
	v0 =	vadd.f32 v0, v2  }
0x80: {  	v5 =	vld [tilespmem:s10+$0x4B4D];
	[tilespmem:$0x1FF10] =	vst v1;
	v1 =	vmul.f32 v13, v13;
	v3 =	vmul.f32 v15, v15  }
0x81: {  	v6 =	vld [tilespmem:s10+$0x4AAD];
	v2 =	vimm.f32 $0.0e+00;
	v4 =	vmul.f32 v11, v11;
	[tilespmem:$0x1FF20] =	vst v0;
	v0 =	vmul.f32 v14, v14  }
0x82: {  	v7 =	vld [tilespmem:s10+$0x4ABD];
	v1 =	vadd.f32 v1, v10;
	v10 =	vmul.f32 v12, v12;
	v3 =	vadd.f32 v3, v2  }
0x83: {  	v8 =	vld [tilespmem:s10+$0x4ACD];
	v12 =	vmul.f32 v16, v16;
	v11 =	vmul.f32 v9, v9;
	v0 =	vadd.f32 v0, v2  }
0x84: {  	s11 =	simm.s32 $0x800;
	v9 =	vld [tilespmem:s10+$0x4B2D];
	[tilespmem:$0x1FF30] =	vst v1;
	v1 =	vadd.f32 v4, v2;
	v4 =	vadd.f32 v10, v2;
	v10 =	vimm.f32 $0.0e+00  }
.LBB2_8:
0x85: {  	p0 =	sne.s32 s11, $0x4800;
	v13 =	vld [tilespmem:s10+$0x4B3D];
	s10 =	sshra.s32 s11, $0x2;
	s11 =	sadd.s32 $0x400, s11;
	v14 =	vmul.f32 v5, v5;
	v2 =	vadd.f32 v11, v2  }
.Ltmp3:
0x86: {  	v5 =	vld [tilespmem:s10+$0x4B4D];
	v11 =	vmul.f32 v6, v6;
	v10 =	vadd.f32 v12, v10;
	(pc) =	sbr.rel @p0 .LBB2_8-.Ltmp3, $4  }
0x87: {  	v6 =	vld [tilespmem:s10+$0x4AAD];
	v12 =	vmul.f32 v7, v7;
	v0 =	vadd.f32 v14, v0  }
0x88: {  	v7 =	vld [tilespmem:s10+$0x4ABD];
	v3 =	vadd.f32 v11, v3;
	v14 =	vmul.f32 v8, v8  }
0x89: {  	v8 =	vld [tilespmem:s10+$0x4ACD];
	v1 =	vadd.f32 v12, v1;
	v11 =	vmul.f32 v9, v9  }
0x8a: {  	v9 =	vld [tilespmem:s10+$0x4B2D];
	v4 =	vadd.f32 v14, v4;
	v12 =	vmul.f32 v13, v13  }
0x8b: {  	v13 =	vld [tilespmem:s10+$0x4B3D];
	_ =	swait.ge [sflag:s1], $0x1800  }
0x8c: {  	v5 =	vmul.f32 v5, v5;
	[sflag:s1] =	ssyncset.done $0x0  }
0x8d: {  	s11 =	simm.s32 $0x0;
	[sflag:s1] =	ssyncadd.s32 $0xFFFFE800  }
0x8e: {  	v6 =	vmul.f32 v6, v6;
	v0 =	vadd.f32 v5, v0;
	v14 =	vld [tilespmem:s11+$0x634D]  }
0x8f: {  	v7 =	vmul.f32 v7, v7;
	v15 =	vld [tilespmem:s11+$0x62AD]  }
0x90: {  	v2 =	vadd.f32 v11, v2;
	v11 =	vld [tilespmem:s11+$0x62BD];
	[tilespmem:$0x1FE80] =	vst v0;
	v0 =	vadd.f32 v6, v3  }
0x91: {  	v10 =	vadd.f32 v12, v10;
	v8 =	vmul.f32 v8, v8;
	v12 =	vld [tilespmem:s11+$0x62CD];
	v1 =	vadd.f32 v7, v1  }
0x92: {  	v16 =	vld [tilespmem:s11+$0x633D];
	[tilespmem:$0x1FE90] =	vst v0;
	v0 =	vmul.f32 v9, v9  }
0x93: {  	v9 =	vld [tilespmem:s11+$0x632D];
	[tilespmem:$0x1FEA0] =	vst v1;
	v1 =	vadd.f32 v8, v4  }
0x94: {  	s10 =	simm.s32 $0x100;
	v0 =	vadd.f32 v0, v2  }
0x95: {  	v5 =	vld [tilespmem:s10+$0x634D];
	[tilespmem:$0x1FEB0] =	vst v1;
	v1 =	vmul.f32 v13, v13;
	v3 =	vmul.f32 v15, v15  }
0x96: {  	v6 =	vld [tilespmem:s10+$0x62AD];
	v2 =	vimm.f32 $0.0e+00;
	v4 =	vmul.f32 v11, v11;
	[tilespmem:$0x1FEC0] =	vst v0;
	v0 =	vmul.f32 v14, v14  }
0x97: {  	v7 =	vld [tilespmem:s10+$0x62BD];
	v1 =	vadd.f32 v1, v10;
	v10 =	vmul.f32 v12, v12;
	v3 =	vadd.f32 v3, v2  }
0x98: {  	v8 =	vld [tilespmem:s10+$0x62CD];
	v12 =	vmul.f32 v16, v16;
	v11 =	vmul.f32 v9, v9;
	v0 =	vadd.f32 v0, v2  }
0x99: {  	s11 =	simm.s32 $0x800;
	v9 =	vld [tilespmem:s10+$0x632D];
	[tilespmem:$0x1FED0] =	vst v1;
	v1 =	vadd.f32 v4, v2;
	v4 =	vadd.f32 v10, v2;
	v10 =	vimm.f32 $0.0e+00  }
.LBB2_10:
0x9a: {  	p0 =	sne.s32 s11, $0x4800;
	v13 =	vld [tilespmem:s10+$0x633D];
	s10 =	sshra.s32 s11, $0x2;
	s11 =	sadd.s32 $0x400, s11;
	v14 =	vmul.f32 v5, v5;
	v2 =	vadd.f32 v11, v2  }
.Ltmp4:
0x9b: {  	v5 =	vld [tilespmem:s10+$0x634D];
	v11 =	vmul.f32 v6, v6;
	v10 =	vadd.f32 v12, v10;
	(pc) =	sbr.rel @p0 .LBB2_10-.Ltmp4, $4  }
0x9c: {  	v6 =	vld [tilespmem:s10+$0x62AD];
	v12 =	vmul.f32 v7, v7;
	v0 =	vadd.f32 v14, v0  }
0x9d: {  	v7 =	vld [tilespmem:s10+$0x62BD];
	v3 =	vadd.f32 v11, v3;
	v14 =	vmul.f32 v8, v8  }
0x9e: {  	v8 =	vld [tilespmem:s10+$0x62CD];
	v1 =	vadd.f32 v12, v1;
	v11 =	vmul.f32 v9, v9  }
0x9f: {  	v9 =	vld [tilespmem:s10+$0x632D];
	v4 =	vadd.f32 v14, v4;
	v12 =	vmul.f32 v13, v13  }
0xa0: {  	v13 =	vld [tilespmem:s10+$0x633D];
	_ =	swait.ge [sflag:s23], $0x1800  }
0xa1: {  	v5 =	vmul.f32 v5, v5;
	[sflag:s23] =	ssyncset.done $0x0  }
0xa2: {  	s11 =	simm.s32 $0x0;
	[sflag:s23] =	ssyncadd.s32 $0xFFFFE800  }
0xa3: {  	v6 =	vmul.f32 v6, v6;
	v0 =	vadd.f32 v5, v0;
	v14 =	vld [tilespmem:s11+$0x7B4D]  }
0xa4: {  	v7 =	vmul.f32 v7, v7;
	v15 =	vld [tilespmem:s11+$0x7AAD]  }
0xa5: {  	v2 =	vadd.f32 v11, v2;
	v11 =	vld [tilespmem:s11+$0x7ABD];
	[tilespmem:$0x1FE20] =	vst v0;
	v0 =	vadd.f32 v6, v3  }
0xa6: {  	v10 =	vadd.f32 v12, v10;
	v8 =	vmul.f32 v8, v8;
	v12 =	vld [tilespmem:s11+$0x7ACD];
	v1 =	vadd.f32 v7, v1  }
0xa7: {  	v16 =	vld [tilespmem:s11+$0x7B3D];
	[tilespmem:$0x1FE30] =	vst v0;
	v0 =	vmul.f32 v9, v9  }
0xa8: {  	v9 =	vld [tilespmem:s11+$0x7B2D];
	[tilespmem:$0x1FE40] =	vst v1;
	v1 =	vadd.f32 v8, v4  }
0xa9: {  	s10 =	simm.s32 $0x100;
	v0 =	vadd.f32 v0, v2  }
0xaa: {  	v5 =	vld [tilespmem:s10+$0x7B4D];
	[tilespmem:$0x1FE50] =	vst v1;
	v1 =	vmul.f32 v13, v13;
	v3 =	vmul.f32 v15, v15  }
0xab: {  	v6 =	vld [tilespmem:s10+$0x7AAD];
	v2 =	vimm.f32 $0.0e+00;
	v4 =	vmul.f32 v11, v11;
	[tilespmem:$0x1FE60] =	vst v0;
	v0 =	vmul.f32 v14, v14  }
0xac: {  	v7 =	vld [tilespmem:s10+$0x7ABD];
	v1 =	vadd.f32 v1, v10;
	v10 =	vmul.f32 v12, v12;
	v3 =	vadd.f32 v3, v2  }
0xad: {  	v8 =	vld [tilespmem:s10+$0x7ACD];
	v12 =	vmul.f32 v16, v16;
	v11 =	vmul.f32 v9, v9;
	v0 =	vadd.f32 v0, v2  }
0xae: {  	s11 =	simm.s32 $0x800;
	v9 =	vld [tilespmem:s10+$0x7B2D];
	[tilespmem:$0x1FE70] =	vst v1;
	v1 =	vadd.f32 v4, v2;
	v4 =	vadd.f32 v10, v2;
	v10 =	vimm.f32 $0.0e+00  }
.LBB2_12:
0xaf: {  	p0 =	sne.s32 s11, $0x4800;
	v13 =	vld [tilespmem:s10+$0x7B3D];
	s10 =	sshra.s32 s11, $0x2;
	s11 =	sadd.s32 $0x400, s11;
	v14 =	vmul.f32 v5, v5;
	v2 =	vadd.f32 v11, v2  }
.Ltmp5:
0xb0: {  	v5 =	vld [tilespmem:s10+$0x7B4D];
	v11 =	vmul.f32 v6, v6;
	v10 =	vadd.f32 v12, v10;
	(pc) =	sbr.rel @p0 .LBB2_12-.Ltmp5, $4  }
0xb1: {  	v6 =	vld [tilespmem:s10+$0x7AAD];
	v12 =	vmul.f32 v7, v7;
	v0 =	vadd.f32 v14, v0  }
0xb2: {  	v7 =	vld [tilespmem:s10+$0x7ABD];
	v3 =	vadd.f32 v11, v3;
	v14 =	vmul.f32 v8, v8  }
0xb3: {  	v8 =	vld [tilespmem:s10+$0x7ACD];
	v1 =	vadd.f32 v12, v1;
	v11 =	vmul.f32 v9, v9  }
0xb4: {  	v9 =	vld [tilespmem:s10+$0x7B2D];
	v4 =	vadd.f32 v14, v4;
	v12 =	vmul.f32 v13, v13  }
0xb5: {  	v13 =	vld [tilespmem:s10+$0x7B3D];
	_ =	swait.ge [sflag:s24], $0x1800  }
0xb6: {  	[sflag:s24] =	ssyncset.done $0x0  }
0xb7: {  	s11 =	simm.s32 $0x0;
	v5 =	vmul.f32 v5, v5;
	[sflag:s24] =	ssyncadd.s32 $0xFFFFE800  }
0xb8: {  	v14 =	vld [tilespmem:s11+$0x934D]  }
0xb9: {  	v6 =	vmul.f32 v6, v6;
	v0 =	vadd.f32 v5, v0;
	v15 =	vld [tilespmem:s11+$0x92AD]  }
0xba: {  	v2 =	vadd.f32 v11, v2;
	v7 =	vmul.f32 v7, v7;
	v11 =	vld [tilespmem:s11+$0x92BD];
	v8 =	vmul.f32 v8, v8  }
0xbb: {  	v10 =	vadd.f32 v12, v10;
	v12 =	vld [tilespmem:s11+$0x92CD];
	[tilespmem:$0x1FDD0] =	vst v0;
	v0 =	vadd.f32 v6, v3  }
0xbc: {  	v16 =	vld [tilespmem:s11+$0x933D];
	v41 =	vadd.f32 v7, v1;
	v1 =	vadd.f32 v8, v4  }
0xbd: {  	[tilespmem:$0x1FDE0] =	vst v0;
	v0 =	vmul.f32 v9, v9;
	v9 =	vld [tilespmem:s11+$0x932D]  }
0xbe: {  	s10 =	simm.s32 $0x100;
	[tilespmem:$0x1FDF0] =	vst v1;
	v1 =	vmul.f32 v13, v13  }
0xbf: {  	v5 =	vld [tilespmem:s10+$0x934D];
	v0 =	vadd.f32 v0, v2;
	v3 =	vmul.f32 v15, v15  }
0xc0: {  	v6 =	vld [tilespmem:s10+$0x92AD];
	v4 =	vmul.f32 v11, v11;
	v1 =	vadd.f32 v1, v10;
	v10 =	vmul.f32 v12, v12  }
0xc1: {  	v7 =	vld [tilespmem:s10+$0x92BD];
	v2 =	vimm.f32 $0.0e+00;
	v12 =	vmul.f32 v16, v16;
	[tilespmem:$0x1FE00] =	vst v0;
	v0 =	vmul.f32 v14, v14  }
0xc2: {  	v8 =	vld [tilespmem:s10+$0x92CD];
	v3 =	vadd.f32 v3, v2;
	[tilespmem:$0x1FE10] =	vst v1;
	v1 =	vadd.f32 v4, v2;
	v11 =	vmul.f32 v9, v9  }
0xc3: {  	s11 =	simm.s32 $0x800;
	v9 =	vld [tilespmem:s10+$0x932D];
	v4 =	vadd.f32 v10, v2;
	v10 =	vimm.f32 $0.0e+00;
	v0 =	vadd.f32 v0, v2  }
.LBB2_14:
0xc4: {  	p0 =	sne.s32 s11, $0x4800;
	v13 =	vld [tilespmem:s10+$0x933D];
	s10 =	sshra.s32 s11, $0x2;
	s11 =	sadd.s32 $0x400, s11;
	v14 =	vmul.f32 v5, v5;
	v2 =	vadd.f32 v11, v2  }
.Ltmp6:
0xc5: {  	v5 =	vld [tilespmem:s10+$0x934D];
	v11 =	vmul.f32 v6, v6;
	v10 =	vadd.f32 v12, v10;
	(pc) =	sbr.rel @p0 .LBB2_14-.Ltmp6, $4  }
0xc6: {  	v6 =	vld [tilespmem:s10+$0x92AD];
	v12 =	vmul.f32 v7, v7;
	v0 =	vadd.f32 v14, v0  }
0xc7: {  	v7 =	vld [tilespmem:s10+$0x92BD];
	v3 =	vadd.f32 v11, v3;
	v14 =	vmul.f32 v8, v8  }
0xc8: {  	v8 =	vld [tilespmem:s10+$0x92CD];
	v1 =	vadd.f32 v12, v1;
	v11 =	vmul.f32 v9, v9  }
0xc9: {  	v9 =	vld [tilespmem:s10+$0x932D];
	v4 =	vadd.f32 v14, v4;
	v12 =	vmul.f32 v13, v13  }
0xca: {  	v13 =	vld [tilespmem:s10+$0x933D];
	_ =	swait.ge [sflag:s25], $0x1800  }
0xcb: {  	v5 =	vmul.f32 v5, v5;
	[sflag:s25] =	ssyncset.done $0x0  }
0xcc: {  	s11 =	simm.s32 $0x0;
	[sflag:s25] =	ssyncadd.s32 $0xFFFFE800  }
0xcd: {  	v6 =	vmul.f32 v6, v6;
	v0 =	vadd.f32 v5, v0;
	v14 =	vld [tilespmem:s11+$0xAB4D]  }
0xce: {  	v7 =	vmul.f32 v7, v7;
	v15 =	vld [tilespmem:s11+$0xAAAD]  }
0xcf: {  	v2 =	vadd.f32 v11, v2;
	v11 =	vld [tilespmem:s11+$0xAABD];
	[tilespmem:$0x1FD70] =	vst v0;
	v0 =	vadd.f32 v6, v3  }
0xd0: {  	v10 =	vadd.f32 v12, v10;
	v8 =	vmul.f32 v8, v8;
	v12 =	vld [tilespmem:s11+$0xAACD];
	v1 =	vadd.f32 v7, v1  }
0xd1: {  	v16 =	vld [tilespmem:s11+$0xAB3D];
	[tilespmem:$0x1FD80] =	vst v0;
	v0 =	vmul.f32 v9, v9  }
0xd2: {  	v9 =	vld [tilespmem:s11+$0xAB2D];
	[tilespmem:$0x1FD90] =	vst v1;
	v1 =	vadd.f32 v8, v4  }
0xd3: {  	s10 =	simm.s32 $0x100;
	v0 =	vadd.f32 v0, v2  }
0xd4: {  	v5 =	vld [tilespmem:s10+$0xAB4D];
	[tilespmem:$0x1FDA0] =	vst v1;
	v1 =	vmul.f32 v13, v13;
	v3 =	vmul.f32 v15, v15  }
0xd5: {  	v6 =	vld [tilespmem:s10+$0xAAAD];
	v2 =	vimm.f32 $0.0e+00;
	v4 =	vmul.f32 v11, v11;
	[tilespmem:$0x1FDB0] =	vst v0;
	v0 =	vmul.f32 v14, v14  }
0xd6: {  	v7 =	vld [tilespmem:s10+$0xAABD];
	v1 =	vadd.f32 v1, v10;
	v10 =	vmul.f32 v12, v12;
	v3 =	vadd.f32 v3, v2  }
0xd7: {  	v8 =	vld [tilespmem:s10+$0xAACD];
	v12 =	vmul.f32 v16, v16;
	v11 =	vmul.f32 v9, v9;
	v0 =	vadd.f32 v0, v2  }
0xd8: {  	s11 =	simm.s32 $0x800;
	v9 =	vld [tilespmem:s10+$0xAB2D];
	[tilespmem:$0x1FDC0] =	vst v1;
	v1 =	vadd.f32 v4, v2;
	v4 =	vadd.f32 v10, v2;
	v10 =	vimm.f32 $0.0e+00  }
.LBB2_16:
0xd9: {  	p0 =	sne.s32 s11, $0x4800;
	v13 =	vld [tilespmem:s10+$0xAB3D];
	s10 =	sshra.s32 s11, $0x2;
	s11 =	sadd.s32 $0x400, s11;
	v14 =	vmul.f32 v5, v5;
	v2 =	vadd.f32 v11, v2  }
.Ltmp7:
0xda: {  	v5 =	vld [tilespmem:s10+$0xAB4D];
	v11 =	vmul.f32 v6, v6;
	v10 =	vadd.f32 v12, v10;
	(pc) =	sbr.rel @p0 .LBB2_16-.Ltmp7, $4  }
0xdb: {  	v6 =	vld [tilespmem:s10+$0xAAAD];
	v12 =	vmul.f32 v7, v7;
	v0 =	vadd.f32 v14, v0  }
0xdc: {  	v7 =	vld [tilespmem:s10+$0xAABD];
	v3 =	vadd.f32 v11, v3;
	v14 =	vmul.f32 v8, v8  }
0xdd: {  	v8 =	vld [tilespmem:s10+$0xAACD];
	v1 =	vadd.f32 v12, v1;
	v11 =	vmul.f32 v9, v9  }
0xde: {  	v9 =	vld [tilespmem:s10+$0xAB2D];
	v4 =	vadd.f32 v14, v4;
	v12 =	vmul.f32 v13, v13  }
0xdf: {  	v13 =	vld [tilespmem:s10+$0xAB3D];
	_ =	swait.ge [sflag:s26], $0x1800  }
0xe0: {  	[sflag:s26] =	ssyncset.done $0x0  }
0xe1: {  	s11 =	simm.s32 $0x0;
	[sflag:s26] =	ssyncadd.s32 $0xFFFFE800  }
0xe2: {  	v14 =	vld [tilespmem:s11+$0xC34D]  }
0xe3: {  	v5 =	vmul.f32 v5, v5;
	v15 =	vld [tilespmem:s11+$0xC2AD]  }
0xe4: {  	v2 =	vadd.f32 v11, v2;
	v11 =	vld [tilespmem:s11+$0xC2BD]  }
0xe5: {  	v6 =	vmul.f32 v6, v6;
	v10 =	vadd.f32 v12, v10;
	v0 =	vadd.f32 v5, v0;
	v12 =	vld [tilespmem:s11+$0xC2CD]  }
0xe6: {  	v7 =	vmul.f32 v7, v7;
	v8 =	vmul.f32 v8, v8;
	v16 =	vld [tilespmem:s11+$0xC33D]  }
0xe7: {  	v43 =	vadd.f32 v6, v3;
	[tilespmem:$0x1FD60] =	vst v0;
	v0 =	vmul.f32 v9, v9;
	v9 =	vld [tilespmem:s11+$0xC32D]  }
0xe8: {  	s10 =	simm.s32 $0x100;
	v45 =	vadd.f32 v7, v1;
	v44 =	vadd.f32 v8, v4  }
0xe9: {  	v5 =	vld [tilespmem:s10+$0xC34D];
	v1 =	vmul.f32 v13, v13;
	v46 =	vadd.f32 v0, v2;
	v0 =	vmul.f32 v14, v14  }
0xea: {  	v6 =	vld [tilespmem:s10+$0xC2AD];
	v2 =	vimm.f32 $0.0e+00;
	v3 =	vmul.f32 v15, v15;
	v4 =	vmul.f32 v11, v11  }
0xeb: {  	v7 =	vld [tilespmem:s10+$0xC2BD];
	v47 =	vadd.f32 v1, v10;
	v10 =	vmul.f32 v12, v12;
	v12 =	vmul.f32 v16, v16  }
0xec: {  	v8 =	vld [tilespmem:s10+$0xC2CD];
	v11 =	vmul.f32 v9, v9;
	v0 =	vadd.f32 v0, v2;
	v3 =	vadd.f32 v3, v2  }
0xed: {  	s11 =	simm.s32 $0x800;
	v9 =	vld [tilespmem:s10+$0xC32D];
	v1 =	vadd.f32 v4, v2;
	v4 =	vadd.f32 v10, v2;
	v10 =	vimm.f32 $0.0e+00  }
.LBB2_18:
0xee: {  	p0 =	sne.s32 s11, $0x4800;
	v13 =	vld [tilespmem:s10+$0xC33D];
	s10 =	sshra.s32 s11, $0x2;
	s11 =	sadd.s32 $0x400, s11;
	v14 =	vmul.f32 v5, v5;
	v2 =	vadd.f32 v11, v2  }
.Ltmp8:
0xef: {  	v5 =	vld [tilespmem:s10+$0xC34D];
	v11 =	vmul.f32 v6, v6;
	v10 =	vadd.f32 v12, v10;
	(pc) =	sbr.rel @p0 .LBB2_18-.Ltmp8, $4  }
0xf0: {  	v6 =	vld [tilespmem:s10+$0xC2AD];
	v12 =	vmul.f32 v7, v7;
	v0 =	vadd.f32 v14, v0  }
0xf1: {  	v7 =	vld [tilespmem:s10+$0xC2BD];
	v3 =	vadd.f32 v11, v3;
	v14 =	vmul.f32 v8, v8  }
0xf2: {  	v8 =	vld [tilespmem:s10+$0xC2CD];
	v1 =	vadd.f32 v12, v1;
	v11 =	vmul.f32 v9, v9  }
0xf3: {  	v9 =	vld [tilespmem:s10+$0xC32D];
	v4 =	vadd.f32 v14, v4;
	v12 =	vmul.f32 v13, v13  }
0xf4: {  	v13 =	vld [tilespmem:s10+$0xC33D];
	_ =	swait.ge [sflag:s28], $0x1800  }
0xf5: {  	[sflag:s28] =	ssyncset.done $0x0  }
0xf6: {  	s11 =	simm.s32 $0x0;
	[sflag:s28] =	ssyncadd.s32 $0xFFFFE800  }
0xf7: {  	v14 =	vld [tilespmem:s11+$0xDB4D]  }
0xf8: {  	v15 =	vld [tilespmem:s11+$0xDAAD]  }
0xf9: {  	v2 =	vadd.f32 v11, v2;
	v11 =	vld [tilespmem:s11+$0xDABD]  }
0xfa: {  	v5 =	vmul.f32 v5, v5;
	v6 =	vmul.f32 v6, v6;
	v10 =	vadd.f32 v12, v10;
	v12 =	vld [tilespmem:s11+$0xDACD]  }
0xfb: {  	v7 =	vmul.f32 v7, v7;
	v8 =	vmul.f32 v8, v8;
	v16 =	vld [tilespmem:s11+$0xDB3D]  }
0xfc: {  	v48 =	vadd.f32 v5, v0;
	v49 =	vadd.f32 v6, v3;
	v0 =	vmul.f32 v9, v9;
	v9 =	vld [tilespmem:s11+$0xDB2D]  }
0xfd: {  	s10 =	simm.s32 $0x100;
	v51 =	vadd.f32 v7, v1;
	v50 =	vadd.f32 v8, v4  }
0xfe: {  	v5 =	vld [tilespmem:s10+$0xDB4D];
	v1 =	vmul.f32 v13, v13;
	v52 =	vadd.f32 v0, v2;
	v0 =	vmul.f32 v14, v14  }
0xff: {  	v6 =	vld [tilespmem:s10+$0xDAAD];
	v2 =	vimm.f32 $0.0e+00;
	v3 =	vmul.f32 v15, v15;
	v4 =	vmul.f32 v11, v11  }
0x100: {  	v7 =	vld [tilespmem:s10+$0xDABD];
	v53 =	vadd.f32 v1, v10;
	v10 =	vmul.f32 v12, v12;
	v12 =	vmul.f32 v16, v16  }
0x101: {  	v8 =	vld [tilespmem:s10+$0xDACD];
	v11 =	vmul.f32 v9, v9;
	v0 =	vadd.f32 v0, v2;
	v3 =	vadd.f32 v3, v2  }
0x102: {  	s11 =	simm.s32 $0x800;
	v9 =	vld [tilespmem:s10+$0xDB2D];
	v1 =	vadd.f32 v4, v2;
	v4 =	vadd.f32 v10, v2;
	v10 =	vimm.f32 $0.0e+00  }
.LBB2_20:
0x103: {  	p0 =	sne.s32 s11, $0x4800;
	v13 =	vld [tilespmem:s10+$0xDB3D];
	s10 =	sshra.s32 s11, $0x2;
	s11 =	sadd.s32 $0x400, s11;
	v14 =	vmul.f32 v5, v5;
	v2 =	vadd.f32 v11, v2  }
.Ltmp9:
0x104: {  	v5 =	vld [tilespmem:s10+$0xDB4D];
	v11 =	vmul.f32 v6, v6;
	v10 =	vadd.f32 v12, v10;
	(pc) =	sbr.rel @p0 .LBB2_20-.Ltmp9, $4  }
0x105: {  	v6 =	vld [tilespmem:s10+$0xDAAD];
	v12 =	vmul.f32 v7, v7;
	v0 =	vadd.f32 v14, v0  }
0x106: {  	v7 =	vld [tilespmem:s10+$0xDABD];
	v3 =	vadd.f32 v11, v3;
	v14 =	vmul.f32 v8, v8  }
0x107: {  	v8 =	vld [tilespmem:s10+$0xDACD];
	v1 =	vadd.f32 v12, v1;
	v11 =	vmul.f32 v9, v9  }
0x108: {  	v9 =	vld [tilespmem:s10+$0xDB2D];
	v4 =	vadd.f32 v14, v4;
	v12 =	vmul.f32 v13, v13  }
0x109: {  	v13 =	vld [tilespmem:s10+$0xDB3D];
	_ =	swait.ge [sflag:s2], $0x1800  }
0x10a: {  	[sflag:s2] =	ssyncset.done $0x0  }
0x10b: {  	s11 =	simm.s32 $0x0;
	[sflag:s2] =	ssyncadd.s32 $0xFFFFE800  }
0x10c: {  	v14 =	vld [tilespmem:s11+$0xF34D]  }
0x10d: {  	v15 =	vld [tilespmem:s11+$0xF2AD]  }
0x10e: {  	v2 =	vadd.f32 v11, v2;
	v11 =	vld [tilespmem:s11+$0xF2BD]  }
0x10f: {  	v5 =	vmul.f32 v5, v5;
	v6 =	vmul.f32 v6, v6;
	v10 =	vadd.f32 v12, v10;
	v12 =	vld [tilespmem:s11+$0xF2CD]  }
0x110: {  	v7 =	vmul.f32 v7, v7;
	v8 =	vmul.f32 v8, v8;
	v16 =	vld [tilespmem:s11+$0xF33D]  }
0x111: {  	v54 =	vadd.f32 v5, v0;
	v55 =	vadd.f32 v6, v3;
	v0 =	vmul.f32 v9, v9;
	v9 =	vld [tilespmem:s11+$0xF32D]  }
0x112: {  	s10 =	simm.s32 $0x100;
	v57 =	vadd.f32 v7, v1;
	v56 =	vadd.f32 v8, v4  }
0x113: {  	v5 =	vld [tilespmem:s10+$0xF34D];
	v1 =	vmul.f32 v13, v13;
	v58 =	vadd.f32 v0, v2;
	v0 =	vmul.f32 v14, v14  }
0x114: {  	v6 =	vld [tilespmem:s10+$0xF2AD];
	v2 =	vimm.f32 $0.0e+00;
	v3 =	vmul.f32 v15, v15;
	v4 =	vmul.f32 v11, v11  }
0x115: {  	v7 =	vld [tilespmem:s10+$0xF2BD];
	v59 =	vadd.f32 v1, v10;
	v10 =	vmul.f32 v12, v12;
	v12 =	vmul.f32 v16, v16  }
0x116: {  	v8 =	vld [tilespmem:s10+$0xF2CD];
	v11 =	vmul.f32 v9, v9;
	v0 =	vadd.f32 v0, v2;
	v3 =	vadd.f32 v3, v2  }
0x117: {  	s11 =	simm.s32 $0x800;
	v9 =	vld [tilespmem:s10+$0xF32D];
	v1 =	vadd.f32 v4, v2;
	v4 =	vadd.f32 v10, v2;
	v10 =	vimm.f32 $0.0e+00  }
.LBB2_22:
0x118: {  	p0 =	sne.s32 s11, $0x4800;
	v13 =	vld [tilespmem:s10+$0xF33D];
	s10 =	sshra.s32 s11, $0x2;
	s11 =	sadd.s32 $0x400, s11;
	v14 =	vmul.f32 v5, v5;
	v2 =	vadd.f32 v11, v2  }
.Ltmp10:
0x119: {  	v5 =	vld [tilespmem:s10+$0xF34D];
	v11 =	vmul.f32 v6, v6;
	v10 =	vadd.f32 v12, v10;
	(pc) =	sbr.rel @p0 .LBB2_22-.Ltmp10, $4  }
0x11a: {  	v6 =	vld [tilespmem:s10+$0xF2AD];
	v12 =	vmul.f32 v7, v7;
	v0 =	vadd.f32 v14, v0  }
0x11b: {  	v7 =	vld [tilespmem:s10+$0xF2BD];
	v3 =	vadd.f32 v11, v3;
	v14 =	vmul.f32 v8, v8  }
0x11c: {  	v8 =	vld [tilespmem:s10+$0xF2CD];
	v1 =	vadd.f32 v12, v1;
	v11 =	vmul.f32 v9, v9  }
0x11d: {  	v9 =	vld [tilespmem:s10+$0xF32D];
	v4 =	vadd.f32 v14, v4;
	v12 =	vmul.f32 v13, v13  }
0x11e: {  	v13 =	vld [tilespmem:s10+$0xF33D];
	_ =	swait.ge [sflag:s3], $0x1800  }
0x11f: {  	[sflag:s3] =	ssyncset.done $0x0  }
0x120: {  	s11 =	simm.s32 $0x0;
	[sflag:s3] =	ssyncadd.s32 $0xFFFFE800  }
0x121: {  	v14 =	vld [tilespmem:s11+$0x10B4D]  }
0x122: {  	v15 =	vld [tilespmem:s11+$0x10AAD]  }
0x123: {  	v2 =	vadd.f32 v11, v2;
	v6 =	vmul.f32 v6, v6;
	v11 =	vld [tilespmem:s11+$0x10ABD]  }
0x124: {  	v5 =	vmul.f32 v5, v5;
	v10 =	vadd.f32 v12, v10;
	v12 =	vld [tilespmem:s11+$0x10ACD]  }
0x125: {  	v7 =	vmul.f32 v7, v7;
	v8 =	vmul.f32 v8, v8;
	v61 =	vadd.f32 v6, v3;
	v6 =	vld [tilespmem:s11+$0x10B2D]  }
0x126: {  	v60 =	vadd.f32 v5, v0;
	v16 =	vld [tilespmem:s11+$0x10B3D];
	v0 =	vmul.f32 v9, v9  }
0x127: {  	s10 =	simm.s32 $0x100;
	v63 =	vadd.f32 v7, v1;
	v62 =	vadd.f32 v8, v4  }
0x128: {  	v7 =	vld [tilespmem:s10+$0x10B4D];
	v1 =	vmul.f32 v13, v13;
	v0 =	vadd.f32 v0, v2;
	v2 =	vmul.f32 v14, v14  }
0x129: {  	v4 =	vimm.f32 $0.0e+00;
	v8 =	vld [tilespmem:s10+$0x10AAD];
	v3 =	vmul.f32 v15, v15;
	v11 =	vmul.f32 v11, v11  }
0x12a: {  	v9 =	vld [tilespmem:s10+$0x10ABD];
	v1 =	vadd.f32 v1, v10;
	v12 =	vmul.f32 v12, v12;
	v13 =	vmul.f32 v6, v6  }
0x12b: {  	v10 =	vld [tilespmem:s10+$0x10ACD];
	v14 =	vmul.f32 v16, v16;
	v2 =	vadd.f32 v2, v4;
	v5 =	vadd.f32 v3, v4  }
0x12c: {  	s11 =	simm.s32 $0x800;
	v3 =	vadd.f32 v11, v4;
	v11 =	vld [tilespmem:s10+$0x10B2D];
	v6 =	vadd.f32 v12, v4;
	v12 =	vimm.f32 $0.0e+00  }
.LBB2_24:
0x12d: {  	p0 =	sne.s32 s11, $0x4800;
	v15 =	vld [tilespmem:s10+$0x10B3D];
	s10 =	sshra.s32 s11, $0x2;
	s11 =	sadd.s32 $0x400, s11;
	v16 =	vmul.f32 v7, v7;
	v4 =	vadd.f32 v13, v4  }
.Ltmp11:
0x12e: {  	v7 =	vld [tilespmem:s10+$0x10B4D];
	v13 =	vmul.f32 v8, v8;
	v12 =	vadd.f32 v14, v12;
	(pc) =	sbr.rel @p0 .LBB2_24-.Ltmp11, $4  }
0x12f: {  	v8 =	vld [tilespmem:s10+$0x10AAD];
	v14 =	vmul.f32 v9, v9;
	v2 =	vadd.f32 v16, v2  }
0x130: {  	v9 =	vld [tilespmem:s10+$0x10ABD];
	v5 =	vadd.f32 v13, v5;
	v16 =	vmul.f32 v10, v10  }
0x131: {  	v10 =	vld [tilespmem:s10+$0x10ACD];
	v3 =	vadd.f32 v14, v3;
	v13 =	vmul.f32 v11, v11  }
0x132: {  	v11 =	vld [tilespmem:s10+$0x10B2D];
	v6 =	vadd.f32 v16, v6;
	v14 =	vmul.f32 v15, v15  }
0x133: {  	v15 =	vld [tilespmem:s10+$0x10B3D];
	_ =	swait.ge [sflag:s4], $0x1800  }
0x134: {  	[sflag:s4] =	ssyncset.done $0x0  }
0x135: {  	s11 =	simm.s32 $0x0;
	[sflag:s4] =	ssyncadd.s32 $0xFFFFE800  }
0x136: {  	v16 =	vld [tilespmem:s11+$0x1234D]  }
0x137: {  	v17 =	vld [tilespmem:s11+$0x122AD]  }
0x138: {  	v13 =	vadd.f32 v13, v4;
	v4 =	vmul.f32 v8, v8;
	v8 =	vld [tilespmem:s11+$0x122BD]  }
0x139: {  	v7 =	vmul.f32 v7, v7;
	v18 =	vld [tilespmem:s11+$0x122CD]  }
0x13a: {  	v12 =	vadd.f32 v14, v12;
	v9 =	vmul.f32 v9, v9;
	v10 =	vmul.f32 v10, v10;
	v19 =	vld [tilespmem:s11+$0x1232D]  }
0x13b: {  	v2 =	vadd.f32 v7, v2;
	v4 =	vadd.f32 v4, v5;
	v20 =	vld [tilespmem:s11+$0x1233D];
	v7 =	vmul.f32 v11, v11  }
0x13c: {  	s10 =	simm.s32 $0x100;
	v5 =	vadd.f32 v9, v3;
	v3 =	vadd.f32 v10, v6  }
0x13d: {  	v9 =	vmul.f32 v15, v15;
	v6 =	vadd.f32 v7, v13;
	v13 =	vld [tilespmem:s10+$0x1234D];
	v11 =	vmul.f32 v16, v16  }
0x13e: {  	v14 =	vld [tilespmem:s10+$0x122AD];
	v10 =	vimm.f32 $0.0e+00;
	v16 =	vmul.f32 v17, v17;
	v17 =	vmul.f32 v8, v8  }
0x13f: {  	v15 =	vld [tilespmem:s10+$0x122BD];
	v7 =	vadd.f32 v9, v12;
	v12 =	vmul.f32 v18, v18;
	v19 =	vmul.f32 v19, v19  }
0x140: {  	v20 =	vmul.f32 v20, v20;
	v8 =	vadd.f32 v11, v10;
	v11 =	vadd.f32 v16, v10;
	v16 =	vld [tilespmem:s10+$0x122CD]  }
0x141: {  	s11 =	simm.s32 $0x800;
	v18 =	vimm.f32 $0.0e+00;
	v9 =	vadd.f32 v17, v10;
	v17 =	vld [tilespmem:s10+$0x1232D];
	v12 =	vadd.f32 v12, v10  }
.LBB2_26:
0x142: {  	p0 =	sne.s32 s11, $0x4800;
	v21 =	vld [tilespmem:s10+$0x1233D];
	s10 =	sshra.s32 s11, $0x2;
	s11 =	sadd.s32 $0x400, s11;
	v22 =	vmul.f32 v13, v13;
	v10 =	vadd.f32 v19, v10  }
.Ltmp12:
0x143: {  	v13 =	vld [tilespmem:s10+$0x1234D];
	v19 =	vmul.f32 v14, v14;
	v18 =	vadd.f32 v20, v18;
	(pc) =	sbr.rel @p0 .LBB2_26-.Ltmp12, $4  }
0x144: {  	v14 =	vld [tilespmem:s10+$0x122AD];
	v20 =	vmul.f32 v15, v15;
	v8 =	vadd.f32 v22, v8  }
0x145: {  	v15 =	vld [tilespmem:s10+$0x122BD];
	v11 =	vadd.f32 v19, v11;
	v22 =	vmul.f32 v16, v16  }
0x146: {  	v16 =	vld [tilespmem:s10+$0x122CD];
	v9 =	vadd.f32 v20, v9;
	v19 =	vmul.f32 v17, v17  }
0x147: {  	v17 =	vld [tilespmem:s10+$0x1232D];
	v12 =	vadd.f32 v22, v12;
	v20 =	vmul.f32 v21, v21  }
0x148: {  	v21 =	vld [tilespmem:s10+$0x1233D];
	_ =	swait.ge [sflag:s5], $0x1800  }
0x149: {  	[sflag:s5] =	ssyncset.done $0x0  }
0x14a: {  	s11 =	simm.s32 $0x0;
	[sflag:s5] =	ssyncadd.s32 $0xFFFFE800  }
0x14b: {  	v22 =	vld [tilespmem:s11+$0x13B4D]  }
0x14c: {  	v23 =	vld [tilespmem:s11+$0x13AAD]  }
0x14d: {  	v19 =	vadd.f32 v19, v10;
	v10 =	vmul.f32 v14, v14;
	v14 =	vld [tilespmem:s11+$0x13ABD]  }
0x14e: {  	v13 =	vmul.f32 v13, v13;
	v24 =	vld [tilespmem:s11+$0x13ACD]  }
0x14f: {  	v18 =	vadd.f32 v20, v18;
	v15 =	vmul.f32 v15, v15;
	v16 =	vmul.f32 v16, v16;
	v25 =	vld [tilespmem:s11+$0x13B2D]  }
0x150: {  	v8 =	vadd.f32 v13, v8;
	v10 =	vadd.f32 v10, v11;
	v26 =	vld [tilespmem:s11+$0x13B3D];
	v13 =	vmul.f32 v17, v17  }
0x151: {  	s10 =	simm.s32 $0x100;
	v11 =	vadd.f32 v15, v9;
	v9 =	vadd.f32 v16, v12  }
0x152: {  	v16 =	vmul.f32 v21, v21;
	v12 =	vadd.f32 v13, v19;
	v19 =	vld [tilespmem:s10+$0x13B4D];
	v17 =	vmul.f32 v22, v22  }
0x153: {  	v20 =	vld [tilespmem:s10+$0x13AAD];
	v15 =	vimm.f32 $0.0e+00;
	v22 =	vmul.f32 v23, v23;
	v23 =	vmul.f32 v14, v14  }
0x154: {  	v21 =	vld [tilespmem:s10+$0x13ABD];
	v13 =	vadd.f32 v16, v18;
	v18 =	vmul.f32 v24, v24;
	v25 =	vmul.f32 v25, v25  }
0x155: {  	v26 =	vmul.f32 v26, v26;
	v14 =	vadd.f32 v17, v15;
	v17 =	vadd.f32 v22, v15;
	v22 =	vld [tilespmem:s10+$0x13ACD]  }
0x156: {  	s11 =	simm.s32 $0x800;
	v24 =	vimm.f32 $0.0e+00;
	v16 =	vadd.f32 v23, v15;
	v23 =	vld [tilespmem:s10+$0x13B2D];
	v18 =	vadd.f32 v18, v15  }
.LBB2_28:
0x157: {  	p0 =	sne.s32 s11, $0x4800;
	v27 =	vld [tilespmem:s10+$0x13B3D];
	s10 =	sshra.s32 s11, $0x2;
	s11 =	sadd.s32 $0x400, s11;
	v28 =	vmul.f32 v19, v19;
	v15 =	vadd.f32 v25, v15  }
.Ltmp13:
0x158: {  	v19 =	vld [tilespmem:s10+$0x13B4D];
	v25 =	vmul.f32 v20, v20;
	v24 =	vadd.f32 v26, v24;
	(pc) =	sbr.rel @p0 .LBB2_28-.Ltmp13, $4  }
0x159: {  	v20 =	vld [tilespmem:s10+$0x13AAD];
	v26 =	vmul.f32 v21, v21;
	v14 =	vadd.f32 v28, v14  }
0x15a: {  	v21 =	vld [tilespmem:s10+$0x13ABD];
	v17 =	vadd.f32 v25, v17;
	v28 =	vmul.f32 v22, v22  }
0x15b: {  	v22 =	vld [tilespmem:s10+$0x13ACD];
	v16 =	vadd.f32 v26, v16;
	v25 =	vmul.f32 v23, v23  }
0x15c: {  	v23 =	vld [tilespmem:s10+$0x13B2D];
	v18 =	vadd.f32 v28, v18;
	v26 =	vmul.f32 v27, v27  }
0x15d: {  	v27 =	vld [tilespmem:s10+$0x13B3D];
	_ =	swait.ge [sflag:s6], $0x1800  }
0x15e: {  	[sflag:s6] =	ssyncset.done $0x0  }
0x15f: {  	s11 =	simm.s32 $0x0;
	[sflag:s6] =	ssyncadd.s32 $0xFFFFE800  }
0x160: {  	v28 =	vld [tilespmem:s11+$0x1534D]  }
0x161: {  	v29 =	vld [tilespmem:s11+$0x152AD]  }
0x162: {  	v25 =	vadd.f32 v25, v15;
	v15 =	vmul.f32 v20, v20;
	v20 =	vld [tilespmem:s11+$0x152BD]  }
0x163: {  	v19 =	vmul.f32 v19, v19;
	v30 =	vld [tilespmem:s11+$0x152CD]  }
0x164: {  	v24 =	vadd.f32 v26, v24;
	v21 =	vmul.f32 v21, v21;
	v22 =	vmul.f32 v22, v22;
	v31 =	vld [tilespmem:s11+$0x1532D]  }
0x165: {  	v14 =	vadd.f32 v19, v14;
	v15 =	vadd.f32 v15, v17;
	v32 =	vld [tilespmem:s11+$0x1533D];
	v19 =	vmul.f32 v23, v23  }
0x166: {  	s10 =	simm.s32 $0x100;
	v16 =	vadd.f32 v21, v16;
	v17 =	vadd.f32 v22, v18  }
0x167: {  	v22 =	vmul.f32 v27, v27;
	v18 =	vadd.f32 v19, v25;
	v25 =	vld [tilespmem:s10+$0x1534D];
	v23 =	vmul.f32 v28, v28  }
0x168: {  	v26 =	vld [tilespmem:s10+$0x152AD];
	v21 =	vimm.f32 $0.0e+00;
	v28 =	vmul.f32 v29, v29;
	v29 =	vmul.f32 v20, v20  }
0x169: {  	v27 =	vld [tilespmem:s10+$0x152BD];
	v19 =	vadd.f32 v22, v24;
	v24 =	vmul.f32 v30, v30;
	v31 =	vmul.f32 v31, v31  }
0x16a: {  	v32 =	vmul.f32 v32, v32;
	v20 =	vadd.f32 v23, v21;
	v23 =	vadd.f32 v28, v21;
	v28 =	vld [tilespmem:s10+$0x152CD]  }
0x16b: {  	s11 =	simm.s32 $0x800;
	v30 =	vimm.f32 $0.0e+00;
	v22 =	vadd.f32 v29, v21;
	v29 =	vld [tilespmem:s10+$0x1532D];
	v24 =	vadd.f32 v24, v21  }
.LBB2_30:
0x16c: {  	p0 =	sne.s32 s11, $0x4800;
	v33 =	vld [tilespmem:s10+$0x1533D];
	s10 =	sshra.s32 s11, $0x2;
	s11 =	sadd.s32 $0x400, s11;
	v34 =	vmul.f32 v25, v25;
	v21 =	vadd.f32 v31, v21  }
.Ltmp14:
0x16d: {  	v25 =	vld [tilespmem:s10+$0x1534D];
	v31 =	vmul.f32 v26, v26;
	v30 =	vadd.f32 v32, v30;
	(pc) =	sbr.rel @p0 .LBB2_30-.Ltmp14, $4  }
0x16e: {  	v26 =	vld [tilespmem:s10+$0x152AD];
	v32 =	vmul.f32 v27, v27;
	v20 =	vadd.f32 v34, v20  }
0x16f: {  	v27 =	vld [tilespmem:s10+$0x152BD];
	v23 =	vadd.f32 v31, v23;
	v34 =	vmul.f32 v28, v28  }
0x170: {  	v28 =	vld [tilespmem:s10+$0x152CD];
	v22 =	vadd.f32 v32, v22;
	v31 =	vmul.f32 v29, v29  }
0x171: {  	v29 =	vld [tilespmem:s10+$0x1532D];
	v24 =	vadd.f32 v34, v24;
	v32 =	vmul.f32 v33, v33  }
0x172: {  	v33 =	vld [tilespmem:s10+$0x1533D];
	_ =	swait.ge [sflag:s7], $0x1800  }
0x173: {  	[sflag:s7] =	ssyncset.done $0x0  }
0x174: {  	s11 =	simm.s32 $0x0;
	[sflag:s7] =	ssyncadd.s32 $0xFFFFE800  }
0x175: {  	v34 =	vld [tilespmem:s11+$0x16B4D]  }
0x176: {  	v35 =	vld [tilespmem:s11+$0x16AAD]  }
0x177: {  	v31 =	vadd.f32 v31, v21;
	v21 =	vmul.f32 v26, v26;
	v26 =	vld [tilespmem:s11+$0x16ABD]  }
0x178: {  	v25 =	vmul.f32 v25, v25;
	v36 =	vld [tilespmem:s11+$0x16ACD]  }
0x179: {  	v30 =	vadd.f32 v32, v30;
	v27 =	vmul.f32 v27, v27;
	v37 =	vld [tilespmem:s11+$0x16B2D]  }
0x17a: {  	v20 =	vadd.f32 v25, v20;
	v28 =	vmul.f32 v28, v28;
	v21 =	vadd.f32 v21, v23;
	v38 =	vld [tilespmem:s11+$0x16B3D]  }
0x17b: {  	s10 =	simm.s32 $0x100;
	v25 =	vmul.f32 v29, v29;
	v23 =	vadd.f32 v27, v22;
	v27 =	vimm.f32 $0.0e+00  }
0x17c: {  	v22 =	vadd.f32 v28, v24;
	v29 =	vmul.f32 v33, v33;
	v28 =	vld [tilespmem:s10+$0x16B4D];
	v39 =	vmul.f32 v34, v34  }
0x17d: {  	v24 =	vadd.f32 v25, v31;
	v31 =	vld [tilespmem:s10+$0x16AAD];
	v40 =	vmul.f32 v35, v35;
	v42 =	vmul.f32 v26, v26  }
0x17e: {  	v32 =	vld [tilespmem:s10+$0x16ABD];
	v25 =	vadd.f32 v29, v30;
	v36 =	vmul.f32 v36, v36;
	v37 =	vmul.f32 v37, v37  }
0x17f: {  	v35 =	vld [tilespmem:s10+$0x16ACD];
	v38 =	vmul.f32 v38, v38;
	v26 =	vadd.f32 v39, v27;
	v29 =	vadd.f32 v40, v27  }
0x180: {  	s11 =	simm.s32 $0x800;
	v33 =	vld [tilespmem:s10+$0x16B2D];
	v30 =	vadd.f32 v42, v27;
	v34 =	vadd.f32 v36, v27;
	v36 =	vimm.f32 $0.0e+00  }
.LBB2_32:
0x181: {  	p0 =	sne.s32 s11, $0x4800;
	v39 =	vld [tilespmem:s10+$0x16B3D];
	s10 =	sshra.s32 s11, $0x2;
	s11 =	sadd.s32 $0x400, s11;
	v40 =	vmul.f32 v28, v28;
	v27 =	vadd.f32 v37, v27  }
.Ltmp15:
0x182: {  	v28 =	vld [tilespmem:s10+$0x16B4D];
	v37 =	vmul.f32 v31, v31;
	v36 =	vadd.f32 v38, v36;
	(pc) =	sbr.rel @p0 .LBB2_32-.Ltmp15, $4  }
0x183: {  	v31 =	vld [tilespmem:s10+$0x16AAD];
	v38 =	vmul.f32 v32, v32;
	v26 =	vadd.f32 v40, v26  }
0x184: {  	v32 =	vld [tilespmem:s10+$0x16ABD];
	v29 =	vadd.f32 v37, v29;
	v40 =	vmul.f32 v35, v35  }
0x185: {  	v35 =	vld [tilespmem:s10+$0x16ACD];
	v30 =	vadd.f32 v38, v30;
	v37 =	vmul.f32 v33, v33  }
0x186: {  	v33 =	vld [tilespmem:s10+$0x16B2D];
	v34 =	vadd.f32 v40, v34;
	v38 =	vmul.f32 v39, v39  }
0x187: {  	v39 =	vld [tilespmem:s10+$0x16B3D]  }
0x188: {  	v42 =	vld [tilespmem:$0x1FFB0]  }
0x189: {  	v27 =	vadd.f32 v37, v27;
	v37 =	vld [tilespmem:$0x1FFE0]  }
0x18a: {  	v40 =	vld [tilespmem:$0x1FFF0]  }
0x18b: {  	v36 =	vadd.f32 v38, v36;
	v38 =	vld [tilespmem:$0x1FFC0]  }
0x18c: {  	v28 =	vmul.f32 v28, v28;
	v31 =	vmul.f32 v31, v31  }
0x18d: {  	v32 =	vmul.f32 v32, v32  }
0x18e: {  	v26 =	vadd.f32 v28, v26;
	v28 =	vadd.f32 v31, v29  }
0x18f: {  	v29 =	vadd.f32 v32, v30;
	v32 =	vadd.f32 v37, v42;
	v42 =	vmul.f32 v39, v39;
	v39 =	vld [tilespmem:$0x1FF50]  }
0x190: {  	v31 =	vmul.f32 v33, v33;
	v33 =	vadd.f32 v40, v38;
	v40 =	vld [tilespmem:$0x1FF80];
	_ =	sdelay $0x1  }
0x191: {  	v35 =	vmul.f32 v35, v35;
	_ =	sdelay $0x1  }
0x192: {  	v30 =	vadd.f32 v35, v34;
	v34 =	vadd.f32 v42, v36;
	v42 =	vld [tilespmem:$0x1FF60]  }
0x193: {  	v32 =	vadd.f32 v33, v32;
	v33 =	vadd.f32 v40, v39;
	v40 =	vld [tilespmem:$0x1FF90];
	_ =	sdelay $0x1  }
0x194: {  	v37 =	vld [tilespmem:$0x1FFA0]  }
0x195: {  	v38 =	vld [tilespmem:$0x1FFD0];
	_ =	sdelay $0x1  }
0x196: {  	v35 =	vadd.f32 v40, v42;
	v42 =	vld [tilespmem:$0x1FF40]  }
0x197: {  	v40 =	vld [tilespmem:$0x1FF70];
	_ =	sdelay $0x1  }
0x198: {  	v27 =	vadd.f32 v31, v27;
	v31 =	vadd.f32 v37, v38  }
0x199: {  	vm0 =	vmmov $0x3f  }
0x19a: {  	v31 =	vnsel vm0, $0x0, v31  }
0x19b: {  	v31 =	vadd.f32 v31, v32;
	v32 =	vadd.f32 v42, v40;
	v42 =	vld [tilespmem:$0x1FEF0]  }
0x19c: {  	v40 =	vld [tilespmem:$0x1FF20];
	_ =	sdelay $0x4  }
0x19d: {  	v33 =	vadd.f32 v35, v33;
	v35 =	vadd.f32 v40, v42;
	v42 =	vld [tilespmem:$0x1FF00]  }
0x19e: {  	v40 =	vld [tilespmem:$0x1FF30];
	_ =	sdelay $0x4  }
0x19f: {  	v36 =	vadd.f32 v40, v42;
	v42 =	vld [tilespmem:$0x1FEE0]  }
0x1a0: {  	v40 =	vld [tilespmem:$0x1FF10];
	_ =	sdelay $0x3  }
0x1a1: {  	v39 =	vld [tilespmem:$0x1FEA0]  }
0x1a2: {  	v37 =	vadd.f32 v42, v40;
	v40 =	vld [tilespmem:$0x1FED0];
	_ =	sdelay $0x1  }
0x1a3: {  	v38 =	vld [tilespmem:$0x1FE90]  }
0x1a4: {  	v35 =	vadd.f32 v36, v35;
	v36 =	vld [tilespmem:$0x1FE80]  }
0x1a5: {  	v42 =	vld [tilespmem:$0x1FEC0]  }
0x1a6: {  	v39 =	vadd.f32 v40, v39;
	v40 =	vld [tilespmem:$0x1FEB0];
	_ =	sdelay $0x3  }
0x1a7: {  	v38 =	vadd.f32 v42, v38  }
0x1a8: {  	v36 =	vadd.f32 v36, v40  }
0x1a9: {  	v32 =	vnsel vm0, $0x0, v32;
	v38 =	vadd.f32 v39, v38  }
0x1aa: {  	v32 =	vadd.f32 v32, v33;
	v37 =	vnsel vm0, $0x0, v37;
	v42 =	vld [tilespmem:$0x1FE30];
	v40 =	vnsel vm0, $0x0, v36  }
0x1ab: {  	v33 =	vadd.f32 v37, v35;
	v35 =	vadd.f32 v40, v38;
	v40 =	vld [tilespmem:$0x1FE60];
	_ =	sdelay $0x4  }
0x1ac: {  	v36 =	vadd.f32 v40, v42;
	v42 =	vld [tilespmem:$0x1FE40]  }
0x1ad: {  	v40 =	vld [tilespmem:$0x1FE70];
	_ =	sdelay $0x3  }
0x1ae: {  	v39 =	vld [tilespmem:$0x1FDE0]  }
0x1af: {  	v37 =	vadd.f32 v40, v42;
	v40 =	vld [tilespmem:$0x1FE00];
	_ =	sdelay $0x4  }
0x1b0: {  	v39 =	vadd.f32 v40, v39;
	v40 =	vld [tilespmem:$0x1FE10];
	_ =	sdelay $0x3  }
0x1b1: {  	v36 =	vadd.f32 v37, v36;
	v37 =	vld [tilespmem:$0x1FDD0]  }
0x1b2: {  	v40 =	vadd.f32 v40, v41;
	v41 =	vld [tilespmem:$0x1FDF0];
	_ =	sdelay $0x1  }
0x1b3: {  	v38 =	vld [tilespmem:$0x1FE20]  }
0x1b4: {  	v42 =	vld [tilespmem:$0x1FE50]  }
0x1b5: {  	v39 =	vadd.f32 v40, v39;
	v40 =	vld [tilespmem:$0x1FD80]  }
0x1b6: {  	v37 =	vadd.f32 v37, v41;
	v41 =	vld [tilespmem:$0x1FDB0];
	_ =	sdelay $0x1  }
0x1b7: {  	v52 =	vadd.f32 v52, v49;
	v53 =	vadd.f32 v53, v51  }
0x1b8: {  	v49 =	vadd.f32 v48, v50;
	v55 =	vadd.f32 v58, v55  }
0x1b9: {  	v58 =	vadd.f32 v59, v57;
	v38 =	vadd.f32 v38, v42;
	v42 =	vld [tilespmem:$0x1FDC0]  }
0x1ba: {  	v0 =	vadd.f32 v0, v61;
	v40 =	vadd.f32 v41, v40;
	v41 =	vld [tilespmem:$0x1FD90]  }
0x1bb: {  	v1 =	vadd.f32 v1, v63;
	v59 =	vadd.f32 v54, v56  }
0x1bc: {  	v60 =	vadd.f32 v60, v62;
	v61 =	vadd.f32 v6, v4  }
0x1bd: {  	v62 =	vadd.f32 v7, v5;
	v2 =	vadd.f32 v2, v3  }
0x1be: {  	v10 =	vadd.f32 v12, v10;
	v12 =	vadd.f32 v13, v11;
	v38 =	vnsel vm0, $0x0, v38  }
0x1bf: {  	v36 =	vadd.f32 v38, v36;
	v38 =	vld [tilespmem:$0x1FD70];
	v37 =	vnsel vm0, $0x0, v37;
	v41 =	vadd.f32 v42, v41  }
0x1c0: {  	v13 =	vadd.f32 v8, v9;
	v37 =	vadd.f32 v37, v39;
	v42 =	vld [tilespmem:$0x1FDA0]  }
0x1c1: {  	v39 =	vadd.f32 v41, v40;
	v41 =	vadd.f32 v47, v45;
	v47 =	vld [tilespmem:$0x1FD60]  }
0x1c2: {  	v18 =	vadd.f32 v18, v15;
	v50 =	vadd.f32 v53, v52  }
0x1c3: {  	v52 =	vnsel vm0, $0x0, v49;
	v0 =	vadd.f32 v1, v0;
	v1 =	vadd.f32 v62, v61  }
0x1c4: {  	v3 =	vadd.f32 v12, v10;
	v53 =	vadd.f32 v52, v50;
	(xrf2) =	vadd.scan.msk.f32 $0xffff, v31  }
0x1c5: {  	v7 =	vnsel vm0, $0x0, v60;
	(xrf2) =	vadd.scan.msk.f32 $0xffff, v32;
	v40 =	vadd.f32 v46, v43;
	v38 =	vadd.f32 v38, v42  }
0x1c6: {  	v2 =	vnsel vm0, $0x0, v2;
	v0 =	vadd.f32 v7, v0;
	(xrf2) =	vadd.scan.msk.f32 $0xffff, v33;
	v42 =	vadd.f32 v47, v44  }
0x1c7: {  	v1 =	vadd.f32 v2, v1;
	(xrf2) =	vadd.scan.msk.f32 $0xffff, v35;
	v40 =	vadd.f32 v41, v40;
	v38 =	vnsel vm0, $0x0, v38  }
0x1c8: {  	v31 =	vadd.f32 v19, v16;
	(xrf2) =	vadd.scan.msk.f32 $0xffff, v36;
	v38 =	vadd.f32 v38, v39;
	v51 =	vnsel vm0, $0x0, v42  }
0x1c9: {  	(xrf2) =	vadd.scan.msk.f32 $0xffff, v37;
	v41 =	vadd.f32 v58, v55;
	v39 =	vadd.f32 v51, v40  }
0x1ca: {  	v63 =	vnsel vm0, $0x0, v59;
	v32 =	vadd.f32 v14, v17;
	v33 =	vadd.f32 v24, v21;
	(xrf2) =	vadd.scan.msk.f32 $0xffff, v38  }
0x1cb: {  	v2 =	vnsel vm0, $0x0, v13;
	v35 =	vadd.f32 v25, v23;
	v5 =	vadd.f32 v63, v41;
	(xrf2) =	vadd.scan.msk.f32 $0xffff, v39  }
0x1cc: {  	vm1 =	vmmov $0x1;
	v2 =	vadd.f32 v2, v3;
	v4 =	vadd.f32 v31, v18;
	(xrf2) =	vadd.scan.msk.f32 $0xffff, v53  }
0x1cd: {  	v7 =	vnsel vm0, $0x0, v32;
	v8 =	vadd.f32 v35, v33;
	v36 =	vadd.f32 v20, v22;
	(xrf2) =	vadd.scan.msk.f32 $0xffff, v5  }
0x1ce: {  	vm15 =	vmmov $0x3;
	v37 =	vadd.f32 v7, v4;
	v45 =	vadd.f32 v34, v29;
	v38, _, _ =	vpop (xrf2);
	(xrf2) =	vadd.scan.msk.f32 $0xffff, v0  }
0x1cf: {  	v41 =	vadd.f32 v27, v28;
	v47 =	vadd.f32 v26, v30;
	v39 =	vnsel vm0, $0x0, v36;
	v42, _, _ =	vpop (xrf2);
	(xrf2) =	vadd.scan.msk.f32 $0xffff, v1  }
0x1d0: {  	v40 =	vadd.f32 v39, v8;
	v43 =	vbroadcast v38, $0xF;
	v44 =	vbroadcast v42, $0xF;
	v46, _, _ =	vpop (xrf2);
	(xrf2) =	vadd.scan.msk.f32 $0xffff, v2  }
0x1d1: {  	vm4 =	vmmov $0x7;
	v48 =	vadd.f32 v45, v41;
	v7 =	vbroadcast v46, $0xF;
	v49, _, _ =	vpop (xrf2);
	(xrf2) =	vadd.scan.msk.f32 $0xffff, v37  }
0x1d2: {  	v1 =	vsel vm1, v43, v44;
	v50, _, _ =	vpop (xrf2);
	v4 =	vbroadcast v49, $0xF;
	v2 =	vnsel vm0, $0x0, v47;
	(xrf2) =	vadd.scan.msk.f32 $0xffff, v40  }
0x1d3: {  	v1 =	vsel vm15, v1, v7;
	v51, _, _ =	vpop (xrf2);
	v0 =	vbroadcast v50, $0xF;
	v2 =	vadd.f32 v2, v48  }
0x1d4: {  	vm5 =	vmmov $0xf;
	v1 =	vsel vm4, v1, v4;
	v3 =	vbroadcast v51, $0xF;
	v52, _, _ =	vpop (xrf2)  }
0x1d5: {  	vm6 =	vmmov $0x1f;
	v0 =	vsel vm5, v1, v0;
	(xrf2) =	vadd.scan.msk.f32 $0xffff, v2;
	v54 =	vbroadcast v52, $0xF;
	v53, _, _ =	vpop (xrf2)  }
0x1d6: {  	v0 =	vsel vm6, v0, v3;
	v55, _, _ =	vpop (xrf2);
	v1 =	vbroadcast v53, $0xF  }
0x1d7: {  	vm7 =	vmmov $0x7f;
	v0 =	vsel vm0, v0, v54;
	v56, _, _ =	vpop (xrf2);
	v3 =	vbroadcast v55, $0xF  }
0x1d8: {  	vm8 =	vmmov $0xff;
	v0 =	vsel vm7, v0, v1;
	v57, _, _ =	vpop (xrf2);
	v2 =	vbroadcast v56, $0xF  }
0x1d9: {  	vm9 =	vmmov $0x1ff;
	v0 =	vsel vm8, v0, v3;
	v58, _, _ =	vpop (xrf2);
	v1 =	vbroadcast v57, $0xF  }
0x1da: {  	vm10 =	vmmov $0x3ff;
	v0 =	vsel vm9, v0, v2;
	v59, _, _ =	vpop (xrf2);
	v3 =	vbroadcast v58, $0xF  }
0x1db: {  	vm11 =	vmmov $0x7ff;
	v0 =	vsel vm10, v0, v1;
	v60, _, _ =	vpop (xrf2);
	v2 =	vbroadcast v59, $0xF  }
0x1dc: {  	vm12 =	vmmov $0xfff;
	v0 =	vsel vm11, v0, v3;
	v61, _, _ =	vpop (xrf2);
	v1 =	vbroadcast v60, $0xF  }
0x1dd: {  	vm13 =	vmmov $0x1fff;
	v0 =	vsel vm12, v0, v2;
	v62 =	vbroadcast v61, $0xF  }
0x1de: {  	vm14 =	vmmov $0x3fff;
	v0 =	vsel vm13, v0, v1  }
0x1df: {  	s9 =	sadd.s32 $0x1, s9;
	vm15 =	vmmov $0x7fff;
	v63, _, _ =	vpop (xrf2);
	v0 =	vsel vm14, v0, v62  }
0x1e0: {  	p0 =	sne.s32 s9, s20;
	v0 =	vsel vm15, v0, v63  }
.Ltmp16:
0x1e1: {  	s10 =	simm.s32 $0x0;
	s11 =	simm.s32 $0x18000;
	[tilespmem:$0x18000] =	vst v0;
	(pc) =	sbr.rel @p0 .LBB2_1-.Ltmp16, $4  }
0x1e2: {  	[hbm4b:s19+s10] =	stream.linear.scatter [tilespmem:s11], [sflag:$0x11], $0x80, $0x38;
	[tilespmem:$0x18080] =	vst v63  }
0x1e3: {  	_ =	swait.ge [sflag:s8], $0x80  }
0x1e4: {  	[sflag:s8] =	ssyncset.done $0x0  }
0x1e5: {  	[sflag:s8] =	ssyncadd.s32 $0xFFFFFF80  }
0x1e6: {  	_ =	sfence.sel $0x180000  }
0x1e7: {  	[bflag:$0x0] =	sbarrier.arrive $0xFFFF  }
0x1e8: {  	_ =	strace $0x90000047  }
0x1e9: {  	s0 =	stileid.u32;
	[bflag:$0x2] =	sbarrier.arrive $0xFFFF  }
0x1ea: {  	p0 =	sne.s32 s0, $0x0;
	s0 =	rddreg [dreg:$0x2]  }
0x1eb: {  	s0 =	sadd.s32 @!p0 $0x100000, s0  }
0x1ec: {  	[sflag:s0] =	ssyncadd.tile.s32 @!p0 $0x1;
	_ =	shalt  }
.Lfunc_end2:
_tile_overlayer_lowered:
.L_overlay_start_2:
0x1ed: {  	(tag) =	ssettag $0x2  }
0x1ee: {  	s0 =	rddreg [dreg:$0x0];
	s2 =	stileid.u32  }
0x1ef: {  	s1 =	rddreg [dreg:$0x1];
	p0 =	sne.s32 s2, $0x0  }
0x1f0: {  	s3 =	rddreg [dreg:$0x2];
	[bflag:$0x3] =	sbarrier.arrive $0xFFFF;
	s2 =	simm.s32 @!p0 $0x1C11  }
0x1f1: {  	[timem:s3], [sflag:s2] =	dma.local @!p0 [hbm:s0], s1  }
0x1f2: {  	s0 =	simm.s32 @!p0 $0x11  }
0x1f3: {  	_ =	swait.ge @!p0 [sflag:s0], s1  }
0x1f4: {  	s1 =	ssub.s32 @!p0 $0x0, s1;
	[sflag:s0] =	ssyncset.done @!p0 $0x0  }
0x1f5: {  	[sflag:s0] =	ssyncadd.s32 @!p0 s1  }
0x1f6: {  	[bflag:$0x3] =	sbarrier.arrive $0xFFFF  }
0x1f7: {  	_ =	shalt  }

</sc_bundles>
